<compile_context>
chip_gen: v7x
topology: tpu7x:2x2x1
jax: 0.10.2.dev20260603
libtpu: 0.0.44.dev20260713+nightly
codegen_flags: <defaults>
</compile_context>

<pallas_src>
import jax
import jax.numpy as jnp
from jax.experimental import pallas as pl
from jax.experimental.pallas import tpu as pltpu
from jax.experimental.pallas import tpu_sc as plsc

D = 1024
DH = 512
FF = 512
E = 8
TILE = 256
SC_W = 128


def _dot_t(a, b):
    return jax.lax.dot_general(
        a.astype(jnp.bfloat16), b.astype(jnp.bfloat16),
        (((1,), (1,)), ((), ())), preferred_element_type=jnp.float32)


def _swiglu(xb, w1, w3, w2):
    h = jax.nn.silu(_dot_t(xb, w1)) * _dot_t(xb, w3)
    return _dot_t(h, w2)


def _grouped_body(te_ref, nu_ref, xa_ref, xb_ref, r1_ref, r3_ref, r2_ref,
                  ya_ref, yb_ref):
    i = pl.program_id(0)

    @pl.when(i < nu_ref[0])
    def _():
        xb = jnp.concatenate([xa_ref[...], xb_ref[...]], axis=-1)
        y = _swiglu(xb, r1_ref[0], r3_ref[0], r2_ref[0]).astype(jnp.bfloat16)
        ya_ref[...] = y[:, :DH]
        yb_ref[...] = y[:, DH:]


def _shared_body(x_ref, s1_ref, s3_ref, s2_ref, o_ref):
    o_ref[...] = _swiglu(x_ref[...], s1_ref[0], s3_ref[0], s2_ref[0])


def _combine_body(ys_ref, y1a_ref, y1b_ref, y2a_ref, y2b_ref,
                  w1_ref, w2_ref, o_ref):
    y1 = jnp.concatenate([y1a_ref[...], y1b_ref[...]], axis=-1)
    y2 = jnp.concatenate([y2a_ref[...], y2b_ref[...]], axis=-1)
    o_ref[...] = (ys_ref[...]
                  + w1_ref[0] * y1.astype(jnp.float32)
                  + w2_ref[0] * y2.astype(jnp.float32)) * (1.0 / 3.0)


def _pack_i32(a):
    n, c = a.shape
    return jax.lax.bitcast_convert_type(a.reshape(n, c // 2, 2), jnp.int32)


def _unpack_bf16(a):
    n, c = a.shape
    return jax.lax.bitcast_convert_type(a, jnp.bfloat16).reshape(n, 2 * c)


def _sc_scatter_half(x_half, idx, npad):
    T, dq = x_half.shape
    t2 = idx.shape[1]
    mesh = plsc.VectorSubcoreMesh(core_axis_name="c", subcore_axis_name="s")

    @pl.kernel(out_type=jax.ShapeDtypeStruct((npad, dq), jnp.int32),
               mesh=mesh)
    def k(x_hbm, i_hbm, o_hbm):
        def body(x_vmem, i_vmem):
            pltpu.sync_copy(x_vmem, o_hbm.at[i_vmem.at[0]])

        pltpu.emit_pipeline(
            body,
            grid=(t2 // SC_W,),
            in_specs=[
                pl.BlockSpec((SC_W, dq), lambda i: (i % (T // SC_W), 0)),
                pl.BlockSpec((1, SC_W), lambda i: (0, i)),
            ],
            out_specs=[],
            core_axis_name="s",
            dimension_semantics=(pltpu.PARALLEL,),
        )(x_hbm, i_hbm)

    return k(x_half, idx)


def _sc_gather_half(ys_half, idx):
    dq = ys_half.shape[1]
    t2 = idx.shape[1]
    mesh = plsc.VectorSubcoreMesh(core_axis_name="c", subcore_axis_name="s")

    @pl.kernel(out_type=jax.ShapeDtypeStruct((t2, dq), jnp.int32),
               mesh=mesh)
    def k(ys_hbm, i_hbm, o_hbm):
        def body(i_vmem, o_vmem):
            pltpu.sync_copy(ys_hbm.at[i_vmem.at[0]], o_vmem)

        pltpu.emit_pipeline(
            body,
            grid=(t2 // SC_W,),
            in_specs=[pl.BlockSpec((1, SC_W), lambda i: (0, i))],
            out_specs=[pl.BlockSpec((SC_W, dq), lambda i: (i, 0))],
            core_axis_name="s",
            dimension_semantics=(pltpu.PARALLEL,),
        )(i_hbm, o_hbm)

    return k(ys_half, idx)


def kernel(x, Wg, Ws1, Ws2, Ws3, Wr1, Wr2, Wr3):
    bs, seq_len, d = x.shape
    x_flat = x.reshape(-1, d)
    T = x_flat.shape[0]
    npad = 2 * T + E * TILE
    ntiles = npad // TILE

    gates = jax.nn.sigmoid(x_flat @ Wg.T)
    top_k_vals, top_k_indices = jax.lax.top_k(gates, 2)
    top_k_vals = top_k_vals / jnp.sum(top_k_vals, axis=-1, keepdims=True)

    m = (jax.nn.one_hot(top_k_indices[:, 0], E, dtype=jnp.int32)
         + jax.nn.one_hot(top_k_indices[:, 1], E, dtype=jnp.int32))
    pos = jnp.cumsum(m, axis=0) - m
    counts = jnp.sum(m, axis=0)
    padded = ((counts + TILE - 1) // TILE) * TILE
    seg_end = jnp.cumsum(padded)
    off = seg_end - padded
    pos_k = jnp.take_along_axis(pos, top_k_indices, axis=1)
    slots = off[top_k_indices] + pos_k
    slots_flat = jnp.concatenate([slots[:, 0], slots[:, 1]]).astype(jnp.int32)
    idx2 = slots_flat.reshape(1, 2 * T)
    tile_starts = jnp.arange(ntiles, dtype=jnp.int32) * TILE
    tile_expert = jnp.minimum(
        jnp.searchsorted(seg_end, tile_starts, side="right"), E - 1
    ).astype(jnp.int32)
    n_used = ((seg_end[-1] + TILE - 1) // TILE).astype(jnp.int32).reshape(1)

    x_bf = x_flat.astype(jnp.bfloat16)
    xp_a = _pack_i32(x_bf[:, :DH])
    xp_b = _pack_i32(x_bf[:, DH:])
    xs_a = _unpack_bf16(_sc_scatter_half(xp_a, idx2, npad))
    xs_b = _unpack_bf16(_sc_scatter_half(xp_b, idx2, npad))

    TT = 1024
    NT = T // TT
    y_shared = pl.pallas_call(
        _shared_body,
        grid=(NT,),
        in_specs=[
            pl.BlockSpec((TT, D), lambda t: (t, 0)),
            pl.BlockSpec((1, FF, D), lambda t: (0, 0, 0)),
            pl.BlockSpec((1, FF, D), lambda t: (0, 0, 0)),
            pl.BlockSpec((1, D, FF), lambda t: (0, 0, 0)),
        ],
        out_specs=pl.BlockSpec((TT, D), lambda t: (t, 0)),
        out_shape=jax.ShapeDtypeStruct((T, D), jnp.float32),
    )(x_flat, Ws1, Ws3, Ws2)

    grid_spec = pltpu.PrefetchScalarGridSpec(
        num_scalar_prefetch=2,
        grid=(ntiles,),
        in_specs=[
            pl.BlockSpec((TILE, DH), lambda i, te, nu: (i, 0)),
            pl.BlockSpec((TILE, DH), lambda i, te, nu: (i, 0)),
            pl.BlockSpec((1, FF, D), lambda i, te, nu: (te[i], 0, 0)),
            pl.BlockSpec((1, FF, D), lambda i, te, nu: (te[i], 0, 0)),
            pl.BlockSpec((1, D, FF), lambda i, te, nu: (te[i], 0, 0)),
        ],
        out_specs=[
            pl.BlockSpec((TILE, DH), lambda i, te, nu: (i, 0)),
            pl.BlockSpec((TILE, DH), lambda i, te, nu: (i, 0)),
        ],
    )
    ys_a, ys_b = pl.pallas_call(
        _grouped_body,
        grid_spec=grid_spec,
        out_shape=[
            jax.ShapeDtypeStruct((npad, DH), jnp.bfloat16),
            jax.ShapeDtypeStruct((npad, DH), jnp.bfloat16),
        ],
    )(tile_expert, n_used, xs_a, xs_b, Wr1, Wr3, Wr2)

    y12_a = _unpack_bf16(_sc_gather_half(_pack_i32(ys_a), idx2))
    y12_b = _unpack_bf16(_sc_gather_half(_pack_i32(ys_b), idx2))

    w1 = top_k_vals[:, 0].reshape(NT, TT, 1)
    w2 = top_k_vals[:, 1].reshape(NT, TT, 1)
    out = pl.pallas_call(
        _combine_body,
        grid=(NT,),
        in_specs=[
            pl.BlockSpec((TT, D), lambda t: (t, 0)),
            pl.BlockSpec((TT, DH), lambda t: (t, 0)),
            pl.BlockSpec((TT, DH), lambda t: (t, 0)),
            pl.BlockSpec((TT, DH), lambda t: (t + NT, 0)),
            pl.BlockSpec((TT, DH), lambda t: (t + NT, 0)),
            pl.BlockSpec((1, TT, 1), lambda t: (t, 0, 0)),
            pl.BlockSpec((1, TT, 1), lambda t: (t, 0, 0)),
        ],
        out_specs=pl.BlockSpec((TT, D), lambda t: (t, 0)),
        out_shape=jax.ShapeDtypeStruct((T, D), jnp.float32),
    )(y_shared, y12_a, y12_b, y12_a, y12_b, w1, w2)

    return out.reshape(bs, seq_len, d)

# --- scband reference (transcript-rebuilt; emitter-appended) ---
"""Pipeline reference for scband-deep-seek-mo-e-76476187673233 (READ-ONLY COPY).

The authoritative reference and input builder live on the scoring server;
editing this copy changes nothing except your own understanding.
"""

import jax, jax.numpy as jnp
import numpy as np

D_MODEL = 1024
FF_DIM = 512
NUM_SHARED = 1
NUM_ROUTED = 8
TOP_K = 2


def setup_inputs(seed: int = 0) -> dict:
    key = jax.random.key(seed)
    ks = jax.random.split(key, 9)
    x = jax.random.normal(ks[0], (1, 2048, D_MODEL), dtype=jnp.float32)
    Wg = jax.random.normal(ks[1], (NUM_ROUTED, D_MODEL), dtype=jnp.float32) * 0.02
    Ws1 = jax.random.normal(ks[2], (NUM_SHARED, FF_DIM, D_MODEL), dtype=jnp.float32) * 0.02
    Ws2 = jax.random.normal(ks[3], (NUM_SHARED, D_MODEL, FF_DIM), dtype=jnp.float32) * 0.02
    Ws3 = jax.random.normal(ks[4], (NUM_SHARED, FF_DIM, D_MODEL), dtype=jnp.float32) * 0.02
    Wr1 = jax.random.normal(ks[5], (NUM_ROUTED, FF_DIM, D_MODEL), dtype=jnp.float32) * 0.02
    Wr2 = jax.random.normal(ks[6], (NUM_ROUTED, D_MODEL, FF_DIM), dtype=jnp.float32) * 0.02
    Wr3 = jax.random.normal(ks[7], (NUM_ROUTED, FF_DIM, D_MODEL), dtype=jnp.float32) * 0.02
    return {"x": x, "Wg": Wg, "Ws1": Ws1, "Ws2": Ws2, "Ws3": Ws3, "Wr1": Wr1, "Wr2": Wr2, "Wr3": Wr3}


def _swiglu(xf, W1, W3, W2):
    return (jax.nn.silu(xf @ W1.T) * (xf @ W3.T)) @ W2.T


def reference(x, Wg, Ws1, Ws2, Ws3, Wr1, Wr2, Wr3):
    bs, seq_len, d = x.shape
    x_flat = x.reshape(-1, d)
    T = x_flat.shape[0]
    gates = jax.nn.sigmoid(x_flat @ Wg.T)  # [T, E]
    top_k_vals, top_k_indices = jax.lax.top_k(gates, TOP_K)
    top_k_vals = top_k_vals / jnp.sum(top_k_vals, axis=-1, keepdims=True)
    out = jnp.zeros_like(x_flat)
    for s in range(NUM_SHARED):
        out = out + _swiglu(x_flat, Ws1[s], Ws3[s], Ws2[s])
    # total per-expert weight = sum_k top_k_vals[:,k] * one_hot(idx[:,k])
    # (mathematically identical to the per-k scatter-mask loop in the torch code,
    #  since each routed expert output is linear in its scalar weight)
    weights = jnp.zeros((T, NUM_ROUTED), dtype=x_flat.dtype)
    for k in range(TOP_K):
        mask = jax.nn.one_hot(top_k_indices[:, k], NUM_ROUTED, dtype=x_flat.dtype)
        weights = weights + top_k_vals[:, k:k + 1] * mask
    for i in range(NUM_ROUTED):
        expert_out = _swiglu(x_flat, Wr1[i], Wr3[i], Wr2[i])
        out = out + expert_out * weights[:, i:i + 1]
    return (out / (NUM_SHARED + TOP_K)).reshape(bs, seq_len, d)

if __name__ == "__main__":
    import jax
    _d = setup_inputs()
    print(jax.jit(kernel)(*tuple(_d.values())))

</pallas_src>

<mosaic_0001>
#map = affine_map<(d0, d1) -> (0, 0)>
module attributes {stable_mosaic.version = 14 : i64} {
  func.func @k(%arg0: i32, %arg1: i32, %arg2: memref<2048x256xi32, #tpu.memory_space<hbm>>, %arg3: memref<1x4096xi32, #tpu.memory_space<hbm>>, %arg4: memref<6144x256xi32, #tpu.memory_space<hbm>>) attributes {dimension_semantics = [#tpu.dimension_semantics<core_parallel>, #tpu.dimension_semantics<subcore_parallel>], iteration_bounds = array<i64: 2, 16>, scalar_prefetch = 0 : i64, scratch_operands = 0 : i64, tpu.core_type = #tpu.core_type<sc_vector_subcore>, window_params = [{transform_indices = #map}, {transform_indices = #map}, {transform_indices = #map}]} {
    %mul3A = arith.constant 2 : i32
    %mul3A_0 = arith.muli %arg1, %mul3A : i32
    "tpu.region"() ({
      %run_scoped3A = memref.alloca() : memref<2x128x256xi32, #tpu.memory_space<vmem>>
      %run_scoped3A_1 = tpu.sem_alloc : memref<2x!tpu.dma_semaphore, #tpu.memory_space<semaphore_mem>>
      %run_scoped3A_2 = memref.alloca() : memref<2x1x128xi32, #tpu.memory_space<vmem>>
      %run_scoped3A_3 = tpu.sem_alloc : memref<2x!tpu.dma_semaphore, #tpu.memory_space<semaphore_mem>>
      %add3A = arith.constant 0 : i32
      %add3A_4 = arith.addi %add3A, %mul3A_0 : i32
      %select_n3A = arith.constant true
      %select_n3A_5 = arith.constant 0 : i32
      %select_n3A_6 = arith.constant -1 : i32
      %select_n3A_7 = arith.select %select_n3A, %select_n3A_6, %select_n3A_5 : i32
      %eq3A = arith.constant -1 : i32
      %eq3A_8 = arith.cmpi eq, %select_n3A_7, %eq3A : i32
      %select_n3A_9 = arith.constant 1 : i32
      %select_n3A_10 = arith.select %eq3A_8, %select_n3A_9, %select_n3A_7 : i32
      %add3A_11 = arith.addi %select_n3A_10, %mul3A_0 : i32
      %select_n3A_12 = arith.constant true
      %select_n3A_13 = arith.constant 0 : i32
      %select_n3A_14 = arith.constant 1 : i32
      %select_n3A_15 = arith.select %select_n3A_12, %select_n3A_14, %select_n3A_13 : i32
      %eq3A_16 = arith.constant 2 : i32
      %eq3A_17 = arith.cmpi eq, %select_n3A_15, %eq3A_16 : i32
      %select_n3A_18 = arith.constant 0 : i32
      %select_n3A_19 = arith.select %eq3A_17, %select_n3A_18, %select_n3A_15 : i32
      %add3A_20 = arith.addi %select_n3A_19, %mul3A_0 : i32
      %add3A_21 = arith.constant 1 : i32
      %add3A_22 = arith.addi %select_n3A_19, %add3A_21 : i32
      %select_n3A_23 = arith.constant true
      %select_n3A_24 = arith.select %select_n3A_23, %add3A_22, %select_n3A_19 : i32
      %eq3A_25 = arith.constant 2 : i32
      %eq3A_26 = arith.cmpi eq, %select_n3A_24, %eq3A_25 : i32
      %select_n3A_27 = arith.constant 0 : i32
      %select_n3A_28 = arith.select %eq3A_26, %select_n3A_27, %select_n3A_24 : i32
      %add3A_29 = arith.addi %select_n3A_28, %mul3A_0 : i32
      "tpu.trace_start"() <{level = 10 : i32, message = "ep_initialize_0"}> : () -> ()
      %rem3A = arith.constant 0 : i32
      %rem3A_30 = arith.constant 2 : i32
      %rem3A_31 = arith.remui %rem3A, %rem3A_30 : i32
      %jit3A = arith.constant 16 : i32
      %eq3A_32 = arith.constant 0 : i32
      %eq3A_33 = arith.cmpi eq, %jit3A, %eq3A_32 : i32
      %jit3A_34 = arith.constant 1 : i32
      %select_n3A_35 = arith.select %eq3A_33, %jit3A_34, %jit3A : i32
      %rem3A_36 = arith.remsi %add3A_4, %select_n3A_35 : i32
      %ne3A = arith.constant 0 : i32
      %ne3A_37 = arith.cmpi ne, %rem3A_36, %ne3A : i32
      %lt3A = arith.constant 0 : i32
      %lt3A_38 = arith.cmpi slt, %rem3A_36, %lt3A : i32
      %lt3A_39 = arith.constant 0 : i32
      %lt3A_40 = arith.cmpi slt, %select_n3A_35, %lt3A_39 : i32
      %ne3A_41 = arith.xori %lt3A_38, %lt3A_40 : i1
      %and3A = arith.andi %ne3A_41, %ne3A_37 : i1
      %add3A_42 = arith.addi %rem3A_36, %select_n3A_35 : i32
      %select_n3A_43 = arith.select %and3A, %add3A_42, %rem3A_36 : i32
      %mul3A_44 = arith.constant 128 : i32
      %mul3A_45 = arith.muli %mul3A_44, %select_n3A_43 : i32
      %dma_start3A = arith.constant 0 : i32
      %dma_start3A_46 = arith.constant 0 : i32
      %dma_start3A_47 = tpu.memref_slice %run_scoped3A[%rem3A_31, %dma_start3A, %dma_start3A_46] : memref<2x128x256xi32, #tpu.memory_space<vmem>> -> memref<1x128x256xi32, #tpu.memory_space<vmem>>
      %dma_start3A_48 = tpu.memref_squeeze %dma_start3A_47 : memref<1x128x256xi32, #tpu.memory_space<vmem>> -> memref<128x256xi32, #tpu.memory_space<vmem>>
      %dma_start3A_49 = arith.constant 0 : i32
      %dma_start3A_50 = tpu.memref_slice %arg2[%mul3A_45, %dma_start3A_49] : memref<2048x256xi32, #tpu.memory_space<hbm>> -> memref<128x256xi32, #tpu.memory_space<hbm>>
      %dma_start3A_51 = tpu.memref_slice %run_scoped3A_1[%rem3A_31] : memref<2x!tpu.dma_semaphore, #tpu.memory_space<semaphore_mem>> -> memref<1x!tpu.dma_semaphore, #tpu.memory_space<semaphore_mem>>
      %dma_start3A_52 = tpu.memref_squeeze %dma_start3A_51 : memref<1x!tpu.dma_semaphore, #tpu.memory_space<semaphore_mem>> -> memref<!tpu.dma_semaphore, #tpu.memory_space<semaphore_mem>>
      %dma_start3A_53 = arith.constant 0 : i32
      %dma_start3A_54 = arith.constant 0 : i32
      %dma_start3A_55 = tpu.memref_slice %run_scoped3A[%rem3A_31, %dma_start3A_53, %dma_start3A_54] : memref<2x128x256xi32, #tpu.memory_space<vmem>> -> memref<1x128x256xi32, #tpu.memory_space<vmem>>
      %dma_start3A_56 = tpu.memref_squeeze %dma_start3A_55 : memref<1x128x256xi32, #tpu.memory_space<vmem>> -> memref<128x256xi32, #tpu.memory_space<vmem>>
      %dma_start3A_57 = arith.constant 0 : i32
      %dma_start3A_58 = tpu.memref_slice %arg2[%mul3A_45, %dma_start3A_57] : memref<2048x256xi32, #tpu.memory_space<hbm>> -> memref<128x256xi32, #tpu.memory_space<hbm>>
      tpu.enqueue_dma source(%dma_start3A_58 : memref<128x256xi32, #tpu.memory_space<hbm>>) target(%dma_start3A_56 : memref<128x256xi32, #tpu.memory_space<vmem>>) target_semaphore(%dma_start3A_52 : memref<!tpu.dma_semaphore, #tpu.memory_space<semaphore_mem>>)
      %add3A_59 = arith.constant 0 : i32
      %add3A_60 = arith.constant 1 : i32
      %add3A_61 = arith.addi %add3A_59, %add3A_60 : i32
      %select_n3A_62 = arith.constant true
      %select_n3A_63 = arith.constant 0 : i32
      %select_n3A_64 = arith.select %select_n3A_62, %add3A_61, %select_n3A_63 : i32
      %rem3A_65 = arith.constant 0 : i32
      %rem3A_66 = arith.constant 2 : i32
      %rem3A_67 = arith.remui %rem3A_65, %rem3A_66 : i32
      %mul3A_68 = arith.constant 128 : i32
      %mul3A_69 = arith.muli %mul3A_68, %add3A_4 : i32
      %dma_start3A_70 = arith.constant 0 : i32
      %dma_start3A_71 = arith.constant 0 : i32
      %dma_start3A_72 = tpu.memref_slice %run_scoped3A_2[%rem3A_67, %dma_start3A_70, %dma_start3A_71] : memref<2x1x128xi32, #tpu.memory_space<vmem>> -> memref<1x1x128xi32, #tpu.memory_space<vmem>>
      %dma_start3A_73 = tpu.memref_squeeze %dma_start3A_72 : memref<1x1x128xi32, #tpu.memory_space<vmem>> -> memref<1x128xi32, #tpu.memory_space<vmem>>
      %dma_start3A_74 = arith.constant 0 : i32
      %dma_start3A_75 = tpu.memref_slice %arg3[%dma_start3A_74, %mul3A_69] : memref<1x4096xi32, #tpu.memory_space<hbm>> -> memref<1x128xi32, #tpu.memory_space<hbm>>
      %dma_start3A_76 = tpu.memref_slice %run_scoped3A_3[%rem3A_67] : memref<2x!tpu.dma_semaphore, #tpu.memory_space<semaphore_mem>> -> memref<1x!tpu.dma_semaphore, #tpu.memory_space<semaphore_mem>>
      %dma_start3A_77 = tpu.memref_squeeze %dma_start3A_76 : memref<1x!tpu.dma_semaphore, #tpu.memory_space<semaphore_mem>> -> memref<!tpu.dma_semaphore, #tpu.memory_space<semaphore_mem>>
      %dma_start3A_78 = arith.constant 0 : i32
      %dma_start3A_79 = arith.constant 0 : i32
      %dma_start3A_80 = tpu.memref_slice %run_scoped3A_2[%rem3A_67, %dma_start3A_78, %dma_start3A_79] : memref<2x1x128xi32, #tpu.memory_space<vmem>> -> memref<1x1x128xi32, #tpu.memory_space<vmem>>
      %dma_start3A_81 = tpu.memref_squeeze %dma_start3A_80 : memref<1x1x128xi32, #tpu.memory_space<vmem>> -> memref<1x128xi32, #tpu.memory_space<vmem>>
      %dma_start3A_82 = arith.constant 0 : i32
      %dma_start3A_83 = tpu.memref_slice %arg3[%dma_start3A_82, %mul3A_69] : memref<1x4096xi32, #tpu.memory_space<hbm>> -> memref<1x128xi32, #tpu.memory_space<hbm>>
      tpu.enqueue_dma source(%dma_start3A_83 : memref<1x128xi32, #tpu.memory_space<hbm>>) target(%dma_start3A_81 : memref<1x128xi32, #tpu.memory_space<vmem>>) target_semaphore(%dma_start3A_77 : memref<!tpu.dma_semaphore, #tpu.memory_space<semaphore_mem>>)
      %add3A_84 = arith.constant 0 : i32
      %add3A_85 = arith.constant 1 : i32
      %add3A_86 = arith.addi %add3A_84, %add3A_85 : i32
      %select_n3A_87 = arith.constant true
      %select_n3A_88 = arith.constant 0 : i32
      %select_n3A_89 = arith.select %select_n3A_87, %add3A_86, %select_n3A_88 : i32
      "tpu.trace_stop"() : () -> ()
      %scan3A = arith.constant 0 : i32
      %scan3A_90 = arith.constant 0 : i32
      %scan3A_91 = arith.constant 0 : i32
      %scan3A_92 = arith.constant 0 : i32
      %scan3A_93 = arith.constant 2 : i32
      %scan3A_94 = arith.addi %scan3A_92, %scan3A_93 : i32
      %scan3A_95 = arith.constant 1 : i32
      %scan3A_96:5 = scf.for %scan3A_133 = %scan3A_92 to %scan3A_94 step %scan3A_95 iter_args(%scan3A_134 = %select_n3A_64, %scan3A_135 = %scan3A, %scan3A_136 = %select_n3A_89, %scan3A_137 = %scan3A_90, %scan3A_138 = %scan3A_91) -> (i32, i32, i32, i32, i32)  : i32 {
        %eq3A_139 = arith.constant 0 : i32
        %eq3A_140 = arith.cmpi eq, %scan3A_133, %eq3A_139 : i32
        %eq3A_141 = arith.constant 1 : i32
        %eq3A_142 = arith.cmpi eq, %scan3A_133, %eq3A_141 : i32
        %add3A_143 = arith.addi %scan3A_138, %mul3A_0 : i32
        %sub3A_144 = arith.constant 1 : i32
        %sub3A_145 = arith.subi %scan3A_138, %sub3A_144 : i32
        %select_n3A_146 = arith.constant true
        %select_n3A_147 = arith.select %select_n3A_146, %sub3A_145, %scan3A_138 : i32
        %eq3A_148 = arith.constant -1 : i32
        %eq3A_149 = arith.cmpi eq, %select_n3A_147, %eq3A_148 : i32
        %select_n3A_150 = arith.constant 1 : i32
        %select_n3A_151 = arith.select %eq3A_149, %select_n3A_150, %select_n3A_147 : i32
        %add3A_152 = arith.addi %select_n3A_151, %mul3A_0 : i32
        %add3A_153 = arith.constant 1 : i32
        %add3A_154 = arith.addi %scan3A_138, %add3A_153 : i32
        %select_n3A_155 = arith.constant true
        %select_n3A_156 = arith.select %select_n3A_155, %add3A_154, %scan3A_138 : i32
        %eq3A_157 = arith.constant 2 : i32
        %eq3A_158 = arith.cmpi eq, %select_n3A_156, %eq3A_157 : i32
        %select_n3A_159 = arith.constant 0 : i32
        %select_n3A_160 = arith.select %eq3A_158, %select_n3A_159, %select_n3A_156 : i32
        %add3A_161 = arith.addi %select_n3A_160, %mul3A_0 : i32
        %add3A_162 = arith.constant 1 : i32
        %add3A_163 = arith.addi %select_n3A_160, %add3A_162 : i32
        %select_n3A_164 = arith.constant true
        %select_n3A_165 = arith.select %select_n3A_164, %add3A_163, %select_n3A_160 : i32
        %eq3A_166 = arith.constant 2 : i32
        %eq3A_167 = arith.cmpi eq, %select_n3A_165, %eq3A_166 : i32
        %select_n3A_168 = arith.constant 0 : i32
        %select_n3A_169 = arith.select %eq3A_167, %select_n3A_168, %select_n3A_165 : i32
        %add3A_170 = arith.addi %select_n3A_169, %mul3A_0 : i32
        %jit3A_171 = arith.constant 16 : i32
        %eq3A_172 = arith.constant 0 : i32
        %eq3A_173 = arith.cmpi eq, %jit3A_171, %eq3A_172 : i32
        %jit3A_174 = arith.constant 1 : i32
        %select_n3A_175 = arith.select %eq3A_173, %jit3A_174, %jit3A_171 : i32
        %rem3A_176 = arith.remsi %add3A_143, %select_n3A_175 : i32
        %ne3A_177 = arith.constant 0 : i32
        %ne3A_178 = arith.cmpi ne, %rem3A_176, %ne3A_177 : i32
        %lt3A_179 = arith.constant 0 : i32
        %lt3A_180 = arith.cmpi slt, %rem3A_176, %lt3A_179 : i32
        %lt3A_181 = arith.constant 0 : i32
        %lt3A_182 = arith.cmpi slt, %select_n3A_175, %lt3A_181 : i32
        %ne3A_183 = arith.xori %lt3A_180, %lt3A_182 : i1
        %and3A_184 = arith.andi %ne3A_183, %ne3A_178 : i1
        %add3A_185 = arith.addi %rem3A_176, %select_n3A_175 : i32
        %select_n3A_186 = arith.select %and3A_184, %add3A_185, %rem3A_176 : i32
        %jit3A_187 = arith.constant 16 : i32
        %eq3A_188 = arith.constant 0 : i32
        %eq3A_189 = arith.cmpi eq, %jit3A_187, %eq3A_188 : i32
        %jit3A_190 = arith.constant 1 : i32
        %select_n3A_191 = arith.select %eq3A_189, %jit3A_190, %jit3A_187 : i32
        %rem3A_192 = arith.remsi %add3A_161, %select_n3A_191 : i32
        %ne3A_193 = arith.constant 0 : i32
        %ne3A_194 = arith.cmpi ne, %rem3A_192, %ne3A_193 : i32
        %lt3A_195 = arith.constant 0 : i32
        %lt3A_196 = arith.cmpi slt, %rem3A_192, %lt3A_195 : i32
        %lt3A_197 = arith.constant 0 : i32
        %lt3A_198 = arith.cmpi slt, %select_n3A_191, %lt3A_197 : i32
        %ne3A_199 = arith.xori %lt3A_196, %lt3A_198 : i1
        %and3A_200 = arith.andi %ne3A_199, %ne3A_194 : i1
        %add3A_201 = arith.addi %rem3A_192, %select_n3A_191 : i32
        %select_n3A_202 = arith.select %and3A_200, %add3A_201, %rem3A_192 : i32
        %ne3A_203 = arith.cmpi ne, %select_n3A_186, %select_n3A_202 : i32
        %or3A = arith.constant false
        %or3A_204 = arith.ori %or3A, %ne3A_203 : i1
        %or3A_205 = arith.constant false
        %or3A_206 = arith.ori %or3A_204, %or3A_205 : i1
        %ge3A = arith.constant 1 : i32
        %ge3A_207 = arith.cmpi sge, %scan3A_133, %ge3A : i32
        %not3A = arith.constant true
        %not3A_208 = arith.xori %ge3A_207, %not3A : i1
        %and3A_209 = arith.andi %or3A_206, %not3A_208 : i1
        %convert_element_type3A = arith.extui %and3A_209 : i1 to i32
        %cond3A = arith.constant 0 : i32
        %cond3A_210 = arith.cmpi ne, %convert_element_type3A, %cond3A : i32
        scf.if %cond3A_210 {
          "tpu.trace_start"() <{level = 10 : i32, message = "ep_copy_in"}> : () -> ()
          %rem3A_449 = arith.constant 2 : i32
          %rem3A_450 = arith.remui %scan3A_134, %rem3A_449 : i32
          %jit3A_451 = arith.constant 16 : i32
          %eq3A_452 = arith.constant 0 : i32
          %eq3A_453 = arith.cmpi eq, %jit3A_451, %eq3A_452 : i32
          %jit3A_454 = arith.constant 1 : i32
          %select_n3A_455 = arith.select %eq3A_453, %jit3A_454, %jit3A_451 : i32
          %rem3A_456 = arith.remsi %add3A_161, %select_n3A_455 : i32
          %ne3A_457 = arith.constant 0 : i32
          %ne3A_458 = arith.cmpi ne, %rem3A_456, %ne3A_457 : i32
          %lt3A_459 = arith.constant 0 : i32
          %lt3A_460 = arith.cmpi slt, %rem3A_456, %lt3A_459 : i32
          %lt3A_461 = arith.constant 0 : i32
          %lt3A_462 = arith.cmpi slt, %select_n3A_455, %lt3A_461 : i32
          %ne3A_463 = arith.xori %lt3A_460, %lt3A_462 : i1
          %and3A_464 = arith.andi %ne3A_463, %ne3A_458 : i1
          %add3A_465 = arith.addi %rem3A_456, %select_n3A_455 : i32
          %select_n3A_466 = arith.select %and3A_464, %add3A_465, %rem3A_456 : i32
          %mul3A_467 = arith.constant 128 : i32
          %mul3A_468 = arith.muli %mul3A_467, %select_n3A_466 : i32
          %dma_start3A_469 = arith.constant 0 : i32
          %dma_start3A_470 = arith.constant 0 : i32
          %dma_start3A_471 = tpu.memref_slice %run_scoped3A[%rem3A_450, %dma_start3A_469, %dma_start3A_470] : memref<2x128x256xi32, #tpu.memory_space<vmem>> -> memref<1x128x256xi32, #tpu.memory_space<vmem>>
          %dma_start3A_472 = tpu.memref_squeeze %dma_start3A_471 : memref<1x128x256xi32, #tpu.memory_space<vmem>> -> memref<128x256xi32, #tpu.memory_space<vmem>>
          %dma_start3A_473 = arith.constant 0 : i32
          %dma_start3A_474 = tpu.memref_slice %arg2[%mul3A_468, %dma_start3A_473] : memref<2048x256xi32, #tpu.memory_space<hbm>> -> memref<128x256xi32, #tpu.memory_space<hbm>>
          %dma_start3A_475 = tpu.memref_slice %run_scoped3A_1[%rem3A_450] : memref<2x!tpu.dma_semaphore, #tpu.memory_space<semaphore_mem>> -> memref<1x!tpu.dma_semaphore, #tpu.memory_space<semaphore_mem>>
          %dma_start3A_476 = tpu.memref_squeeze %dma_start3A_475 : memref<1x!tpu.dma_semaphore, #tpu.memory_space<semaphore_mem>> -> memref<!tpu.dma_semaphore, #tpu.memory_space<semaphore_mem>>
          %dma_start3A_477 = arith.constant 0 : i32
          %dma_start3A_478 = arith.constant 0 : i32
          %dma_start3A_479 = tpu.memref_slice %run_scoped3A[%rem3A_450, %dma_start3A_477, %dma_start3A_478] : memref<2x128x256xi32, #tpu.memory_space<vmem>> -> memref<1x128x256xi32, #tpu.memory_space<vmem>>
          %dma_start3A_480 = tpu.memref_squeeze %dma_start3A_479 : memref<1x128x256xi32, #tpu.memory_space<vmem>> -> memref<128x256xi32, #tpu.memory_space<vmem>>
          %dma_start3A_481 = arith.constant 0 : i32
          %dma_start3A_482 = tpu.memref_slice %arg2[%mul3A_468, %dma_start3A_481] : memref<2048x256xi32, #tpu.memory_space<hbm>> -> memref<128x256xi32, #tpu.memory_space<hbm>>
          tpu.enqueue_dma source(%dma_start3A_482 : memref<128x256xi32, #tpu.memory_space<hbm>>) target(%dma_start3A_480 : memref<128x256xi32, #tpu.memory_space<vmem>>) target_semaphore(%dma_start3A_476 : memref<!tpu.dma_semaphore, #tpu.memory_space<semaphore_mem>>)
          "tpu.trace_stop"() : () -> ()
        } else {
        }
        %and3A_211 = arith.constant true
        %and3A_212 = arith.andi %and3A_209, %and3A_211 : i1
        %add3A_213 = arith.constant 1 : i32
        %add3A_214 = arith.addi %scan3A_134, %add3A_213 : i32
        %select_n3A_215 = arith.select %and3A_212, %add3A_214, %scan3A_134 : i32
        %ne3A_216 = arith.cmpi ne, %add3A_143, %add3A_161 : i32
        %or3A_217 = arith.constant false
        %or3A_218 = arith.ori %or3A_217, %ne3A_216 : i1
        %ge3A_219 = arith.constant 1 : i32
        %ge3A_220 = arith.cmpi sge, %scan3A_133, %ge3A_219 : i32
        %not3A_221 = arith.constant true
        %not3A_222 = arith.xori %ge3A_220, %not3A_221 : i1
        %and3A_223 = arith.andi %or3A_218, %not3A_222 : i1
        %convert_element_type3A_224 = arith.extui %and3A_223 : i1 to i32
        %cond3A_225 = arith.constant 0 : i32
        %cond3A_226 = arith.cmpi ne, %convert_element_type3A_224, %cond3A_225 : i32
        scf.if %cond3A_226 {
          "tpu.trace_start"() <{level = 10 : i32, message = "ep_copy_in"}> : () -> ()
          %rem3A_449 = arith.constant 2 : i32
          %rem3A_450 = arith.remui %scan3A_136, %rem3A_449 : i32
          %mul3A_451 = arith.constant 128 : i32
          %mul3A_452 = arith.muli %mul3A_451, %add3A_161 : i32
          %dma_start3A_453 = arith.constant 0 : i32
          %dma_start3A_454 = arith.constant 0 : i32
          %dma_start3A_455 = tpu.memref_slice %run_scoped3A_2[%rem3A_450, %dma_start3A_453, %dma_start3A_454] : memref<2x1x128xi32, #tpu.memory_space<vmem>> -> memref<1x1x128xi32, #tpu.memory_space<vmem>>
          %dma_start3A_456 = tpu.memref_squeeze %dma_start3A_455 : memref<1x1x128xi32, #tpu.memory_space<vmem>> -> memref<1x128xi32, #tpu.memory_space<vmem>>
          %dma_start3A_457 = arith.constant 0 : i32
          %dma_start3A_458 = tpu.memref_slice %arg3[%dma_start3A_457, %mul3A_452] : memref<1x4096xi32, #tpu.memory_space<hbm>> -> memref<1x128xi32, #tpu.memory_space<hbm>>
          %dma_start3A_459 = tpu.memref_slice %run_scoped3A_3[%rem3A_450] : memref<2x!tpu.dma_semaphore, #tpu.memory_space<semaphore_mem>> -> memref<1x!tpu.dma_semaphore, #tpu.memory_space<semaphore_mem>>
          %dma_start3A_460 = tpu.memref_squeeze %dma_start3A_459 : memref<1x!tpu.dma_semaphore, #tpu.memory_space<semaphore_mem>> -> memref<!tpu.dma_semaphore, #tpu.memory_space<semaphore_mem>>
          %dma_start3A_461 = arith.constant 0 : i32
          %dma_start3A_462 = arith.constant 0 : i32
          %dma_start3A_463 = tpu.memref_slice %run_scoped3A_2[%rem3A_450, %dma_start3A_461, %dma_start3A_462] : memref<2x1x128xi32, #tpu.memory_space<vmem>> -> memref<1x1x128xi32, #tpu.memory_space<vmem>>
          %dma_start3A_464 = tpu.memref_squeeze %dma_start3A_463 : memref<1x1x128xi32, #tpu.memory_space<vmem>> -> memref<1x128xi32, #tpu.memory_space<vmem>>
          %dma_start3A_465 = arith.constant 0 : i32
          %dma_start3A_466 = tpu.memref_slice %arg3[%dma_start3A_465, %mul3A_452] : memref<1x4096xi32, #tpu.memory_space<hbm>> -> memref<1x128xi32, #tpu.memory_space<hbm>>
          tpu.enqueue_dma source(%dma_start3A_466 : memref<1x128xi32, #tpu.memory_space<hbm>>) target(%dma_start3A_464 : memref<1x128xi32, #tpu.memory_space<vmem>>) target_semaphore(%dma_start3A_460 : memref<!tpu.dma_semaphore, #tpu.memory_space<semaphore_mem>>)
          "tpu.trace_stop"() : () -> ()
        } else {
        }
        %and3A_227 = arith.constant true
        %and3A_228 = arith.andi %and3A_223, %and3A_227 : i1
        %add3A_229 = arith.constant 1 : i32
        %add3A_230 = arith.addi %scan3A_136, %add3A_229 : i32
        %select_n3A_231 = arith.select %and3A_228, %add3A_230, %scan3A_136 : i32
        %jit3A_232 = arith.constant 16 : i32
        %eq3A_233 = arith.constant 0 : i32
        %eq3A_234 = arith.cmpi eq, %jit3A_232, %eq3A_233 : i32
        %jit3A_235 = arith.constant 1 : i32
        %select_n3A_236 = arith.select %eq3A_234, %jit3A_235, %jit3A_232 : i32
        %rem3A_237 = arith.remsi %add3A_143, %select_n3A_236 : i32
        %ne3A_238 = arith.constant 0 : i32
        %ne3A_239 = arith.cmpi ne, %rem3A_237, %ne3A_238 : i32
        %lt3A_240 = arith.constant 0 : i32
        %lt3A_241 = arith.cmpi slt, %rem3A_237, %lt3A_240 : i32
        %lt3A_242 = arith.constant 0 : i32
        %lt3A_243 = arith.cmpi slt, %select_n3A_236, %lt3A_242 : i32
        %ne3A_244 = arith.xori %lt3A_241, %lt3A_243 : i1
        %and3A_245 = arith.andi %ne3A_244, %ne3A_239 : i1
        %add3A_246 = arith.addi %rem3A_237, %select_n3A_236 : i32
        %select_n3A_247 = arith.select %and3A_245, %add3A_246, %rem3A_237 : i32
        %jit3A_248 = arith.constant 16 : i32
        %eq3A_249 = arith.constant 0 : i32
        %eq3A_250 = arith.cmpi eq, %jit3A_248, %eq3A_249 : i32
        %jit3A_251 = arith.constant 1 : i32
        %select_n3A_252 = arith.select %eq3A_250, %jit3A_251, %jit3A_248 : i32
        %rem3A_253 = arith.remsi %add3A_152, %select_n3A_252 : i32
        %ne3A_254 = arith.constant 0 : i32
        %ne3A_255 = arith.cmpi ne, %rem3A_253, %ne3A_254 : i32
        %lt3A_256 = arith.constant 0 : i32
        %lt3A_257 = arith.cmpi slt, %rem3A_253, %lt3A_256 : i32
        %lt3A_258 = arith.constant 0 : i32
        %lt3A_259 = arith.cmpi slt, %select_n3A_252, %lt3A_258 : i32
        %ne3A_260 = arith.xori %lt3A_257, %lt3A_259 : i1
        %and3A_261 = arith.andi %ne3A_260, %ne3A_255 : i1
        %add3A_262 = arith.addi %rem3A_253, %select_n3A_252 : i32
        %select_n3A_263 = arith.select %and3A_261, %add3A_262, %rem3A_253 : i32
        %ne3A_264 = arith.cmpi ne, %select_n3A_247, %select_n3A_263 : i32
        %or3A_265 = arith.constant false
        %or3A_266 = arith.ori %or3A_265, %ne3A_264 : i1
        %or3A_267 = arith.constant false
        %or3A_268 = arith.ori %or3A_266, %or3A_267 : i1
        %or3A_269 = arith.ori %or3A_268, %eq3A_140 : i1
        %convert_element_type3A_270 = arith.extui %or3A_269 : i1 to i32
        %cond3A_271 = arith.constant 0 : i32
        %cond3A_272 = arith.cmpi ne, %convert_element_type3A_270, %cond3A_271 : i32
        scf.if %cond3A_272 {
          %jit3A_449 = arith.constant 16 : i32
          "tpu.trace_start"() <{level = 10 : i32, message = "ep_wait_in"}> : () -> ()
          %eq3A_450 = arith.constant 0 : i32
          %eq3A_451 = arith.cmpi eq, %jit3A_449, %eq3A_450 : i32
          %jit3A_452 = arith.constant 1 : i32
          %select_n3A_453 = arith.select %eq3A_451, %jit3A_452, %jit3A_449 : i32
          %rem3A_454 = arith.remsi %add3A_143, %select_n3A_453 : i32
          %ne3A_455 = arith.constant 0 : i32
          %ne3A_456 = arith.cmpi ne, %rem3A_454, %ne3A_455 : i32
          %lt3A_457 = arith.constant 0 : i32
          %lt3A_458 = arith.cmpi slt, %rem3A_454, %lt3A_457 : i32
          %lt3A_459 = arith.constant 0 : i32
          %lt3A_460 = arith.cmpi slt, %select_n3A_453, %lt3A_459 : i32
          %ne3A_461 = arith.xori %lt3A_458, %lt3A_460 : i1
          %and3A_462 = arith.andi %ne3A_461, %ne3A_456 : i1
          %add3A_463 = arith.addi %rem3A_454, %select_n3A_453 : i32
          %select_n3A_464 = arith.select %and3A_462, %add3A_463, %rem3A_454 : i32
          %mul3A_465 = arith.constant 128 : i32
          %mul3A_466 = arith.muli %mul3A_465, %select_n3A_464 : i32
          %rem3A_467 = arith.constant 2 : i32
          %rem3A_468 = arith.remui %scan3A_135, %rem3A_467 : i32
          %dma_wait3A = arith.constant 0 : i32
          %dma_wait3A_469 = arith.constant 0 : i32
          %dma_wait3A_470 = tpu.memref_slice %run_scoped3A[%rem3A_468, %dma_wait3A, %dma_wait3A_469] : memref<2x128x256xi32, #tpu.memory_space<vmem>> -> memref<1x128x256xi32, #tpu.memory_space<vmem>>
          %dma_wait3A_471 = tpu.memref_squeeze %dma_wait3A_470 : memref<1x128x256xi32, #tpu.memory_space<vmem>> -> memref<128x256xi32, #tpu.memory_space<vmem>>
          %dma_wait3A_472 = arith.constant 0 : i32
          %dma_wait3A_473 = tpu.memref_slice %arg2[%mul3A_466, %dma_wait3A_472] : memref<2048x256xi32, #tpu.memory_space<hbm>> -> memref<128x256xi32, #tpu.memory_space<hbm>>
          %dma_wait3A_474 = tpu.memref_slice %run_scoped3A_1[%rem3A_468] : memref<2x!tpu.dma_semaphore, #tpu.memory_space<semaphore_mem>> -> memref<1x!tpu.dma_semaphore, #tpu.memory_space<semaphore_mem>>
          %dma_wait3A_475 = tpu.memref_squeeze %dma_wait3A_474 : memref<1x!tpu.dma_semaphore, #tpu.memory_space<semaphore_mem>> -> memref<!tpu.dma_semaphore, #tpu.memory_space<semaphore_mem>>
          %dma_wait3A_476 = arith.constant 0 : i32
          %dma_wait3A_477 = arith.constant 0 : i32
          %dma_wait3A_478 = tpu.memref_slice %run_scoped3A[%rem3A_468, %dma_wait3A_476, %dma_wait3A_477] : memref<2x128x256xi32, #tpu.memory_space<vmem>> -> memref<1x128x256xi32, #tpu.memory_space<vmem>>
          %dma_wait3A_479 = tpu.memref_squeeze %dma_wait3A_478 : memref<1x128x256xi32, #tpu.memory_space<vmem>> -> memref<128x256xi32, #tpu.memory_space<vmem>>
          %dma_wait3A_480 = arith.constant 0 : i32
          %dma_wait3A_481 = tpu.memref_slice %arg2[%mul3A_466, %dma_wait3A_480] : memref<2048x256xi32, #tpu.memory_space<hbm>> -> memref<128x256xi32, #tpu.memory_space<hbm>>
          tpu.wait_dma2 semaphore(%dma_wait3A_475 : memref<!tpu.dma_semaphore, #tpu.memory_space<semaphore_mem>>) src(%dma_wait3A_481 : memref<128x256xi32, #tpu.memory_space<hbm>>) dst(%dma_wait3A_479 : memref<128x256xi32, #tpu.memory_space<vmem>>)
          "tpu.trace_stop"() : () -> ()
        } else {
        }
        %ne3A_273 = arith.cmpi ne, %add3A_143, %add3A_152 : i32
        %or3A_274 = arith.constant false
        %or3A_275 = arith.ori %or3A_274, %ne3A_273 : i1
        %or3A_276 = arith.ori %or3A_275, %eq3A_140 : i1
        %convert_element_type3A_277 = arith.extui %or3A_276 : i1 to i32
        %cond3A_278 = arith.constant 0 : i32
        %cond3A_279 = arith.cmpi ne, %convert_element_type3A_277, %cond3A_278 : i32
        scf.if %cond3A_279 {
          "tpu.trace_start"() <{level = 10 : i32, message = "ep_wait_in"}> : () -> ()
          %mul3A_449 = arith.constant 128 : i32
          %mul3A_450 = arith.muli %mul3A_449, %add3A_143 : i32
          %rem3A_451 = arith.constant 2 : i32
          %rem3A_452 = arith.remui %scan3A_137, %rem3A_451 : i32
          %dma_wait3A = arith.constant 0 : i32
          %dma_wait3A_453 = arith.constant 0 : i32
          %dma_wait3A_454 = tpu.memref_slice %run_scoped3A_2[%rem3A_452, %dma_wait3A, %dma_wait3A_453] : memref<2x1x128xi32, #tpu.memory_space<vmem>> -> memref<1x1x128xi32, #tpu.memory_space<vmem>>
          %dma_wait3A_455 = tpu.memref_squeeze %dma_wait3A_454 : memref<1x1x128xi32, #tpu.memory_space<vmem>> -> memref<1x128xi32, #tpu.memory_space<vmem>>
          %dma_wait3A_456 = arith.constant 0 : i32
          %dma_wait3A_457 = tpu.memref_slice %arg3[%dma_wait3A_456, %mul3A_450] : memref<1x4096xi32, #tpu.memory_space<hbm>> -> memref<1x128xi32, #tpu.memory_space<hbm>>
          %dma_wait3A_458 = tpu.memref_slice %run_scoped3A_3[%rem3A_452] : memref<2x!tpu.dma_semaphore, #tpu.memory_space<semaphore_mem>> -> memref<1x!tpu.dma_semaphore, #tpu.memory_space<semaphore_mem>>
          %dma_wait3A_459 = tpu.memref_squeeze %dma_wait3A_458 : memref<1x!tpu.dma_semaphore, #tpu.memory_space<semaphore_mem>> -> memref<!tpu.dma_semaphore, #tpu.memory_space<semaphore_mem>>
          %dma_wait3A_460 = arith.constant 0 : i32
          %dma_wait3A_461 = arith.constant 0 : i32
          %dma_wait3A_462 = tpu.memref_slice %run_scoped3A_2[%rem3A_452, %dma_wait3A_460, %dma_wait3A_461] : memref<2x1x128xi32, #tpu.memory_space<vmem>> -> memref<1x1x128xi32, #tpu.memory_space<vmem>>
          %dma_wait3A_463 = tpu.memref_squeeze %dma_wait3A_462 : memref<1x1x128xi32, #tpu.memory_space<vmem>> -> memref<1x128xi32, #tpu.memory_space<vmem>>
          %dma_wait3A_464 = arith.constant 0 : i32
          %dma_wait3A_465 = tpu.memref_slice %arg3[%dma_wait3A_464, %mul3A_450] : memref<1x4096xi32, #tpu.memory_space<hbm>> -> memref<1x128xi32, #tpu.memory_space<hbm>>
          tpu.wait_dma2 semaphore(%dma_wait3A_459 : memref<!tpu.dma_semaphore, #tpu.memory_space<semaphore_mem>>) src(%dma_wait3A_465 : memref<1x128xi32, #tpu.memory_space<hbm>>) dst(%dma_wait3A_463 : memref<1x128xi32, #tpu.memory_space<vmem>>)
          "tpu.trace_stop"() : () -> ()
        } else {
        }
        %rem3A_280 = arith.constant 2 : i32
        %rem3A_281 = arith.remui %scan3A_135, %rem3A_280 : i32
        %rem3A_282 = arith.constant 2 : i32
        %rem3A_283 = arith.remui %scan3A_137, %rem3A_282 : i32
        %run_scoped3A_284 = arith.constant 0 : i32
        "tpu.trace_start"() <{level = 10 : i32, message = "ep_run_kernel"}> : () -> ()
        "tpu.region"() ({
          %run_scoped3A_449 = tpu.sem_alloc : memref<!tpu.dma_semaphore, #tpu.memory_space<semaphore_mem>>
          %dma_start3A_450 = arith.constant 0 : i32
          %dma_start3A_451 = arith.constant 0 : i32
          %dma_start3A_452 = tpu.memref_slice %run_scoped3A[%rem3A_281, %dma_start3A_450, %dma_start3A_451] : memref<2x128x256xi32, #tpu.memory_space<vmem>> -> memref<1x128x256xi32, #tpu.memory_space<vmem>>
          %dma_start3A_453 = tpu.memref_squeeze %dma_start3A_452 : memref<1x128x256xi32, #tpu.memory_space<vmem>> -> memref<128x256xi32, #tpu.memory_space<vmem>>
          %dma_start3A_454 = arith.constant 0 : i32
          %dma_start3A_455 = arith.constant 0 : i32
          %dma_start3A_456 = tpu.memref_slice %run_scoped3A_2[%rem3A_283, %dma_start3A_454, %dma_start3A_455] : memref<2x1x128xi32, #tpu.memory_space<vmem>> -> memref<1x1x128xi32, #tpu.memory_space<vmem>>
          %dma_start3A_457 = tpu.memref_squeeze %dma_start3A_456 : memref<1x1x128xi32, #tpu.memory_space<vmem>> -> memref<1x128xi32, #tpu.memory_space<vmem>>
          %dma_start3A_458 = arith.constant 0 : i32
          %dma_start3A_459 = tpu.memref_slice %dma_start3A_457[%run_scoped3A_284, %dma_start3A_458] : memref<1x128xi32, #tpu.memory_space<vmem>> -> memref<1x128xi32, #tpu.memory_space<vmem>>
          %dma_start3A_460 = tpu.memref_squeeze %dma_start3A_459 : memref<1x128xi32, #tpu.memory_space<vmem>> -> memref<128xi32, #tpu.memory_space<vmem>>
          %dma_start3A_461 = arith.constant 0 : i32
          %dma_start3A_462 = arith.constant 0 : i32
          %dma_start3A_463 = tpu.memref_slice %arg4[%dma_start3A_461, %dma_start3A_462] : memref<6144x256xi32, #tpu.memory_space<hbm>> -> memref<6144x256xi32, #tpu.memory_space<hbm>>
          tpu.enqueue_indirect_dma source(%dma_start3A_453 : memref<128x256xi32, #tpu.memory_space<vmem>>) target(%dma_start3A_463 : memref<6144x256xi32, #tpu.memory_space<hbm>>) offsets(%dma_start3A_460 : memref<128xi32, #tpu.memory_space<vmem>>) semaphore(%run_scoped3A_449 : memref<!tpu.dma_semaphore, #tpu.memory_space<semaphore_mem>>)
          %dma_wait3A = arith.constant 0 : i32
          %dma_wait3A_464 = arith.constant 0 : i32
          %dma_wait3A_465 = tpu.memref_slice %run_scoped3A[%rem3A_281, %dma_wait3A, %dma_wait3A_464] : memref<2x128x256xi32, #tpu.memory_space<vmem>> -> memref<1x128x256xi32, #tpu.memory_space<vmem>>
          %dma_wait3A_466 = tpu.memref_squeeze %dma_wait3A_465 : memref<1x128x256xi32, #tpu.memory_space<vmem>> -> memref<128x256xi32, #tpu.memory_space<vmem>>
          %dma_wait3A_467 = arith.constant 0 : i32
          %dma_wait3A_468 = arith.constant 0 : i32
          %dma_wait3A_469 = tpu.memref_slice %run_scoped3A_2[%rem3A_283, %dma_wait3A_467, %dma_wait3A_468] : memref<2x1x128xi32, #tpu.memory_space<vmem>> -> memref<1x1x128xi32, #tpu.memory_space<vmem>>
          %dma_wait3A_470 = tpu.memref_squeeze %dma_wait3A_469 : memref<1x1x128xi32, #tpu.memory_space<vmem>> -> memref<1x128xi32, #tpu.memory_space<vmem>>
          %dma_wait3A_471 = arith.constant 0 : i32
          %dma_wait3A_472 = tpu.memref_slice %dma_wait3A_470[%run_scoped3A_284, %dma_wait3A_471] : memref<1x128xi32, #tpu.memory_space<vmem>> -> memref<1x128xi32, #tpu.memory_space<vmem>>
          %dma_wait3A_473 = tpu.memref_squeeze %dma_wait3A_472 : memref<1x128xi32, #tpu.memory_space<vmem>> -> memref<128xi32, #tpu.memory_space<vmem>>
          %dma_wait3A_474 = arith.constant 0 : i32
          %dma_wait3A_475 = arith.constant 0 : i32
          %dma_wait3A_476 = tpu.memref_slice %arg4[%dma_wait3A_474, %dma_wait3A_475] : memref<6144x256xi32, #tpu.memory_space<hbm>> -> memref<6144x256xi32, #tpu.memory_space<hbm>>
          tpu.wait_indirect_dma semaphore(%run_scoped3A_449 : memref<!tpu.dma_semaphore, #tpu.memory_space<semaphore_mem>>) src(%dma_wait3A_466 : memref<128x256xi32, #tpu.memory_space<vmem>>) dst(%dma_wait3A_476 : memref<6144x256xi32, #tpu.memory_space<hbm>>)
          tpu.yield
        }) : () -> ()
        %jit3A_285 = arith.constant 16 : i32
        "tpu.trace_stop"() : () -> ()
        %eq3A_286 = arith.constant 0 : i32
        %eq3A_287 = arith.cmpi eq, %jit3A_285, %eq3A_286 : i32
        %jit3A_288 = arith.constant 1 : i32
        %select_n3A_289 = arith.select %eq3A_287, %jit3A_288, %jit3A_285 : i32
        %rem3A_290 = arith.remsi %add3A_143, %select_n3A_289 : i32
        %ne3A_291 = arith.constant 0 : i32
        %ne3A_292 = arith.cmpi ne, %rem3A_290, %ne3A_291 : i32
        %lt3A_293 = arith.constant 0 : i32
        %lt3A_294 = arith.cmpi slt, %rem3A_290, %lt3A_293 : i32
        %lt3A_295 = arith.constant 0 : i32
        %lt3A_296 = arith.cmpi slt, %select_n3A_289, %lt3A_295 : i32
        %ne3A_297 = arith.xori %lt3A_294, %lt3A_296 : i1
        %and3A_298 = arith.andi %ne3A_297, %ne3A_292 : i1
        %add3A_299 = arith.addi %rem3A_290, %select_n3A_289 : i32
        %select_n3A_300 = arith.select %and3A_298, %add3A_299, %rem3A_290 : i32
        %jit3A_301 = arith.constant 16 : i32
        %eq3A_302 = arith.constant 0 : i32
        %eq3A_303 = arith.cmpi eq, %jit3A_301, %eq3A_302 : i32
        %jit3A_304 = arith.constant 1 : i32
        %select_n3A_305 = arith.select %eq3A_303, %jit3A_304, %jit3A_301 : i32
        %rem3A_306 = arith.remsi %add3A_161, %select_n3A_305 : i32
        %ne3A_307 = arith.constant 0 : i32
        %ne3A_308 = arith.cmpi ne, %rem3A_306, %ne3A_307 : i32
        %lt3A_309 = arith.constant 0 : i32
        %lt3A_310 = arith.cmpi slt, %rem3A_306, %lt3A_309 : i32
        %lt3A_311 = arith.constant 0 : i32
        %lt3A_312 = arith.cmpi slt, %select_n3A_305, %lt3A_311 : i32
        %ne3A_313 = arith.xori %lt3A_310, %lt3A_312 : i1
        %and3A_314 = arith.andi %ne3A_313, %ne3A_308 : i1
        %add3A_315 = arith.addi %rem3A_306, %select_n3A_305 : i32
        %select_n3A_316 = arith.select %and3A_314, %add3A_315, %rem3A_306 : i32
        %ne3A_317 = arith.cmpi ne, %select_n3A_300, %select_n3A_316 : i32
        %or3A_318 = arith.constant false
        %or3A_319 = arith.ori %or3A_318, %ne3A_317 : i1
        %or3A_320 = arith.constant false
        %or3A_321 = arith.ori %or3A_319, %or3A_320 : i1
        %or3A_322 = arith.ori %or3A_321, %eq3A_142 : i1
        %convert_element_type3A_323 = arith.extui %or3A_322 : i1 to i32
        %cond3A_324 = arith.constant 0 : i32
        %cond3A_325 = arith.cmpi ne, %convert_element_type3A_323, %cond3A_324 : i32
        scf.if %cond3A_325 {
        } else {
        }
        %and3A_326 = arith.constant false
        %and3A_327 = arith.andi %or3A_322, %and3A_326 : i1
        %ne3A_328 = arith.cmpi ne, %add3A_143, %add3A_161 : i32
        %or3A_329 = arith.constant false
        %or3A_330 = arith.ori %or3A_329, %ne3A_328 : i1
        %or3A_331 = arith.ori %or3A_330, %eq3A_142 : i1
        %convert_element_type3A_332 = arith.extui %or3A_331 : i1 to i32
        %cond3A_333 = arith.constant 0 : i32
        %cond3A_334 = arith.cmpi ne, %convert_element_type3A_332, %cond3A_333 : i32
        scf.if %cond3A_334 {
        } else {
        }
        %and3A_335 = arith.constant false
        %and3A_336 = arith.andi %or3A_331, %and3A_335 : i1
        %jit3A_337 = arith.constant 16 : i32
        %eq3A_338 = arith.constant 0 : i32
        %eq3A_339 = arith.cmpi eq, %jit3A_337, %eq3A_338 : i32
        %jit3A_340 = arith.constant 1 : i32
        %select_n3A_341 = arith.select %eq3A_339, %jit3A_340, %jit3A_337 : i32
        %rem3A_342 = arith.remsi %add3A_143, %select_n3A_341 : i32
        %ne3A_343 = arith.constant 0 : i32
        %ne3A_344 = arith.cmpi ne, %rem3A_342, %ne3A_343 : i32
        %lt3A_345 = arith.constant 0 : i32
        %lt3A_346 = arith.cmpi slt, %rem3A_342, %lt3A_345 : i32
        %lt3A_347 = arith.constant 0 : i32
        %lt3A_348 = arith.cmpi slt, %select_n3A_341, %lt3A_347 : i32
        %ne3A_349 = arith.xori %lt3A_346, %lt3A_348 : i1
        %and3A_350 = arith.andi %ne3A_349, %ne3A_344 : i1
        %add3A_351 = arith.addi %rem3A_342, %select_n3A_341 : i32
        %select_n3A_352 = arith.select %and3A_350, %add3A_351, %rem3A_342 : i32
        %jit3A_353 = arith.constant 16 : i32
        %eq3A_354 = arith.constant 0 : i32
        %eq3A_355 = arith.cmpi eq, %jit3A_353, %eq3A_354 : i32
        %jit3A_356 = arith.constant 1 : i32
        %select_n3A_357 = arith.select %eq3A_355, %jit3A_356, %jit3A_353 : i32
        %rem3A_358 = arith.remsi %add3A_152, %select_n3A_357 : i32
        %ne3A_359 = arith.constant 0 : i32
        %ne3A_360 = arith.cmpi ne, %rem3A_358, %ne3A_359 : i32
        %lt3A_361 = arith.constant 0 : i32
        %lt3A_362 = arith.cmpi slt, %rem3A_358, %lt3A_361 : i32
        %lt3A_363 = arith.constant 0 : i32
        %lt3A_364 = arith.cmpi slt, %select_n3A_357, %lt3A_363 : i32
        %ne3A_365 = arith.xori %lt3A_362, %lt3A_364 : i1
        %and3A_366 = arith.andi %ne3A_365, %ne3A_360 : i1
        %add3A_367 = arith.addi %rem3A_358, %select_n3A_357 : i32
        %select_n3A_368 = arith.select %and3A_366, %add3A_367, %rem3A_358 : i32
        %ne3A_369 = arith.cmpi ne, %select_n3A_352, %select_n3A_368 : i32
        %or3A_370 = arith.constant false
        %or3A_371 = arith.ori %or3A_370, %ne3A_369 : i1
        %or3A_372 = arith.constant false
        %or3A_373 = arith.ori %or3A_371, %or3A_372 : i1
        %not3A_374 = arith.constant true
        %not3A_375 = arith.xori %eq3A_140, %not3A_374 : i1
        %and3A_376 = arith.andi %or3A_373, %not3A_375 : i1
        %convert_element_type3A_377 = arith.extui %and3A_376 : i1 to i32
        %cond3A_378 = arith.constant 0 : i32
        %cond3A_379 = arith.cmpi ne, %convert_element_type3A_377, %cond3A_378 : i32
        scf.if %cond3A_379 {
        } else {
        }
        %and3A_380 = arith.constant false
        %and3A_381 = arith.andi %and3A_376, %and3A_380 : i1
        %ne3A_382 = arith.cmpi ne, %add3A_143, %add3A_152 : i32
        %or3A_383 = arith.constant false
        %or3A_384 = arith.ori %or3A_383, %ne3A_382 : i1
        %not3A_385 = arith.constant true
        %not3A_386 = arith.xori %eq3A_140, %not3A_385 : i1
        %and3A_387 = arith.andi %or3A_384, %not3A_386 : i1
        %convert_element_type3A_388 = arith.extui %and3A_387 : i1 to i32
        %cond3A_389 = arith.constant 0 : i32
        %cond3A_390 = arith.cmpi ne, %convert_element_type3A_388, %cond3A_389 : i32
        scf.if %cond3A_390 {
        } else {
        }
        %and3A_391 = arith.constant false
        %and3A_392 = arith.andi %and3A_387, %and3A_391 : i1
        %jit3A_393 = arith.constant 16 : i32
        %eq3A_394 = arith.constant 0 : i32
        %eq3A_395 = arith.cmpi eq, %jit3A_393, %eq3A_394 : i32
        %jit3A_396 = arith.constant 1 : i32
        %select_n3A_397 = arith.select %eq3A_395, %jit3A_396, %jit3A_393 : i32
        %rem3A_398 = arith.remsi %add3A_143, %select_n3A_397 : i32
        %ne3A_399 = arith.constant 0 : i32
        %ne3A_400 = arith.cmpi ne, %rem3A_398, %ne3A_399 : i32
        %lt3A_401 = arith.constant 0 : i32
        %lt3A_402 = arith.cmpi slt, %rem3A_398, %lt3A_401 : i32
        %lt3A_403 = arith.constant 0 : i32
        %lt3A_404 = arith.cmpi slt, %select_n3A_397, %lt3A_403 : i32
        %ne3A_405 = arith.xori %lt3A_402, %lt3A_404 : i1
        %and3A_406 = arith.andi %ne3A_405, %ne3A_400 : i1
        %add3A_407 = arith.addi %rem3A_398, %select_n3A_397 : i32
        %select_n3A_408 = arith.select %and3A_406, %add3A_407, %rem3A_398 : i32
        %jit3A_409 = arith.constant 16 : i32
        %eq3A_410 = arith.constant 0 : i32
        %eq3A_411 = arith.cmpi eq, %jit3A_409, %eq3A_410 : i32
        %jit3A_412 = arith.constant 1 : i32
        %select_n3A_413 = arith.select %eq3A_411, %jit3A_412, %jit3A_409 : i32
        %rem3A_414 = arith.remsi %add3A_161, %select_n3A_413 : i32
        %ne3A_415 = arith.constant 0 : i32
        %ne3A_416 = arith.cmpi ne, %rem3A_414, %ne3A_415 : i32
        %lt3A_417 = arith.constant 0 : i32
        %lt3A_418 = arith.cmpi slt, %rem3A_414, %lt3A_417 : i32
        %lt3A_419 = arith.constant 0 : i32
        %lt3A_420 = arith.cmpi slt, %select_n3A_413, %lt3A_419 : i32
        %ne3A_421 = arith.xori %lt3A_418, %lt3A_420 : i1
        %and3A_422 = arith.andi %ne3A_421, %ne3A_416 : i1
        %add3A_423 = arith.addi %rem3A_414, %select_n3A_413 : i32
        %select_n3A_424 = arith.select %and3A_422, %add3A_423, %rem3A_414 : i32
        %ne3A_425 = arith.cmpi ne, %select_n3A_408, %select_n3A_424 : i32
        %or3A_426 = arith.constant false
        %or3A_427 = arith.ori %or3A_426, %ne3A_425 : i1
        %or3A_428 = arith.constant false
        %or3A_429 = arith.ori %or3A_427, %or3A_428 : i1
        %or3A_430 = arith.ori %or3A_429, %eq3A_142 : i1
        %add3A_431 = arith.constant 1 : i32
        %add3A_432 = arith.addi %scan3A_135, %add3A_431 : i32
        %select_n3A_433 = arith.select %or3A_430, %add3A_432, %scan3A_135 : i32
        %ne3A_434 = arith.cmpi ne, %add3A_143, %add3A_161 : i32
        %or3A_435 = arith.constant false
        %or3A_436 = arith.ori %or3A_435, %ne3A_434 : i1
        %or3A_437 = arith.ori %or3A_436, %eq3A_142 : i1
        %add3A_438 = arith.constant 1 : i32
        %add3A_439 = arith.addi %scan3A_137, %add3A_438 : i32
        %select_n3A_440 = arith.select %or3A_437, %add3A_439, %scan3A_137 : i32
        %add3A_441 = arith.constant 1 : i32
        %add3A_442 = arith.addi %scan3A_138, %add3A_441 : i32
        %select_n3A_443 = arith.constant true
        %select_n3A_444 = arith.select %select_n3A_443, %add3A_442, %scan3A_138 : i32
        %eq3A_445 = arith.constant 2 : i32
        %eq3A_446 = arith.cmpi eq, %select_n3A_444, %eq3A_445 : i32
        %select_n3A_447 = arith.constant 0 : i32
        %select_n3A_448 = arith.select %eq3A_446, %select_n3A_447, %select_n3A_444 : i32
        scf.yield %select_n3A_215, %select_n3A_433, %select_n3A_231, %select_n3A_440, %select_n3A_448 : i32, i32, i32, i32, i32
      }
      %scan3A_97 = arith.constant 2 : i32
      %sub3A = arith.constant 1 : i32
      %sub3A_98 = arith.subi %scan3A_96#4, %sub3A : i32
      %select_n3A_99 = arith.constant true
      %select_n3A_100 = arith.select %select_n3A_99, %sub3A_98, %scan3A_96#4 : i32
      %eq3A_101 = arith.constant -1 : i32
      %eq3A_102 = arith.cmpi eq, %select_n3A_100, %eq3A_101 : i32
      %select_n3A_103 = arith.constant 1 : i32
      %select_n3A_104 = arith.select %eq3A_102, %select_n3A_103, %select_n3A_100 : i32
      %add3A_105 = arith.addi %select_n3A_104, %mul3A_0 : i32
      %sub3A_106 = arith.constant 1 : i32
      %sub3A_107 = arith.subi %select_n3A_104, %sub3A_106 : i32
      %select_n3A_108 = arith.constant true
      %select_n3A_109 = arith.select %select_n3A_108, %sub3A_107, %select_n3A_104 : i32
      %eq3A_110 = arith.constant -1 : i32
      %eq3A_111 = arith.cmpi eq, %select_n3A_109, %eq3A_110 : i32
      %select_n3A_112 = arith.constant 1 : i32
      %select_n3A_113 = arith.select %eq3A_111, %select_n3A_112, %select_n3A_109 : i32
      %add3A_114 = arith.addi %select_n3A_113, %mul3A_0 : i32
      %add3A_115 = arith.constant 1 : i32
      %add3A_116 = arith.addi %select_n3A_104, %add3A_115 : i32
      %select_n3A_117 = arith.constant true
      %select_n3A_118 = arith.select %select_n3A_117, %add3A_116, %select_n3A_104 : i32
      %eq3A_119 = arith.constant 2 : i32
      %eq3A_120 = arith.cmpi eq, %select_n3A_118, %eq3A_119 : i32
      %select_n3A_121 = arith.constant 0 : i32
      %select_n3A_122 = arith.select %eq3A_120, %select_n3A_121, %select_n3A_118 : i32
      %add3A_123 = arith.addi %select_n3A_122, %mul3A_0 : i32
      %add3A_124 = arith.constant 1 : i32
      %add3A_125 = arith.addi %select_n3A_122, %add3A_124 : i32
      %select_n3A_126 = arith.constant true
      %select_n3A_127 = arith.select %select_n3A_126, %add3A_125, %select_n3A_122 : i32
      %eq3A_128 = arith.constant 2 : i32
      %eq3A_129 = arith.cmpi eq, %select_n3A_127, %eq3A_128 : i32
      %select_n3A_130 = arith.constant 0 : i32
      %select_n3A_131 = arith.select %eq3A_129, %select_n3A_130, %select_n3A_127 : i32
      %add3A_132 = arith.addi %select_n3A_131, %mul3A_0 : i32
      tpu.yield
    }) : () -> ()
    return
  }
}

#map = affine_map<(d0, d1) -> (0, 0)>
module attributes {stable_mosaic.version = 14 : i64} {
  func.func @k(%arg0: i32, %arg1: i32, %arg2: memref<2048x256xi32, #tpu.memory_space<hbm>>, %arg3: memref<1x4096xi32, #tpu.memory_space<hbm>>, %arg4: memref<6144x256xi32, #tpu.memory_space<hbm>>) attributes {dimension_semantics = [#tpu.dimension_semantics<core_parallel>, #tpu.dimension_semantics<subcore_parallel>], iteration_bounds = array<i64: 2, 16>, scalar_prefetch = 0 : i64, scratch_operands = 0 : i64, tpu.core_type = #tpu.core_type<sc_vector_subcore>, window_params = [{transform_indices = #map}, {transform_indices = #map}, {transform_indices = #map}]} {
    %mul3A = arith.constant 2 : i32
    %mul3A_0 = arith.muli %arg1, %mul3A : i32
    "tpu.region"() ({
      %run_scoped3A = memref.alloca() : memref<2x128x256xi32, #tpu.memory_space<vmem>>
      %run_scoped3A_1 = tpu.sem_alloc : memref<2x!tpu.dma_semaphore, #tpu.memory_space<semaphore_mem>>
      %run_scoped3A_2 = memref.alloca() : memref<2x1x128xi32, #tpu.memory_space<vmem>>
      %run_scoped3A_3 = tpu.sem_alloc : memref<2x!tpu.dma_semaphore, #tpu.memory_space<semaphore_mem>>
      %add3A = arith.constant 0 : i32
      %add3A_4 = arith.addi %add3A, %mul3A_0 : i32
      %select_n3A = arith.constant true
      %select_n3A_5 = arith.constant 0 : i32
      %select_n3A_6 = arith.constant -1 : i32
      %select_n3A_7 = arith.select %select_n3A, %select_n3A_6, %select_n3A_5 : i32
      %eq3A = arith.constant -1 : i32
      %eq3A_8 = arith.cmpi eq, %select_n3A_7, %eq3A : i32
      %select_n3A_9 = arith.constant 1 : i32
      %select_n3A_10 = arith.select %eq3A_8, %select_n3A_9, %select_n3A_7 : i32
      %add3A_11 = arith.addi %select_n3A_10, %mul3A_0 : i32
      %select_n3A_12 = arith.constant true
      %select_n3A_13 = arith.constant 0 : i32
      %select_n3A_14 = arith.constant 1 : i32
      %select_n3A_15 = arith.select %select_n3A_12, %select_n3A_14, %select_n3A_13 : i32
      %eq3A_16 = arith.constant 2 : i32
      %eq3A_17 = arith.cmpi eq, %select_n3A_15, %eq3A_16 : i32
      %select_n3A_18 = arith.constant 0 : i32
      %select_n3A_19 = arith.select %eq3A_17, %select_n3A_18, %select_n3A_15 : i32
      %add3A_20 = arith.addi %select_n3A_19, %mul3A_0 : i32
      %add3A_21 = arith.constant 1 : i32
      %add3A_22 = arith.addi %select_n3A_19, %add3A_21 : i32
      %select_n3A_23 = arith.constant true
      %select_n3A_24 = arith.select %select_n3A_23, %add3A_22, %select_n3A_19 : i32
      %eq3A_25 = arith.constant 2 : i32
      %eq3A_26 = arith.cmpi eq, %select_n3A_24, %eq3A_25 : i32
      %select_n3A_27 = arith.constant 0 : i32
      %select_n3A_28 = arith.select %eq3A_26, %select_n3A_27, %select_n3A_24 : i32
      %add3A_29 = arith.addi %select_n3A_28, %mul3A_0 : i32
      "tpu.trace_start"() <{level = 10 : i32, message = "ep_initialize_0"}> : () -> ()
      %rem3A = arith.constant 0 : i32
      %rem3A_30 = arith.constant 2 : i32
      %rem3A_31 = arith.remui %rem3A, %rem3A_30 : i32
      %jit3A = arith.constant 16 : i32
      %eq3A_32 = arith.constant 0 : i32
      %eq3A_33 = arith.cmpi eq, %jit3A, %eq3A_32 : i32
      %jit3A_34 = arith.constant 1 : i32
      %select_n3A_35 = arith.select %eq3A_33, %jit3A_34, %jit3A : i32
      %rem3A_36 = arith.remsi %add3A_4, %select_n3A_35 : i32
      %ne3A = arith.constant 0 : i32
      %ne3A_37 = arith.cmpi ne, %rem3A_36, %ne3A : i32
      %lt3A = arith.constant 0 : i32
      %lt3A_38 = arith.cmpi slt, %rem3A_36, %lt3A : i32
      %lt3A_39 = arith.constant 0 : i32
      %lt3A_40 = arith.cmpi slt, %select_n3A_35, %lt3A_39 : i32
      %ne3A_41 = arith.xori %lt3A_38, %lt3A_40 : i1
      %and3A = arith.andi %ne3A_41, %ne3A_37 : i1
      %add3A_42 = arith.addi %rem3A_36, %select_n3A_35 : i32
      %select_n3A_43 = arith.select %and3A, %add3A_42, %rem3A_36 : i32
      %mul3A_44 = arith.constant 128 : i32
      %mul3A_45 = arith.muli %mul3A_44, %select_n3A_43 : i32
      %dma_start3A = arith.constant 0 : i32
      %dma_start3A_46 = arith.constant 0 : i32
      %dma_start3A_47 = tpu.memref_slice %run_scoped3A[%rem3A_31, %dma_start3A, %dma_start3A_46] : memref<2x128x256xi32, #tpu.memory_space<vmem>> -> memref<1x128x256xi32, #tpu.memory_space<vmem>>
      %dma_start3A_48 = tpu.memref_squeeze %dma_start3A_47 : memref<1x128x256xi32, #tpu.memory_space<vmem>> -> memref<128x256xi32, #tpu.memory_space<vmem>>
      %dma_start3A_49 = arith.constant 0 : i32
      %dma_start3A_50 = tpu.memref_slice %arg2[%mul3A_45, %dma_start3A_49] : memref<2048x256xi32, #tpu.memory_space<hbm>> -> memref<128x256xi32, #tpu.memory_space<hbm>>
      %dma_start3A_51 = tpu.memref_slice %run_scoped3A_1[%rem3A_31] : memref<2x!tpu.dma_semaphore, #tpu.memory_space<semaphore_mem>> -> memref<1x!tpu.dma_semaphore, #tpu.memory_space<semaphore_mem>>
      %dma_start3A_52 = tpu.memref_squeeze %dma_start3A_51 : memref<1x!tpu.dma_semaphore, #tpu.memory_space<semaphore_mem>> -> memref<!tpu.dma_semaphore, #tpu.memory_space<semaphore_mem>>
      %dma_start3A_53 = arith.constant 0 : i32
      %dma_start3A_54 = arith.constant 0 : i32
      %dma_start3A_55 = tpu.memref_slice %run_scoped3A[%rem3A_31, %dma_start3A_53, %dma_start3A_54] : memref<2x128x256xi32, #tpu.memory_space<vmem>> -> memref<1x128x256xi32, #tpu.memory_space<vmem>>
      %dma_start3A_56 = tpu.memref_squeeze %dma_start3A_55 : memref<1x128x256xi32, #tpu.memory_space<vmem>> -> memref<128x256xi32, #tpu.memory_space<vmem>>
      %dma_start3A_57 = arith.constant 0 : i32
      %dma_start3A_58 = tpu.memref_slice %arg2[%mul3A_45, %dma_start3A_57] : memref<2048x256xi32, #tpu.memory_space<hbm>> -> memref<128x256xi32, #tpu.memory_space<hbm>>
      tpu.enqueue_dma source(%dma_start3A_58 : memref<128x256xi32, #tpu.memory_space<hbm>>) target(%dma_start3A_56 : memref<128x256xi32, #tpu.memory_space<vmem>>) target_semaphore(%dma_start3A_52 : memref<!tpu.dma_semaphore, #tpu.memory_space<semaphore_mem>>)
      %add3A_59 = arith.constant 0 : i32
      %add3A_60 = arith.constant 1 : i32
      %add3A_61 = arith.addi %add3A_59, %add3A_60 : i32
      %select_n3A_62 = arith.constant true
      %select_n3A_63 = arith.constant 0 : i32
      %select_n3A_64 = arith.select %select_n3A_62, %add3A_61, %select_n3A_63 : i32
      %rem3A_65 = arith.constant 0 : i32
      %rem3A_66 = arith.constant 2 : i32
      %rem3A_67 = arith.remui %rem3A_65, %rem3A_66 : i32
      %mul3A_68 = arith.constant 128 : i32
      %mul3A_69 = arith.muli %mul3A_68, %add3A_4 : i32
      %dma_start3A_70 = arith.constant 0 : i32
      %dma_start3A_71 = arith.constant 0 : i32
      %dma_start3A_72 = tpu.memref_slice %run_scoped3A_2[%rem3A_67, %dma_start3A_70, %dma_start3A_71] : memref<2x1x128xi32, #tpu.memory_space<vmem>> -> memref<1x1x128xi32, #tpu.memory_space<vmem>>
      %dma_start3A_73 = tpu.memref_squeeze %dma_start3A_72 : memref<1x1x128xi32, #tpu.memory_space<vmem>> -> memref<1x128xi32, #tpu.memory_space<vmem>>
      %dma_start3A_74 = arith.constant 0 : i32
      %dma_start3A_75 = tpu.memref_slice %arg3[%dma_start3A_74, %mul3A_69] : memref<1x4096xi32, #tpu.memory_space<hbm>> -> memref<1x128xi32, #tpu.memory_space<hbm>>
      %dma_start3A_76 = tpu.memref_slice %run_scoped3A_3[%rem3A_67] : memref<2x!tpu.dma_semaphore, #tpu.memory_space<semaphore_mem>> -> memref<1x!tpu.dma_semaphore, #tpu.memory_space<semaphore_mem>>
      %dma_start3A_77 = tpu.memref_squeeze %dma_start3A_76 : memref<1x!tpu.dma_semaphore, #tpu.memory_space<semaphore_mem>> -> memref<!tpu.dma_semaphore, #tpu.memory_space<semaphore_mem>>
      %dma_start3A_78 = arith.constant 0 : i32
      %dma_start3A_79 = arith.constant 0 : i32
      %dma_start3A_80 = tpu.memref_slice %run_scoped3A_2[%rem3A_67, %dma_start3A_78, %dma_start3A_79] : memref<2x1x128xi32, #tpu.memory_space<vmem>> -> memref<1x1x128xi32, #tpu.memory_space<vmem>>
      %dma_start3A_81 = tpu.memref_squeeze %dma_start3A_80 : memref<1x1x128xi32, #tpu.memory_space<vmem>> -> memref<1x128xi32, #tpu.memory_space<vmem>>
      %dma_start3A_82 = arith.constant 0 : i32
      %dma_start3A_83 = tpu.memref_slice %arg3[%dma_start3A_82, %mul3A_69] : memref<1x4096xi32, #tpu.memory_space<hbm>> -> memref<1x128xi32, #tpu.memory_space<hbm>>
      tpu.enqueue_dma source(%dma_start3A_83 : memref<1x128xi32, #tpu.memory_space<hbm>>) target(%dma_start3A_81 : memref<1x128xi32, #tpu.memory_space<vmem>>) target_semaphore(%dma_start3A_77 : memref<!tpu.dma_semaphore, #tpu.memory_space<semaphore_mem>>)
      %add3A_84 = arith.constant 0 : i32
      %add3A_85 = arith.constant 1 : i32
      %add3A_86 = arith.addi %add3A_84, %add3A_85 : i32
      %select_n3A_87 = arith.constant true
      %select_n3A_88 = arith.constant 0 : i32
      %select_n3A_89 = arith.select %select_n3A_87, %add3A_86, %select_n3A_88 : i32
      "tpu.trace_stop"() : () -> ()
      %scan3A = arith.constant 0 : i32
      %scan3A_90 = arith.constant 0 : i32
      %scan3A_91 = arith.constant 0 : i32
      %scan3A_92 = arith.constant 0 : i32
      %scan3A_93 = arith.constant 2 : i32
      %scan3A_94 = arith.addi %scan3A_92, %scan3A_93 : i32
      %scan3A_95 = arith.constant 1 : i32
      %scan3A_96:5 = scf.for %scan3A_133 = %scan3A_92 to %scan3A_94 step %scan3A_95 iter_args(%scan3A_134 = %select_n3A_64, %scan3A_135 = %scan3A, %scan3A_136 = %select_n3A_89, %scan3A_137 = %scan3A_90, %scan3A_138 = %scan3A_91) -> (i32, i32, i32, i32, i32)  : i32 {
        %eq3A_139 = arith.constant 0 : i32
        %eq3A_140 = arith.cmpi eq, %scan3A_133, %eq3A_139 : i32
        %eq3A_141 = arith.constant 1 : i32
        %eq3A_142 = arith.cmpi eq, %scan3A_133, %eq3A_141 : i32
        %add3A_143 = arith.addi %scan3A_138, %mul3A_0 : i32
        %sub3A_144 = arith.constant 1 : i32
        %sub3A_145 = arith.subi %scan3A_138, %sub3A_144 : i32
        %select_n3A_146 = arith.constant true
        %select_n3A_147 = arith.select %select_n3A_146, %sub3A_145, %scan3A_138 : i32
        %eq3A_148 = arith.constant -1 : i32
        %eq3A_149 = arith.cmpi eq, %select_n3A_147, %eq3A_148 : i32
        %select_n3A_150 = arith.constant 1 : i32
        %select_n3A_151 = arith.select %eq3A_149, %select_n3A_150, %select_n3A_147 : i32
        %add3A_152 = arith.addi %select_n3A_151, %mul3A_0 : i32
        %add3A_153 = arith.constant 1 : i32
        %add3A_154 = arith.addi %scan3A_138, %add3A_153 : i32
        %select_n3A_155 = arith.constant true
        %select_n3A_156 = arith.select %select_n3A_155, %add3A_154, %scan3A_138 : i32
        %eq3A_157 = arith.constant 2 : i32
        %eq3A_158 = arith.cmpi eq, %select_n3A_156, %eq3A_157 : i32
        %select_n3A_159 = arith.constant 0 : i32
        %select_n3A_160 = arith.select %eq3A_158, %select_n3A_159, %select_n3A_156 : i32
        %add3A_161 = arith.addi %select_n3A_160, %mul3A_0 : i32
        %add3A_162 = arith.constant 1 : i32
        %add3A_163 = arith.addi %select_n3A_160, %add3A_162 : i32
        %select_n3A_164 = arith.constant true
        %select_n3A_165 = arith.select %select_n3A_164, %add3A_163, %select_n3A_160 : i32
        %eq3A_166 = arith.constant 2 : i32
        %eq3A_167 = arith.cmpi eq, %select_n3A_165, %eq3A_166 : i32
        %select_n3A_168 = arith.constant 0 : i32
        %select_n3A_169 = arith.select %eq3A_167, %select_n3A_168, %select_n3A_165 : i32
        %add3A_170 = arith.addi %select_n3A_169, %mul3A_0 : i32
        %jit3A_171 = arith.constant 16 : i32
        %eq3A_172 = arith.constant 0 : i32
        %eq3A_173 = arith.cmpi eq, %jit3A_171, %eq3A_172 : i32
        %jit3A_174 = arith.constant 1 : i32
        %select_n3A_175 = arith.select %eq3A_173, %jit3A_174, %jit3A_171 : i32
        %rem3A_176 = arith.remsi %add3A_143, %select_n3A_175 : i32
        %ne3A_177 = arith.constant 0 : i32
        %ne3A_178 = arith.cmpi ne, %rem3A_176, %ne3A_177 : i32
        %lt3A_179 = arith.constant 0 : i32
        %lt3A_180 = arith.cmpi slt, %rem3A_176, %lt3A_179 : i32
        %lt3A_181 = arith.constant 0 : i32
        %lt3A_182 = arith.cmpi slt, %select_n3A_175, %lt3A_181 : i32
        %ne3A_183 = arith.xori %lt3A_180, %lt3A_182 : i1
        %and3A_184 = arith.andi %ne3A_183, %ne3A_178 : i1
        %add3A_185 = arith.addi %rem3A_176, %select_n3A_175 : i32
        %select_n3A_186 = arith.select %and3A_184, %add3A_185, %rem3A_176 : i32
        %jit3A_187 = arith.constant 16 : i32
        %eq3A_188 = arith.constant 0 : i32
        %eq3A_189 = arith.cmpi eq, %jit3A_187, %eq3A_188 : i32
        %jit3A_190 = arith.constant 1 : i32
        %select_n3A_191 = arith.select %eq3A_189, %jit3A_190, %jit3A_187 : i32
        %rem3A_192 = arith.remsi %add3A_161, %select_n3A_191 : i32
        %ne3A_193 = arith.constant 0 : i32
        %ne3A_194 = arith.cmpi ne, %rem3A_192, %ne3A_193 : i32
        %lt3A_195 = arith.constant 0 : i32
        %lt3A_196 = arith.cmpi slt, %rem3A_192, %lt3A_195 : i32
        %lt3A_197 = arith.constant 0 : i32
        %lt3A_198 = arith.cmpi slt, %select_n3A_191, %lt3A_197 : i32
        %ne3A_199 = arith.xori %lt3A_196, %lt3A_198 : i1
        %and3A_200 = arith.andi %ne3A_199, %ne3A_194 : i1
        %add3A_201 = arith.addi %rem3A_192, %select_n3A_191 : i32
        %select_n3A_202 = arith.select %and3A_200, %add3A_201, %rem3A_192 : i32
        %ne3A_203 = arith.cmpi ne, %select_n3A_186, %select_n3A_202 : i32
        %or3A = arith.constant false
        %or3A_204 = arith.ori %or3A, %ne3A_203 : i1
        %or3A_205 = arith.constant false
        %or3A_206 = arith.ori %or3A_204, %or3A_205 : i1
        %ge3A = arith.constant 1 : i32
        %ge3A_207 = arith.cmpi sge, %scan3A_133, %ge3A : i32
        %not3A = arith.constant true
        %not3A_208 = arith.xori %ge3A_207, %not3A : i1
        %and3A_209 = arith.andi %or3A_206, %not3A_208 : i1
        %convert_element_type3A = arith.extui %and3A_209 : i1 to i32
        %cond3A = arith.constant 0 : i32
        %cond3A_210 = arith.cmpi ne, %convert_element_type3A, %cond3A : i32
        scf.if %cond3A_210 {
          "tpu.trace_start"() <{level = 10 : i32, message = "ep_copy_in"}> : () -> ()
          %rem3A_449 = arith.constant 2 : i32
          %rem3A_450 = arith.remui %scan3A_134, %rem3A_449 : i32
          %jit3A_451 = arith.constant 16 : i32
          %eq3A_452 = arith.constant 0 : i32
          %eq3A_453 = arith.cmpi eq, %jit3A_451, %eq3A_452 : i32
          %jit3A_454 = arith.constant 1 : i32
          %select_n3A_455 = arith.select %eq3A_453, %jit3A_454, %jit3A_451 : i32
          %rem3A_456 = arith.remsi %add3A_161, %select_n3A_455 : i32
          %ne3A_457 = arith.constant 0 : i32
          %ne3A_458 = arith.cmpi ne, %rem3A_456, %ne3A_457 : i32
          %lt3A_459 = arith.constant 0 : i32
          %lt3A_460 = arith.cmpi slt, %rem3A_456, %lt3A_459 : i32
          %lt3A_461 = arith.constant 0 : i32
          %lt3A_462 = arith.cmpi slt, %select_n3A_455, %lt3A_461 : i32
          %ne3A_463 = arith.xori %lt3A_460, %lt3A_462 : i1
          %and3A_464 = arith.andi %ne3A_463, %ne3A_458 : i1
          %add3A_465 = arith.addi %rem3A_456, %select_n3A_455 : i32
          %select_n3A_466 = arith.select %and3A_464, %add3A_465, %rem3A_456 : i32
          %mul3A_467 = arith.constant 128 : i32
          %mul3A_468 = arith.muli %mul3A_467, %select_n3A_466 : i32
          %dma_start3A_469 = arith.constant 0 : i32
          %dma_start3A_470 = arith.constant 0 : i32
          %dma_start3A_471 = tpu.memref_slice %run_scoped3A[%rem3A_450, %dma_start3A_469, %dma_start3A_470] : memref<2x128x256xi32, #tpu.memory_space<vmem>> -> memref<1x128x256xi32, #tpu.memory_space<vmem>>
          %dma_start3A_472 = tpu.memref_squeeze %dma_start3A_471 : memref<1x128x256xi32, #tpu.memory_space<vmem>> -> memref<128x256xi32, #tpu.memory_space<vmem>>
          %dma_start3A_473 = arith.constant 0 : i32
          %dma_start3A_474 = tpu.memref_slice %arg2[%mul3A_468, %dma_start3A_473] : memref<2048x256xi32, #tpu.memory_space<hbm>> -> memref<128x256xi32, #tpu.memory_space<hbm>>
          %dma_start3A_475 = tpu.memref_slice %run_scoped3A_1[%rem3A_450] : memref<2x!tpu.dma_semaphore, #tpu.memory_space<semaphore_mem>> -> memref<1x!tpu.dma_semaphore, #tpu.memory_space<semaphore_mem>>
          %dma_start3A_476 = tpu.memref_squeeze %dma_start3A_475 : memref<1x!tpu.dma_semaphore, #tpu.memory_space<semaphore_mem>> -> memref<!tpu.dma_semaphore, #tpu.memory_space<semaphore_mem>>
          %dma_start3A_477 = arith.constant 0 : i32
          %dma_start3A_478 = arith.constant 0 : i32
          %dma_start3A_479 = tpu.memref_slice %run_scoped3A[%rem3A_450, %dma_start3A_477, %dma_start3A_478] : memref<2x128x256xi32, #tpu.memory_space<vmem>> -> memref<1x128x256xi32, #tpu.memory_space<vmem>>
          %dma_start3A_480 = tpu.memref_squeeze %dma_start3A_479 : memref<1x128x256xi32, #tpu.memory_space<vmem>> -> memref<128x256xi32, #tpu.memory_space<vmem>>
          %dma_start3A_481 = arith.constant 0 : i32
          %dma_start3A_482 = tpu.memref_slice %arg2[%mul3A_468, %dma_start3A_481] : memref<2048x256xi32, #tpu.memory_space<hbm>> -> memref<128x256xi32, #tpu.memory_space<hbm>>
          tpu.enqueue_dma source(%dma_start3A_482 : memref<128x256xi32, #tpu.memory_space<hbm>>) target(%dma_start3A_480 : memref<128x256xi32, #tpu.memory_space<vmem>>) target_semaphore(%dma_start3A_476 : memref<!tpu.dma_semaphore, #tpu.memory_space<semaphore_mem>>)
          "tpu.trace_stop"() : () -> ()
        } else {
        }
        %and3A_211 = arith.constant true
        %and3A_212 = arith.andi %and3A_209, %and3A_211 : i1
        %add3A_213 = arith.constant 1 : i32
        %add3A_214 = arith.addi %scan3A_134, %add3A_213 : i32
        %select_n3A_215 = arith.select %and3A_212, %add3A_214, %scan3A_134 : i32
        %ne3A_216 = arith.cmpi ne, %add3A_143, %add3A_161 : i32
        %or3A_217 = arith.constant false
        %or3A_218 = arith.ori %or3A_217, %ne3A_216 : i1
        %ge3A_219 = arith.constant 1 : i32
        %ge3A_220 = arith.cmpi sge, %scan3A_133, %ge3A_219 : i32
        %not3A_221 = arith.constant true
        %not3A_222 = arith.xori %ge3A_220, %not3A_221 : i1
        %and3A_223 = arith.andi %or3A_218, %not3A_222 : i1
        %convert_element_type3A_224 = arith.extui %and3A_223 : i1 to i32
        %cond3A_225 = arith.constant 0 : i32
        %cond3A_226 = arith.cmpi ne, %convert_element_type3A_224, %cond3A_225 : i32
        scf.if %cond3A_226 {
          "tpu.trace_start"() <{level = 10 : i32, message = "ep_copy_in"}> : () -> ()
          %rem3A_449 = arith.constant 2 : i32
          %rem3A_450 = arith.remui %scan3A_136, %rem3A_449 : i32
          %mul3A_451 = arith.constant 128 : i32
          %mul3A_452 = arith.muli %mul3A_451, %add3A_161 : i32
          %dma_start3A_453 = arith.constant 0 : i32
          %dma_start3A_454 = arith.constant 0 : i32
          %dma_start3A_455 = tpu.memref_slice %run_scoped3A_2[%rem3A_450, %dma_start3A_453, %dma_start3A_454] : memref<2x1x128xi32, #tpu.memory_space<vmem>> -> memref<1x1x128xi32, #tpu.memory_space<vmem>>
          %dma_start3A_456 = tpu.memref_squeeze %dma_start3A_455 : memref<1x1x128xi32, #tpu.memory_space<vmem>> -> memref<1x128xi32, #tpu.memory_space<vmem>>
          %dma_start3A_457 = arith.constant 0 : i32
          %dma_start3A_458 = tpu.memref_slice %arg3[%dma_start3A_457, %mul3A_452] : memref<1x4096xi32, #tpu.memory_space<hbm>> -> memref<1x128xi32, #tpu.memory_space<hbm>>
          %dma_start3A_459 = tpu.memref_slice %run_scoped3A_3[%rem3A_450] : memref<2x!tpu.dma_semaphore, #tpu.memory_space<semaphore_mem>> -> memref<1x!tpu.dma_semaphore, #tpu.memory_space<semaphore_mem>>
          %dma_start3A_460 = tpu.memref_squeeze %dma_start3A_459 : memref<1x!tpu.dma_semaphore, #tpu.memory_space<semaphore_mem>> -> memref<!tpu.dma_semaphore, #tpu.memory_space<semaphore_mem>>
          %dma_start3A_461 = arith.constant 0 : i32
          %dma_start3A_462 = arith.constant 0 : i32
          %dma_start3A_463 = tpu.memref_slice %run_scoped3A_2[%rem3A_450, %dma_start3A_461, %dma_start3A_462] : memref<2x1x128xi32, #tpu.memory_space<vmem>> -> memref<1x1x128xi32, #tpu.memory_space<vmem>>
          %dma_start3A_464 = tpu.memref_squeeze %dma_start3A_463 : memref<1x1x128xi32, #tpu.memory_space<vmem>> -> memref<1x128xi32, #tpu.memory_space<vmem>>
          %dma_start3A_465 = arith.constant 0 : i32
          %dma_start3A_466 = tpu.memref_slice %arg3[%dma_start3A_465, %mul3A_452] : memref<1x4096xi32, #tpu.memory_space<hbm>> -> memref<1x128xi32, #tpu.memory_space<hbm>>
          tpu.enqueue_dma source(%dma_start3A_466 : memref<1x128xi32, #tpu.memory_space<hbm>>) target(%dma_start3A_464 : memref<1x128xi32, #tpu.memory_space<vmem>>) target_semaphore(%dma_start3A_460 : memref<!tpu.dma_semaphore, #tpu.memory_space<semaphore_mem>>)
          "tpu.trace_stop"() : () -> ()
        } else {
        }
        %and3A_227 = arith.constant true
        %and3A_228 = arith.andi %and3A_223, %and3A_227 : i1
        %add3A_229 = arith.constant 1 : i32
        %add3A_230 = arith.addi %scan3A_136, %add3A_229 : i32
        %select_n3A_231 = arith.select %and3A_228, %add3A_230, %scan3A_136 : i32
        %jit3A_232 = arith.constant 16 : i32
        %eq3A_233 = arith.constant 0 : i32
        %eq3A_234 = arith.cmpi eq, %jit3A_232, %eq3A_233 : i32
        %jit3A_235 = arith.constant 1 : i32
        %select_n3A_236 = arith.select %eq3A_234, %jit3A_235, %jit3A_232 : i32
        %rem3A_237 = arith.remsi %add3A_143, %select_n3A_236 : i32
        %ne3A_238 = arith.constant 0 : i32
        %ne3A_239 = arith.cmpi ne, %rem3A_237, %ne3A_238 : i32
        %lt3A_240 = arith.constant 0 : i32
        %lt3A_241 = arith.cmpi slt, %rem3A_237, %lt3A_240 : i32
        %lt3A_242 = arith.constant 0 : i32
        %lt3A_243 = arith.cmpi slt, %select_n3A_236, %lt3A_242 : i32
        %ne3A_244 = arith.xori %lt3A_241, %lt3A_243 : i1
        %and3A_245 = arith.andi %ne3A_244, %ne3A_239 : i1
        %add3A_246 = arith.addi %rem3A_237, %select_n3A_236 : i32
        %select_n3A_247 = arith.select %and3A_245, %add3A_246, %rem3A_237 : i32
        %jit3A_248 = arith.constant 16 : i32
        %eq3A_249 = arith.constant 0 : i32
        %eq3A_250 = arith.cmpi eq, %jit3A_248, %eq3A_249 : i32
        %jit3A_251 = arith.constant 1 : i32
        %select_n3A_252 = arith.select %eq3A_250, %jit3A_251, %jit3A_248 : i32
        %rem3A_253 = arith.remsi %add3A_152, %select_n3A_252 : i32
        %ne3A_254 = arith.constant 0 : i32
        %ne3A_255 = arith.cmpi ne, %rem3A_253, %ne3A_254 : i32
        %lt3A_256 = arith.constant 0 : i32
        %lt3A_257 = arith.cmpi slt, %rem3A_253, %lt3A_256 : i32
        %lt3A_258 = arith.constant 0 : i32
        %lt3A_259 = arith.cmpi slt, %select_n3A_252, %lt3A_258 : i32
        %ne3A_260 = arith.xori %lt3A_257, %lt3A_259 : i1
        %and3A_261 = arith.andi %ne3A_260, %ne3A_255 : i1
        %add3A_262 = arith.addi %rem3A_253, %select_n3A_252 : i32
        %select_n3A_263 = arith.select %and3A_261, %add3A_262, %rem3A_253 : i32
        %ne3A_264 = arith.cmpi ne, %select_n3A_247, %select_n3A_263 : i32
        %or3A_265 = arith.constant false
        %or3A_266 = arith.ori %or3A_265, %ne3A_264 : i1
        %or3A_267 = arith.constant false
        %or3A_268 = arith.ori %or3A_266, %or3A_267 : i1
        %or3A_269 = arith.ori %or3A_268, %eq3A_140 : i1
        %convert_element_type3A_270 = arith.extui %or3A_269 : i1 to i32
        %cond3A_271 = arith.constant 0 : i32
        %cond3A_272 = arith.cmpi ne, %convert_element_type3A_270, %cond3A_271 : i32
        scf.if %cond3A_272 {
          %jit3A_449 = arith.constant 16 : i32
          "tpu.trace_start"() <{level = 10 : i32, message = "ep_wait_in"}> : () -> ()
          %eq3A_450 = arith.constant 0 : i32
          %eq3A_451 = arith.cmpi eq, %jit3A_449, %eq3A_450 : i32
          %jit3A_452 = arith.constant 1 : i32
          %select_n3A_453 = arith.select %eq3A_451, %jit3A_452, %jit3A_449 : i32
          %rem3A_454 = arith.remsi %add3A_143, %select_n3A_453 : i32
          %ne3A_455 = arith.constant 0 : i32
          %ne3A_456 = arith.cmpi ne, %rem3A_454, %ne3A_455 : i32
          %lt3A_457 = arith.constant 0 : i32
          %lt3A_458 = arith.cmpi slt, %rem3A_454, %lt3A_457 : i32
          %lt3A_459 = arith.constant 0 : i32
          %lt3A_460 = arith.cmpi slt, %select_n3A_453, %lt3A_459 : i32
          %ne3A_461 = arith.xori %lt3A_458, %lt3A_460 : i1
          %and3A_462 = arith.andi %ne3A_461, %ne3A_456 : i1
          %add3A_463 = arith.addi %rem3A_454, %select_n3A_453 : i32
          %select_n3A_464 = arith.select %and3A_462, %add3A_463, %rem3A_454 : i32
          %mul3A_465 = arith.constant 128 : i32
          %mul3A_466 = arith.muli %mul3A_465, %select_n3A_464 : i32
          %rem3A_467 = arith.constant 2 : i32
          %rem3A_468 = arith.remui %scan3A_135, %rem3A_467 : i32
          %dma_wait3A = arith.constant 0 : i32
          %dma_wait3A_469 = arith.constant 0 : i32
          %dma_wait3A_470 = tpu.memref_slice %run_scoped3A[%rem3A_468, %dma_wait3A, %dma_wait3A_469] : memref<2x128x256xi32, #tpu.memory_space<vmem>> -> memref<1x128x256xi32, #tpu.memory_space<vmem>>
          %dma_wait3A_471 = tpu.memref_squeeze %dma_wait3A_470 : memref<1x128x256xi32, #tpu.memory_space<vmem>> -> memref<128x256xi32, #tpu.memory_space<vmem>>
          %dma_wait3A_472 = arith.constant 0 : i32
          %dma_wait3A_473 = tpu.memref_slice %arg2[%mul3A_466, %dma_wait3A_472] : memref<2048x256xi32, #tpu.memory_space<hbm>> -> memref<128x256xi32, #tpu.memory_space<hbm>>
          %dma_wait3A_474 = tpu.memref_slice %run_scoped3A_1[%rem3A_468] : memref<2x!tpu.dma_semaphore, #tpu.memory_space<semaphore_mem>> -> memref<1x!tpu.dma_semaphore, #tpu.memory_space<semaphore_mem>>
          %dma_wait3A_475 = tpu.memref_squeeze %dma_wait3A_474 : memref<1x!tpu.dma_semaphore, #tpu.memory_space<semaphore_mem>> -> memref<!tpu.dma_semaphore, #tpu.memory_space<semaphore_mem>>
          %dma_wait3A_476 = arith.constant 0 : i32
          %dma_wait3A_477 = arith.constant 0 : i32
          %dma_wait3A_478 = tpu.memref_slice %run_scoped3A[%rem3A_468, %dma_wait3A_476, %dma_wait3A_477] : memref<2x128x256xi32, #tpu.memory_space<vmem>> -> memref<1x128x256xi32, #tpu.memory_space<vmem>>
          %dma_wait3A_479 = tpu.memref_squeeze %dma_wait3A_478 : memref<1x128x256xi32, #tpu.memory_space<vmem>> -> memref<128x256xi32, #tpu.memory_space<vmem>>
          %dma_wait3A_480 = arith.constant 0 : i32
          %dma_wait3A_481 = tpu.memref_slice %arg2[%mul3A_466, %dma_wait3A_480] : memref<2048x256xi32, #tpu.memory_space<hbm>> -> memref<128x256xi32, #tpu.memory_space<hbm>>
          tpu.wait_dma2 semaphore(%dma_wait3A_475 : memref<!tpu.dma_semaphore, #tpu.memory_space<semaphore_mem>>) src(%dma_wait3A_481 : memref<128x256xi32, #tpu.memory_space<hbm>>) dst(%dma_wait3A_479 : memref<128x256xi32, #tpu.memory_space<vmem>>)
          "tpu.trace_stop"() : () -> ()
        } else {
        }
        %ne3A_273 = arith.cmpi ne, %add3A_143, %add3A_152 : i32
        %or3A_274 = arith.constant false
        %or3A_275 = arith.ori %or3A_274, %ne3A_273 : i1
        %or3A_276 = arith.ori %or3A_275, %eq3A_140 : i1
        %convert_element_type3A_277 = arith.extui %or3A_276 : i1 to i32
        %cond3A_278 = arith.constant 0 : i32
        %cond3A_279 = arith.cmpi ne, %convert_element_type3A_277, %cond3A_278 : i32
        scf.if %cond3A_279 {
          "tpu.trace_start"() <{level = 10 : i32, message = "ep_wait_in"}> : () -> ()
          %mul3A_449 = arith.constant 128 : i32
          %mul3A_450 = arith.muli %mul3A_449, %add3A_143 : i32
          %rem3A_451 = arith.constant 2 : i32
          %rem3A_452 = arith.remui %scan3A_137, %rem3A_451 : i32
          %dma_wait3A = arith.constant 0 : i32
          %dma_wait3A_453 = arith.constant 0 : i32
          %dma_wait3A_454 = tpu.memref_slice %run_scoped3A_2[%rem3A_452, %dma_wait3A, %dma_wait3A_453] : memref<2x1x128xi32, #tpu.memory_space<vmem>> -> memref<1x1x128xi32, #tpu.memory_space<vmem>>
          %dma_wait3A_455 = tpu.memref_squeeze %dma_wait3A_454 : memref<1x1x128xi32, #tpu.memory_space<vmem>> -> memref<1x128xi32, #tpu.memory_space<vmem>>
          %dma_wait3A_456 = arith.constant 0 : i32
          %dma_wait3A_457 = tpu.memref_slice %arg3[%dma_wait3A_456, %mul3A_450] : memref<1x4096xi32, #tpu.memory_space<hbm>> -> memref<1x128xi32, #tpu.memory_space<hbm>>
          %dma_wait3A_458 = tpu.memref_slice %run_scoped3A_3[%rem3A_452] : memref<2x!tpu.dma_semaphore, #tpu.memory_space<semaphore_mem>> -> memref<1x!tpu.dma_semaphore, #tpu.memory_space<semaphore_mem>>
          %dma_wait3A_459 = tpu.memref_squeeze %dma_wait3A_458 : memref<1x!tpu.dma_semaphore, #tpu.memory_space<semaphore_mem>> -> memref<!tpu.dma_semaphore, #tpu.memory_space<semaphore_mem>>
          %dma_wait3A_460 = arith.constant 0 : i32
          %dma_wait3A_461 = arith.constant 0 : i32
          %dma_wait3A_462 = tpu.memref_slice %run_scoped3A_2[%rem3A_452, %dma_wait3A_460, %dma_wait3A_461] : memref<2x1x128xi32, #tpu.memory_space<vmem>> -> memref<1x1x128xi32, #tpu.memory_space<vmem>>
          %dma_wait3A_463 = tpu.memref_squeeze %dma_wait3A_462 : memref<1x1x128xi32, #tpu.memory_space<vmem>> -> memref<1x128xi32, #tpu.memory_space<vmem>>
          %dma_wait3A_464 = arith.constant 0 : i32
          %dma_wait3A_465 = tpu.memref_slice %arg3[%dma_wait3A_464, %mul3A_450] : memref<1x4096xi32, #tpu.memory_space<hbm>> -> memref<1x128xi32, #tpu.memory_space<hbm>>
          tpu.wait_dma2 semaphore(%dma_wait3A_459 : memref<!tpu.dma_semaphore, #tpu.memory_space<semaphore_mem>>) src(%dma_wait3A_465 : memref<1x128xi32, #tpu.memory_space<hbm>>) dst(%dma_wait3A_463 : memref<1x128xi32, #tpu.memory_space<vmem>>)
          "tpu.trace_stop"() : () -> ()
        } else {
        }
        %rem3A_280 = arith.constant 2 : i32
        %rem3A_281 = arith.remui %scan3A_135, %rem3A_280 : i32
        %rem3A_282 = arith.constant 2 : i32
        %rem3A_283 = arith.remui %scan3A_137, %rem3A_282 : i32
        %run_scoped3A_284 = arith.constant 0 : i32
        "tpu.trace_start"() <{level = 10 : i32, message = "ep_run_kernel"}> : () -> ()
        "tpu.region"() ({
          %run_scoped3A_449 = tpu.sem_alloc : memref<!tpu.dma_semaphore, #tpu.memory_space<semaphore_mem>>
          %dma_start3A_450 = arith.constant 0 : i32
          %dma_start3A_451 = arith.constant 0 : i32
          %dma_start3A_452 = tpu.memref_slice %run_scoped3A[%rem3A_281, %dma_start3A_450, %dma_start3A_451] : memref<2x128x256xi32, #tpu.memory_space<vmem>> -> memref<1x128x256xi32, #tpu.memory_space<vmem>>
          %dma_start3A_453 = tpu.memref_squeeze %dma_start3A_452 : memref<1x128x256xi32, #tpu.memory_space<vmem>> -> memref<128x256xi32, #tpu.memory_space<vmem>>
          %dma_start3A_454 = arith.constant 0 : i32
          %dma_start3A_455 = arith.constant 0 : i32
          %dma_start3A_456 = tpu.memref_slice %run_scoped3A_2[%rem3A_283, %dma_start3A_454, %dma_start3A_455] : memref<2x1x128xi32, #tpu.memory_space<vmem>> -> memref<1x1x128xi32, #tpu.memory_space<vmem>>
          %dma_start3A_457 = tpu.memref_squeeze %dma_start3A_456 : memref<1x1x128xi32, #tpu.memory_space<vmem>> -> memref<1x128xi32, #tpu.memory_space<vmem>>
          %dma_start3A_458 = arith.constant 0 : i32
          %dma_start3A_459 = tpu.memref_slice %dma_start3A_457[%run_scoped3A_284, %dma_start3A_458] : memref<1x128xi32, #tpu.memory_space<vmem>> -> memref<1x128xi32, #tpu.memory_space<vmem>>
          %dma_start3A_460 = tpu.memref_squeeze %dma_start3A_459 : memref<1x128xi32, #tpu.memory_space<vmem>> -> memref<128xi32, #tpu.memory_space<vmem>>
          %dma_start3A_461 = arith.constant 0 : i32
          %dma_start3A_462 = arith.constant 0 : i32
          %dma_start3A_463 = tpu.memref_slice %arg4[%dma_start3A_461, %dma_start3A_462] : memref<6144x256xi32, #tpu.memory_space<hbm>> -> memref<6144x256xi32, #tpu.memory_space<hbm>>
          tpu.enqueue_indirect_dma source(%dma_start3A_453 : memref<128x256xi32, #tpu.memory_space<vmem>>) target(%dma_start3A_463 : memref<6144x256xi32, #tpu.memory_space<hbm>>) offsets(%dma_start3A_460 : memref<128xi32, #tpu.memory_space<vmem>>) semaphore(%run_scoped3A_449 : memref<!tpu.dma_semaphore, #tpu.memory_space<semaphore_mem>>)
          %dma_wait3A = arith.constant 0 : i32
          %dma_wait3A_464 = arith.constant 0 : i32
          %dma_wait3A_465 = tpu.memref_slice %run_scoped3A[%rem3A_281, %dma_wait3A, %dma_wait3A_464] : memref<2x128x256xi32, #tpu.memory_space<vmem>> -> memref<1x128x256xi32, #tpu.memory_space<vmem>>
          %dma_wait3A_466 = tpu.memref_squeeze %dma_wait3A_465 : memref<1x128x256xi32, #tpu.memory_space<vmem>> -> memref<128x256xi32, #tpu.memory_space<vmem>>
          %dma_wait3A_467 = arith.constant 0 : i32
          %dma_wait3A_468 = arith.constant 0 : i32
          %dma_wait3A_469 = tpu.memref_slice %run_scoped3A_2[%rem3A_283, %dma_wait3A_467, %dma_wait3A_468] : memref<2x1x128xi32, #tpu.memory_space<vmem>> -> memref<1x1x128xi32, #tpu.memory_space<vmem>>
          %dma_wait3A_470 = tpu.memref_squeeze %dma_wait3A_469 : memref<1x1x128xi32, #tpu.memory_space<vmem>> -> memref<1x128xi32, #tpu.memory_space<vmem>>
          %dma_wait3A_471 = arith.constant 0 : i32
          %dma_wait3A_472 = tpu.memref_slice %dma_wait3A_470[%run_scoped3A_284, %dma_wait3A_471] : memref<1x128xi32, #tpu.memory_space<vmem>> -> memref<1x128xi32, #tpu.memory_space<vmem>>
          %dma_wait3A_473 = tpu.memref_squeeze %dma_wait3A_472 : memref<1x128xi32, #tpu.memory_space<vmem>> -> memref<128xi32, #tpu.memory_space<vmem>>
          %dma_wait3A_474 = arith.constant 0 : i32
          %dma_wait3A_475 = arith.constant 0 : i32
          %dma_wait3A_476 = tpu.memref_slice %arg4[%dma_wait3A_474, %dma_wait3A_475] : memref<6144x256xi32, #tpu.memory_space<hbm>> -> memref<6144x256xi32, #tpu.memory_space<hbm>>
          tpu.wait_indirect_dma semaphore(%run_scoped3A_449 : memref<!tpu.dma_semaphore, #tpu.memory_space<semaphore_mem>>) src(%dma_wait3A_466 : memref<128x256xi32, #tpu.memory_space<vmem>>) dst(%dma_wait3A_476 : memref<6144x256xi32, #tpu.memory_space<hbm>>)
          tpu.yield
        }) : () -> ()
        %jit3A_285 = arith.constant 16 : i32
        "tpu.trace_stop"() : () -> ()
        %eq3A_286 = arith.constant 0 : i32
        %eq3A_287 = arith.cmpi eq, %jit3A_285, %eq3A_286 : i32
        %jit3A_288 = arith.constant 1 : i32
        %select_n3A_289 = arith.select %eq3A_287, %jit3A_288, %jit3A_285 : i32
        %rem3A_290 = arith.remsi %add3A_143, %select_n3A_289 : i32
        %ne3A_291 = arith.constant 0 : i32
        %ne3A_292 = arith.cmpi ne, %rem3A_290, %ne3A_291 : i32
        %lt3A_293 = arith.constant 0 : i32
        %lt3A_294 = arith.cmpi slt, %rem3A_290, %lt3A_293 : i32
        %lt3A_295 = arith.constant 0 : i32
        %lt3A_296 = arith.cmpi slt, %select_n3A_289, %lt3A_295 : i32
        %ne3A_297 = arith.xori %lt3A_294, %lt3A_296 : i1
        %and3A_298 = arith.andi %ne3A_297, %ne3A_292 : i1
        %add3A_299 = arith.addi %rem3A_290, %select_n3A_289 : i32
        %select_n3A_300 = arith.select %and3A_298, %add3A_299, %rem3A_290 : i32
        %jit3A_301 = arith.constant 16 : i32
        %eq3A_302 = arith.constant 0 : i32
        %eq3A_303 = arith.cmpi eq, %jit3A_301, %eq3A_302 : i32
        %jit3A_304 = arith.constant 1 : i32
        %select_n3A_305 = arith.select %eq3A_303, %jit3A_304, %jit3A_301 : i32
        %rem3A_306 = arith.remsi %add3A_161, %select_n3A_305 : i32
        %ne3A_307 = arith.constant 0 : i32
        %ne3A_308 = arith.cmpi ne, %rem3A_306, %ne3A_307 : i32
        %lt3A_309 = arith.constant 0 : i32
        %lt3A_310 = arith.cmpi slt, %rem3A_306, %lt3A_309 : i32
        %lt3A_311 = arith.constant 0 : i32
        %lt3A_312 = arith.cmpi slt, %select_n3A_305, %lt3A_311 : i32
        %ne3A_313 = arith.xori %lt3A_310, %lt3A_312 : i1
        %and3A_314 = arith.andi %ne3A_313, %ne3A_308 : i1
        %add3A_315 = arith.addi %rem3A_306, %select_n3A_305 : i32
        %select_n3A_316 = arith.select %and3A_314, %add3A_315, %rem3A_306 : i32
        %ne3A_317 = arith.cmpi ne, %select_n3A_300, %select_n3A_316 : i32
        %or3A_318 = arith.constant false
        %or3A_319 = arith.ori %or3A_318, %ne3A_317 : i1
        %or3A_320 = arith.constant false
        %or3A_321 = arith.ori %or3A_319, %or3A_320 : i1
        %or3A_322 = arith.ori %or3A_321, %eq3A_142 : i1
        %convert_element_type3A_323 = arith.extui %or3A_322 : i1 to i32
        %cond3A_324 = arith.constant 0 : i32
        %cond3A_325 = arith.cmpi ne, %convert_element_type3A_323, %cond3A_324 : i32
        scf.if %cond3A_325 {
        } else {
        }
        %and3A_326 = arith.constant false
        %and3A_327 = arith.andi %or3A_322, %and3A_326 : i1
        %ne3A_328 = arith.cmpi ne, %add3A_143, %add3A_161 : i32
        %or3A_329 = arith.constant false
        %or3A_330 = arith.ori %or3A_329, %ne3A_328 : i1
        %or3A_331 = arith.ori %or3A_330, %eq3A_142 : i1
        %convert_element_type3A_332 = arith.extui %or3A_331 : i1 to i32
        %cond3A_333 = arith.constant 0 : i32
        %cond3A_334 = arith.cmpi ne, %convert_element_type3A_332, %cond3A_333 : i32
        scf.if %cond3A_334 {
        } else {
        }
        %and3A_335 = arith.constant false
        %and3A_336 = arith.andi %or3A_331, %and3A_335 : i1
        %jit3A_337 = arith.constant 16 : i32
        %eq3A_338 = arith.constant 0 : i32
        %eq3A_339 = arith.cmpi eq, %jit3A_337, %eq3A_338 : i32
        %jit3A_340 = arith.constant 1 : i32
        %select_n3A_341 = arith.select %eq3A_339, %jit3A_340, %jit3A_337 : i32
        %rem3A_342 = arith.remsi %add3A_143, %select_n3A_341 : i32
        %ne3A_343 = arith.constant 0 : i32
        %ne3A_344 = arith.cmpi ne, %rem3A_342, %ne3A_343 : i32
        %lt3A_345 = arith.constant 0 : i32
        %lt3A_346 = arith.cmpi slt, %rem3A_342, %lt3A_345 : i32
        %lt3A_347 = arith.constant 0 : i32
        %lt3A_348 = arith.cmpi slt, %select_n3A_341, %lt3A_347 : i32
        %ne3A_349 = arith.xori %lt3A_346, %lt3A_348 : i1
        %and3A_350 = arith.andi %ne3A_349, %ne3A_344 : i1
        %add3A_351 = arith.addi %rem3A_342, %select_n3A_341 : i32
        %select_n3A_352 = arith.select %and3A_350, %add3A_351, %rem3A_342 : i32
        %jit3A_353 = arith.constant 16 : i32
        %eq3A_354 = arith.constant 0 : i32
        %eq3A_355 = arith.cmpi eq, %jit3A_353, %eq3A_354 : i32
        %jit3A_356 = arith.constant 1 : i32
        %select_n3A_357 = arith.select %eq3A_355, %jit3A_356, %jit3A_353 : i32
        %rem3A_358 = arith.remsi %add3A_152, %select_n3A_357 : i32
        %ne3A_359 = arith.constant 0 : i32
        %ne3A_360 = arith.cmpi ne, %rem3A_358, %ne3A_359 : i32
        %lt3A_361 = arith.constant 0 : i32
        %lt3A_362 = arith.cmpi slt, %rem3A_358, %lt3A_361 : i32
        %lt3A_363 = arith.constant 0 : i32
        %lt3A_364 = arith.cmpi slt, %select_n3A_357, %lt3A_363 : i32
        %ne3A_365 = arith.xori %lt3A_362, %lt3A_364 : i1
        %and3A_366 = arith.andi %ne3A_365, %ne3A_360 : i1
        %add3A_367 = arith.addi %rem3A_358, %select_n3A_357 : i32
        %select_n3A_368 = arith.select %and3A_366, %add3A_367, %rem3A_358 : i32
        %ne3A_369 = arith.cmpi ne, %select_n3A_352, %select_n3A_368 : i32
        %or3A_370 = arith.constant false
        %or3A_371 = arith.ori %or3A_370, %ne3A_369 : i1
        %or3A_372 = arith.constant false
        %or3A_373 = arith.ori %or3A_371, %or3A_372 : i1
        %not3A_374 = arith.constant true
        %not3A_375 = arith.xori %eq3A_140, %not3A_374 : i1
        %and3A_376 = arith.andi %or3A_373, %not3A_375 : i1
        %convert_element_type3A_377 = arith.extui %and3A_376 : i1 to i32
        %cond3A_378 = arith.constant 0 : i32
        %cond3A_379 = arith.cmpi ne, %convert_element_type3A_377, %cond3A_378 : i32
        scf.if %cond3A_379 {
        } else {
        }
        %and3A_380 = arith.constant false
        %and3A_381 = arith.andi %and3A_376, %and3A_380 : i1
        %ne3A_382 = arith.cmpi ne, %add3A_143, %add3A_152 : i32
        %or3A_383 = arith.constant false
        %or3A_384 = arith.ori %or3A_383, %ne3A_382 : i1
        %not3A_385 = arith.constant true
        %not3A_386 = arith.xori %eq3A_140, %not3A_385 : i1
        %and3A_387 = arith.andi %or3A_384, %not3A_386 : i1
        %convert_element_type3A_388 = arith.extui %and3A_387 : i1 to i32
        %cond3A_389 = arith.constant 0 : i32
        %cond3A_390 = arith.cmpi ne, %convert_element_type3A_388, %cond3A_389 : i32
        scf.if %cond3A_390 {
        } else {
        }
        %and3A_391 = arith.constant false
        %and3A_392 = arith.andi %and3A_387, %and3A_391 : i1
        %jit3A_393 = arith.constant 16 : i32
        %eq3A_394 = arith.constant 0 : i32
        %eq3A_395 = arith.cmpi eq, %jit3A_393, %eq3A_394 : i32
        %jit3A_396 = arith.constant 1 : i32
        %select_n3A_397 = arith.select %eq3A_395, %jit3A_396, %jit3A_393 : i32
        %rem3A_398 = arith.remsi %add3A_143, %select_n3A_397 : i32
        %ne3A_399 = arith.constant 0 : i32
        %ne3A_400 = arith.cmpi ne, %rem3A_398, %ne3A_399 : i32
        %lt3A_401 = arith.constant 0 : i32
        %lt3A_402 = arith.cmpi slt, %rem3A_398, %lt3A_401 : i32
        %lt3A_403 = arith.constant 0 : i32
        %lt3A_404 = arith.cmpi slt, %select_n3A_397, %lt3A_403 : i32
        %ne3A_405 = arith.xori %lt3A_402, %lt3A_404 : i1
        %and3A_406 = arith.andi %ne3A_405, %ne3A_400 : i1
        %add3A_407 = arith.addi %rem3A_398, %select_n3A_397 : i32
        %select_n3A_408 = arith.select %and3A_406, %add3A_407, %rem3A_398 : i32
        %jit3A_409 = arith.constant 16 : i32
        %eq3A_410 = arith.constant 0 : i32
        %eq3A_411 = arith.cmpi eq, %jit3A_409, %eq3A_410 : i32
        %jit3A_412 = arith.constant 1 : i32
        %select_n3A_413 = arith.select %eq3A_411, %jit3A_412, %jit3A_409 : i32
        %rem3A_414 = arith.remsi %add3A_161, %select_n3A_413 : i32
        %ne3A_415 = arith.constant 0 : i32
        %ne3A_416 = arith.cmpi ne, %rem3A_414, %ne3A_415 : i32
        %lt3A_417 = arith.constant 0 : i32
        %lt3A_418 = arith.cmpi slt, %rem3A_414, %lt3A_417 : i32
        %lt3A_419 = arith.constant 0 : i32
        %lt3A_420 = arith.cmpi slt, %select_n3A_413, %lt3A_419 : i32
        %ne3A_421 = arith.xori %lt3A_418, %lt3A_420 : i1
        %and3A_422 = arith.andi %ne3A_421, %ne3A_416 : i1
        %add3A_423 = arith.addi %rem3A_414, %select_n3A_413 : i32
        %select_n3A_424 = arith.select %and3A_422, %add3A_423, %rem3A_414 : i32
        %ne3A_425 = arith.cmpi ne, %select_n3A_408, %select_n3A_424 : i32
        %or3A_426 = arith.constant false
        %or3A_427 = arith.ori %or3A_426, %ne3A_425 : i1
        %or3A_428 = arith.constant false
        %or3A_429 = arith.ori %or3A_427, %or3A_428 : i1
        %or3A_430 = arith.ori %or3A_429, %eq3A_142 : i1
        %add3A_431 = arith.constant 1 : i32
        %add3A_432 = arith.addi %scan3A_135, %add3A_431 : i32
        %select_n3A_433 = arith.select %or3A_430, %add3A_432, %scan3A_135 : i32
        %ne3A_434 = arith.cmpi ne, %add3A_143, %add3A_161 : i32
        %or3A_435 = arith.constant false
        %or3A_436 = arith.ori %or3A_435, %ne3A_434 : i1
        %or3A_437 = arith.ori %or3A_436, %eq3A_142 : i1
        %add3A_438 = arith.constant 1 : i32
        %add3A_439 = arith.addi %scan3A_137, %add3A_438 : i32
        %select_n3A_440 = arith.select %or3A_437, %add3A_439, %scan3A_137 : i32
        %add3A_441 = arith.constant 1 : i32
        %add3A_442 = arith.addi %scan3A_138, %add3A_441 : i32
        %select_n3A_443 = arith.constant true
        %select_n3A_444 = arith.select %select_n3A_443, %add3A_442, %scan3A_138 : i32
        %eq3A_445 = arith.constant 2 : i32
        %eq3A_446 = arith.cmpi eq, %select_n3A_444, %eq3A_445 : i32
        %select_n3A_447 = arith.constant 0 : i32
        %select_n3A_448 = arith.select %eq3A_446, %select_n3A_447, %select_n3A_444 : i32
        scf.yield %select_n3A_215, %select_n3A_433, %select_n3A_231, %select_n3A_440, %select_n3A_448 : i32, i32, i32, i32, i32
      }
      %scan3A_97 = arith.constant 2 : i32
      %sub3A = arith.constant 1 : i32
      %sub3A_98 = arith.subi %scan3A_96#4, %sub3A : i32
      %select_n3A_99 = arith.constant true
      %select_n3A_100 = arith.select %select_n3A_99, %sub3A_98, %scan3A_96#4 : i32
      %eq3A_101 = arith.constant -1 : i32
      %eq3A_102 = arith.cmpi eq, %select_n3A_100, %eq3A_101 : i32
      %select_n3A_103 = arith.constant 1 : i32
      %select_n3A_104 = arith.select %eq3A_102, %select_n3A_103, %select_n3A_100 : i32
      %add3A_105 = arith.addi %select_n3A_104, %mul3A_0 : i32
      %sub3A_106 = arith.constant 1 : i32
      %sub3A_107 = arith.subi %select_n3A_104, %sub3A_106 : i32
      %select_n3A_108 = arith.constant true
      %select_n3A_109 = arith.select %select_n3A_108, %sub3A_107, %select_n3A_104 : i32
      %eq3A_110 = arith.constant -1 : i32
      %eq3A_111 = arith.cmpi eq, %select_n3A_109, %eq3A_110 : i32
      %select_n3A_112 = arith.constant 1 : i32
      %select_n3A_113 = arith.select %eq3A_111, %select_n3A_112, %select_n3A_109 : i32
      %add3A_114 = arith.addi %select_n3A_113, %mul3A_0 : i32
      %add3A_115 = arith.constant 1 : i32
      %add3A_116 = arith.addi %select_n3A_104, %add3A_115 : i32
      %select_n3A_117 = arith.constant true
      %select_n3A_118 = arith.select %select_n3A_117, %add3A_116, %select_n3A_104 : i32
      %eq3A_119 = arith.constant 2 : i32
      %eq3A_120 = arith.cmpi eq, %select_n3A_118, %eq3A_119 : i32
      %select_n3A_121 = arith.constant 0 : i32
      %select_n3A_122 = arith.select %eq3A_120, %select_n3A_121, %select_n3A_118 : i32
      %add3A_123 = arith.addi %select_n3A_122, %mul3A_0 : i32
      %add3A_124 = arith.constant 1 : i32
      %add3A_125 = arith.addi %select_n3A_122, %add3A_124 : i32
      %select_n3A_126 = arith.constant true
      %select_n3A_127 = arith.select %select_n3A_126, %add3A_125, %select_n3A_122 : i32
      %eq3A_128 = arith.constant 2 : i32
      %eq3A_129 = arith.cmpi eq, %select_n3A_127, %eq3A_128 : i32
      %select_n3A_130 = arith.constant 0 : i32
      %select_n3A_131 = arith.select %eq3A_129, %select_n3A_130, %select_n3A_127 : i32
      %add3A_132 = arith.addi %select_n3A_131, %mul3A_0 : i32
      tpu.yield
    }) : () -> ()
    return
  }
}

#map = affine_map<(d0, d1) -> (0, 0)>
module attributes {stable_mosaic.version = 14 : i64} {
  func.func @k(%arg0: i32, %arg1: i32, %arg2: memref<6144x256xi32, #tpu.memory_space<hbm>>, %arg3: memref<1x4096xi32, #tpu.memory_space<hbm>>, %arg4: memref<4096x256xi32, #tpu.memory_space<hbm>>) attributes {dimension_semantics = [#tpu.dimension_semantics<core_parallel>, #tpu.dimension_semantics<subcore_parallel>], iteration_bounds = array<i64: 2, 16>, scalar_prefetch = 0 : i64, scratch_operands = 0 : i64, tpu.core_type = #tpu.core_type<sc_vector_subcore>, window_params = [{transform_indices = #map}, {transform_indices = #map}, {transform_indices = #map}]} {
    %mul3A = arith.constant 2 : i32
    %mul3A_0 = arith.muli %arg1, %mul3A : i32
    "tpu.region"() ({
      %run_scoped3A = memref.alloca() : memref<2x1x128xi32, #tpu.memory_space<vmem>>
      %run_scoped3A_1 = tpu.sem_alloc : memref<2x!tpu.dma_semaphore, #tpu.memory_space<semaphore_mem>>
      %run_scoped3A_2 = memref.alloca() : memref<2x128x256xi32, #tpu.memory_space<vmem>>
      %run_scoped3A_3 = tpu.sem_alloc : memref<2x!tpu.dma_semaphore, #tpu.memory_space<semaphore_mem>>
      %add3A = arith.constant 0 : i32
      %add3A_4 = arith.addi %add3A, %mul3A_0 : i32
      %select_n3A = arith.constant true
      %select_n3A_5 = arith.constant 0 : i32
      %select_n3A_6 = arith.constant -1 : i32
      %select_n3A_7 = arith.select %select_n3A, %select_n3A_6, %select_n3A_5 : i32
      %eq3A = arith.constant -1 : i32
      %eq3A_8 = arith.cmpi eq, %select_n3A_7, %eq3A : i32
      %select_n3A_9 = arith.constant 1 : i32
      %select_n3A_10 = arith.select %eq3A_8, %select_n3A_9, %select_n3A_7 : i32
      %add3A_11 = arith.addi %select_n3A_10, %mul3A_0 : i32
      %select_n3A_12 = arith.constant true
      %select_n3A_13 = arith.constant 0 : i32
      %select_n3A_14 = arith.constant 1 : i32
      %select_n3A_15 = arith.select %select_n3A_12, %select_n3A_14, %select_n3A_13 : i32
      %eq3A_16 = arith.constant 2 : i32
      %eq3A_17 = arith.cmpi eq, %select_n3A_15, %eq3A_16 : i32
      %select_n3A_18 = arith.constant 0 : i32
      %select_n3A_19 = arith.select %eq3A_17, %select_n3A_18, %select_n3A_15 : i32
      %add3A_20 = arith.addi %select_n3A_19, %mul3A_0 : i32
      %add3A_21 = arith.constant 1 : i32
      %add3A_22 = arith.addi %select_n3A_19, %add3A_21 : i32
      %select_n3A_23 = arith.constant true
      %select_n3A_24 = arith.select %select_n3A_23, %add3A_22, %select_n3A_19 : i32
      %eq3A_25 = arith.constant 2 : i32
      %eq3A_26 = arith.cmpi eq, %select_n3A_24, %eq3A_25 : i32
      %select_n3A_27 = arith.constant 0 : i32
      %select_n3A_28 = arith.select %eq3A_26, %select_n3A_27, %select_n3A_24 : i32
      %add3A_29 = arith.addi %select_n3A_28, %mul3A_0 : i32
      "tpu.trace_start"() <{level = 10 : i32, message = "ep_initialize_0"}> : () -> ()
      %rem3A = arith.constant 0 : i32
      %rem3A_30 = arith.constant 2 : i32
      %rem3A_31 = arith.remui %rem3A, %rem3A_30 : i32
      %mul3A_32 = arith.constant 128 : i32
      %mul3A_33 = arith.muli %mul3A_32, %add3A_4 : i32
      %dma_start3A = arith.constant 0 : i32
      %dma_start3A_34 = arith.constant 0 : i32
      %dma_start3A_35 = tpu.memref_slice %run_scoped3A[%rem3A_31, %dma_start3A, %dma_start3A_34] : memref<2x1x128xi32, #tpu.memory_space<vmem>> -> memref<1x1x128xi32, #tpu.memory_space<vmem>>
      %dma_start3A_36 = tpu.memref_squeeze %dma_start3A_35 : memref<1x1x128xi32, #tpu.memory_space<vmem>> -> memref<1x128xi32, #tpu.memory_space<vmem>>
      %dma_start3A_37 = arith.constant 0 : i32
      %dma_start3A_38 = tpu.memref_slice %arg3[%dma_start3A_37, %mul3A_33] : memref<1x4096xi32, #tpu.memory_space<hbm>> -> memref<1x128xi32, #tpu.memory_space<hbm>>
      %dma_start3A_39 = tpu.memref_slice %run_scoped3A_1[%rem3A_31] : memref<2x!tpu.dma_semaphore, #tpu.memory_space<semaphore_mem>> -> memref<1x!tpu.dma_semaphore, #tpu.memory_space<semaphore_mem>>
      %dma_start3A_40 = tpu.memref_squeeze %dma_start3A_39 : memref<1x!tpu.dma_semaphore, #tpu.memory_space<semaphore_mem>> -> memref<!tpu.dma_semaphore, #tpu.memory_space<semaphore_mem>>
      %dma_start3A_41 = arith.constant 0 : i32
      %dma_start3A_42 = arith.constant 0 : i32
      %dma_start3A_43 = tpu.memref_slice %run_scoped3A[%rem3A_31, %dma_start3A_41, %dma_start3A_42] : memref<2x1x128xi32, #tpu.memory_space<vmem>> -> memref<1x1x128xi32, #tpu.memory_space<vmem>>
      %dma_start3A_44 = tpu.memref_squeeze %dma_start3A_43 : memref<1x1x128xi32, #tpu.memory_space<vmem>> -> memref<1x128xi32, #tpu.memory_space<vmem>>
      %dma_start3A_45 = arith.constant 0 : i32
      %dma_start3A_46 = tpu.memref_slice %arg3[%dma_start3A_45, %mul3A_33] : memref<1x4096xi32, #tpu.memory_space<hbm>> -> memref<1x128xi32, #tpu.memory_space<hbm>>
      tpu.enqueue_dma source(%dma_start3A_46 : memref<1x128xi32, #tpu.memory_space<hbm>>) target(%dma_start3A_44 : memref<1x128xi32, #tpu.memory_space<vmem>>) target_semaphore(%dma_start3A_40 : memref<!tpu.dma_semaphore, #tpu.memory_space<semaphore_mem>>)
      %add3A_47 = arith.constant 0 : i32
      %add3A_48 = arith.constant 1 : i32
      %add3A_49 = arith.addi %add3A_47, %add3A_48 : i32
      %select_n3A_50 = arith.constant true
      %select_n3A_51 = arith.constant 0 : i32
      %select_n3A_52 = arith.select %select_n3A_50, %add3A_49, %select_n3A_51 : i32
      "tpu.trace_stop"() : () -> ()
      %scan3A = arith.constant 0 : i32
      %scan3A_53 = arith.constant 0 : i32
      %scan3A_54 = arith.constant 0 : i32
      %scan3A_55 = arith.constant 0 : i32
      %scan3A_56 = arith.constant 0 : i32
      %scan3A_57 = arith.constant 2 : i32
      %scan3A_58 = arith.addi %scan3A_56, %scan3A_57 : i32
      %scan3A_59 = arith.constant 1 : i32
      %scan3A_60:5 = scf.for %scan3A_114 = %scan3A_56 to %scan3A_58 step %scan3A_59 iter_args(%scan3A_115 = %select_n3A_52, %scan3A_116 = %scan3A, %scan3A_117 = %scan3A_53, %scan3A_118 = %scan3A_54, %scan3A_119 = %scan3A_55) -> (i32, i32, i32, i32, i32)  : i32 {
        %eq3A_120 = arith.constant 0 : i32
        %eq3A_121 = arith.cmpi eq, %scan3A_114, %eq3A_120 : i32
        %eq3A_122 = arith.constant 1 : i32
        %eq3A_123 = arith.cmpi eq, %scan3A_114, %eq3A_122 : i32
        %add3A_124 = arith.addi %scan3A_119, %mul3A_0 : i32
        %sub3A_125 = arith.constant 1 : i32
        %sub3A_126 = arith.subi %scan3A_119, %sub3A_125 : i32
        %select_n3A_127 = arith.constant true
        %select_n3A_128 = arith.select %select_n3A_127, %sub3A_126, %scan3A_119 : i32
        %eq3A_129 = arith.constant -1 : i32
        %eq3A_130 = arith.cmpi eq, %select_n3A_128, %eq3A_129 : i32
        %select_n3A_131 = arith.constant 1 : i32
        %select_n3A_132 = arith.select %eq3A_130, %select_n3A_131, %select_n3A_128 : i32
        %add3A_133 = arith.addi %select_n3A_132, %mul3A_0 : i32
        %add3A_134 = arith.constant 1 : i32
        %add3A_135 = arith.addi %scan3A_119, %add3A_134 : i32
        %select_n3A_136 = arith.constant true
        %select_n3A_137 = arith.select %select_n3A_136, %add3A_135, %scan3A_119 : i32
        %eq3A_138 = arith.constant 2 : i32
        %eq3A_139 = arith.cmpi eq, %select_n3A_137, %eq3A_138 : i32
        %select_n3A_140 = arith.constant 0 : i32
        %select_n3A_141 = arith.select %eq3A_139, %select_n3A_140, %select_n3A_137 : i32
        %add3A_142 = arith.addi %select_n3A_141, %mul3A_0 : i32
        %add3A_143 = arith.constant 1 : i32
        %add3A_144 = arith.addi %select_n3A_141, %add3A_143 : i32
        %select_n3A_145 = arith.constant true
        %select_n3A_146 = arith.select %select_n3A_145, %add3A_144, %select_n3A_141 : i32
        %eq3A_147 = arith.constant 2 : i32
        %eq3A_148 = arith.cmpi eq, %select_n3A_146, %eq3A_147 : i32
        %select_n3A_149 = arith.constant 0 : i32
        %select_n3A_150 = arith.select %eq3A_148, %select_n3A_149, %select_n3A_146 : i32
        %add3A_151 = arith.addi %select_n3A_150, %mul3A_0 : i32
        %ne3A = arith.cmpi ne, %add3A_124, %add3A_142 : i32
        %or3A = arith.constant false
        %or3A_152 = arith.ori %or3A, %ne3A : i1
        %ge3A = arith.constant 1 : i32
        %ge3A_153 = arith.cmpi sge, %scan3A_114, %ge3A : i32
        %not3A = arith.constant true
        %not3A_154 = arith.xori %ge3A_153, %not3A : i1
        %and3A = arith.andi %or3A_152, %not3A_154 : i1
        %convert_element_type3A = arith.extui %and3A : i1 to i32
        %cond3A = arith.constant 0 : i32
        %cond3A_155 = arith.cmpi ne, %convert_element_type3A, %cond3A : i32
        scf.if %cond3A_155 {
          "tpu.trace_start"() <{level = 10 : i32, message = "ep_copy_in"}> : () -> ()
          %rem3A_257 = arith.constant 2 : i32
          %rem3A_258 = arith.remui %scan3A_115, %rem3A_257 : i32
          %mul3A_259 = arith.constant 128 : i32
          %mul3A_260 = arith.muli %mul3A_259, %add3A_142 : i32
          %dma_start3A_261 = arith.constant 0 : i32
          %dma_start3A_262 = arith.constant 0 : i32
          %dma_start3A_263 = tpu.memref_slice %run_scoped3A[%rem3A_258, %dma_start3A_261, %dma_start3A_262] : memref<2x1x128xi32, #tpu.memory_space<vmem>> -> memref<1x1x128xi32, #tpu.memory_space<vmem>>
          %dma_start3A_264 = tpu.memref_squeeze %dma_start3A_263 : memref<1x1x128xi32, #tpu.memory_space<vmem>> -> memref<1x128xi32, #tpu.memory_space<vmem>>
          %dma_start3A_265 = arith.constant 0 : i32
          %dma_start3A_266 = tpu.memref_slice %arg3[%dma_start3A_265, %mul3A_260] : memref<1x4096xi32, #tpu.memory_space<hbm>> -> memref<1x128xi32, #tpu.memory_space<hbm>>
          %dma_start3A_267 = tpu.memref_slice %run_scoped3A_1[%rem3A_258] : memref<2x!tpu.dma_semaphore, #tpu.memory_space<semaphore_mem>> -> memref<1x!tpu.dma_semaphore, #tpu.memory_space<semaphore_mem>>
          %dma_start3A_268 = tpu.memref_squeeze %dma_start3A_267 : memref<1x!tpu.dma_semaphore, #tpu.memory_space<semaphore_mem>> -> memref<!tpu.dma_semaphore, #tpu.memory_space<semaphore_mem>>
          %dma_start3A_269 = arith.constant 0 : i32
          %dma_start3A_270 = arith.constant 0 : i32
          %dma_start3A_271 = tpu.memref_slice %run_scoped3A[%rem3A_258, %dma_start3A_269, %dma_start3A_270] : memref<2x1x128xi32, #tpu.memory_space<vmem>> -> memref<1x1x128xi32, #tpu.memory_space<vmem>>
          %dma_start3A_272 = tpu.memref_squeeze %dma_start3A_271 : memref<1x1x128xi32, #tpu.memory_space<vmem>> -> memref<1x128xi32, #tpu.memory_space<vmem>>
          %dma_start3A_273 = arith.constant 0 : i32
          %dma_start3A_274 = tpu.memref_slice %arg3[%dma_start3A_273, %mul3A_260] : memref<1x4096xi32, #tpu.memory_space<hbm>> -> memref<1x128xi32, #tpu.memory_space<hbm>>
          tpu.enqueue_dma source(%dma_start3A_274 : memref<1x128xi32, #tpu.memory_space<hbm>>) target(%dma_start3A_272 : memref<1x128xi32, #tpu.memory_space<vmem>>) target_semaphore(%dma_start3A_268 : memref<!tpu.dma_semaphore, #tpu.memory_space<semaphore_mem>>)
          "tpu.trace_stop"() : () -> ()
        } else {
        }
        %and3A_156 = arith.constant true
        %and3A_157 = arith.andi %and3A, %and3A_156 : i1
        %add3A_158 = arith.constant 1 : i32
        %add3A_159 = arith.addi %scan3A_115, %add3A_158 : i32
        %select_n3A_160 = arith.select %and3A_157, %add3A_159, %scan3A_115 : i32
        %ne3A_161 = arith.cmpi ne, %add3A_124, %add3A_142 : i32
        %or3A_162 = arith.constant false
        %or3A_163 = arith.ori %or3A_162, %ne3A_161 : i1
        %or3A_164 = arith.constant false
        %or3A_165 = arith.ori %or3A_163, %or3A_164 : i1
        %ge3A_166 = arith.constant 1 : i32
        %ge3A_167 = arith.cmpi sge, %scan3A_114, %ge3A_166 : i32
        %not3A_168 = arith.constant true
        %not3A_169 = arith.xori %ge3A_167, %not3A_168 : i1
        %and3A_170 = arith.andi %or3A_165, %not3A_169 : i1
        %ne3A_171 = arith.cmpi ne, %add3A_124, %add3A_133 : i32
        %or3A_172 = arith.constant false
        %or3A_173 = arith.ori %or3A_172, %ne3A_171 : i1
        %or3A_174 = arith.ori %or3A_173, %eq3A_121 : i1
        %convert_element_type3A_175 = arith.extui %or3A_174 : i1 to i32
        %cond3A_176 = arith.constant 0 : i32
        %cond3A_177 = arith.cmpi ne, %convert_element_type3A_175, %cond3A_176 : i32
        scf.if %cond3A_177 {
          "tpu.trace_start"() <{level = 10 : i32, message = "ep_wait_in"}> : () -> ()
          %mul3A_257 = arith.constant 128 : i32
          %mul3A_258 = arith.muli %mul3A_257, %add3A_124 : i32
          %rem3A_259 = arith.constant 2 : i32
          %rem3A_260 = arith.remui %scan3A_116, %rem3A_259 : i32
          %dma_wait3A_261 = arith.constant 0 : i32
          %dma_wait3A_262 = arith.constant 0 : i32
          %dma_wait3A_263 = tpu.memref_slice %run_scoped3A[%rem3A_260, %dma_wait3A_261, %dma_wait3A_262] : memref<2x1x128xi32, #tpu.memory_space<vmem>> -> memref<1x1x128xi32, #tpu.memory_space<vmem>>
          %dma_wait3A_264 = tpu.memref_squeeze %dma_wait3A_263 : memref<1x1x128xi32, #tpu.memory_space<vmem>> -> memref<1x128xi32, #tpu.memory_space<vmem>>
          %dma_wait3A_265 = arith.constant 0 : i32
          %dma_wait3A_266 = tpu.memref_slice %arg3[%dma_wait3A_265, %mul3A_258] : memref<1x4096xi32, #tpu.memory_space<hbm>> -> memref<1x128xi32, #tpu.memory_space<hbm>>
          %dma_wait3A_267 = tpu.memref_slice %run_scoped3A_1[%rem3A_260] : memref<2x!tpu.dma_semaphore, #tpu.memory_space<semaphore_mem>> -> memref<1x!tpu.dma_semaphore, #tpu.memory_space<semaphore_mem>>
          %dma_wait3A_268 = tpu.memref_squeeze %dma_wait3A_267 : memref<1x!tpu.dma_semaphore, #tpu.memory_space<semaphore_mem>> -> memref<!tpu.dma_semaphore, #tpu.memory_space<semaphore_mem>>
          %dma_wait3A_269 = arith.constant 0 : i32
          %dma_wait3A_270 = arith.constant 0 : i32
          %dma_wait3A_271 = tpu.memref_slice %run_scoped3A[%rem3A_260, %dma_wait3A_269, %dma_wait3A_270] : memref<2x1x128xi32, #tpu.memory_space<vmem>> -> memref<1x1x128xi32, #tpu.memory_space<vmem>>
          %dma_wait3A_272 = tpu.memref_squeeze %dma_wait3A_271 : memref<1x1x128xi32, #tpu.memory_space<vmem>> -> memref<1x128xi32, #tpu.memory_space<vmem>>
          %dma_wait3A_273 = arith.constant 0 : i32
          %dma_wait3A_274 = tpu.memref_slice %arg3[%dma_wait3A_273, %mul3A_258] : memref<1x4096xi32, #tpu.memory_space<hbm>> -> memref<1x128xi32, #tpu.memory_space<hbm>>
          tpu.wait_dma2 semaphore(%dma_wait3A_268 : memref<!tpu.dma_semaphore, #tpu.memory_space<semaphore_mem>>) src(%dma_wait3A_274 : memref<1x128xi32, #tpu.memory_space<hbm>>) dst(%dma_wait3A_272 : memref<1x128xi32, #tpu.memory_space<vmem>>)
          "tpu.trace_stop"() : () -> ()
        } else {
        }
        %ne3A_178 = arith.cmpi ne, %add3A_124, %add3A_133 : i32
        %or3A_179 = arith.constant false
        %or3A_180 = arith.ori %or3A_179, %ne3A_178 : i1
        %or3A_181 = arith.constant false
        %or3A_182 = arith.ori %or3A_180, %or3A_181 : i1
        %or3A_183 = arith.ori %or3A_182, %eq3A_121 : i1
        %convert_element_type3A_184 = arith.extui %or3A_183 : i1 to i32
        %cond3A_185 = arith.constant 0 : i32
        %cond3A_186 = arith.cmpi ne, %convert_element_type3A_184, %cond3A_185 : i32
        scf.if %cond3A_186 {
        } else {
        }
        %rem3A_187 = arith.constant 2 : i32
        %rem3A_188 = arith.remui %scan3A_116, %rem3A_187 : i32
        %rem3A_189 = arith.constant 2 : i32
        %rem3A_190 = arith.remui %scan3A_117, %rem3A_189 : i32
        %run_scoped3A_191 = arith.constant 0 : i32
        "tpu.trace_start"() <{level = 10 : i32, message = "ep_run_kernel"}> : () -> ()
        "tpu.region"() ({
          %run_scoped3A_257 = tpu.sem_alloc : memref<!tpu.dma_semaphore, #tpu.memory_space<semaphore_mem>>
          %dma_start3A_258 = arith.constant 0 : i32
          %dma_start3A_259 = arith.constant 0 : i32
          %dma_start3A_260 = tpu.memref_slice %run_scoped3A_2[%rem3A_190, %dma_start3A_258, %dma_start3A_259] : memref<2x128x256xi32, #tpu.memory_space<vmem>> -> memref<1x128x256xi32, #tpu.memory_space<vmem>>
          %dma_start3A_261 = tpu.memref_squeeze %dma_start3A_260 : memref<1x128x256xi32, #tpu.memory_space<vmem>> -> memref<128x256xi32, #tpu.memory_space<vmem>>
          %dma_start3A_262 = arith.constant 0 : i32
          %dma_start3A_263 = arith.constant 0 : i32
          %dma_start3A_264 = tpu.memref_slice %run_scoped3A[%rem3A_188, %dma_start3A_262, %dma_start3A_263] : memref<2x1x128xi32, #tpu.memory_space<vmem>> -> memref<1x1x128xi32, #tpu.memory_space<vmem>>
          %dma_start3A_265 = tpu.memref_squeeze %dma_start3A_264 : memref<1x1x128xi32, #tpu.memory_space<vmem>> -> memref<1x128xi32, #tpu.memory_space<vmem>>
          %dma_start3A_266 = arith.constant 0 : i32
          %dma_start3A_267 = tpu.memref_slice %dma_start3A_265[%run_scoped3A_191, %dma_start3A_266] : memref<1x128xi32, #tpu.memory_space<vmem>> -> memref<1x128xi32, #tpu.memory_space<vmem>>
          %dma_start3A_268 = tpu.memref_squeeze %dma_start3A_267 : memref<1x128xi32, #tpu.memory_space<vmem>> -> memref<128xi32, #tpu.memory_space<vmem>>
          %dma_start3A_269 = arith.constant 0 : i32
          %dma_start3A_270 = arith.constant 0 : i32
          %dma_start3A_271 = tpu.memref_slice %arg2[%dma_start3A_269, %dma_start3A_270] : memref<6144x256xi32, #tpu.memory_space<hbm>> -> memref<6144x256xi32, #tpu.memory_space<hbm>>
          tpu.enqueue_indirect_dma source(%dma_start3A_271 : memref<6144x256xi32, #tpu.memory_space<hbm>>) target(%dma_start3A_261 : memref<128x256xi32, #tpu.memory_space<vmem>>) offsets(%dma_start3A_268 : memref<128xi32, #tpu.memory_space<vmem>>) semaphore(%run_scoped3A_257 : memref<!tpu.dma_semaphore, #tpu.memory_space<semaphore_mem>>)
          %dma_wait3A_272 = arith.constant 0 : i32
          %dma_wait3A_273 = arith.constant 0 : i32
          %dma_wait3A_274 = tpu.memref_slice %run_scoped3A_2[%rem3A_190, %dma_wait3A_272, %dma_wait3A_273] : memref<2x128x256xi32, #tpu.memory_space<vmem>> -> memref<1x128x256xi32, #tpu.memory_space<vmem>>
          %dma_wait3A_275 = tpu.memref_squeeze %dma_wait3A_274 : memref<1x128x256xi32, #tpu.memory_space<vmem>> -> memref<128x256xi32, #tpu.memory_space<vmem>>
          %dma_wait3A_276 = arith.constant 0 : i32
          %dma_wait3A_277 = arith.constant 0 : i32
          %dma_wait3A_278 = tpu.memref_slice %run_scoped3A[%rem3A_188, %dma_wait3A_276, %dma_wait3A_277] : memref<2x1x128xi32, #tpu.memory_space<vmem>> -> memref<1x1x128xi32, #tpu.memory_space<vmem>>
          %dma_wait3A_279 = tpu.memref_squeeze %dma_wait3A_278 : memref<1x1x128xi32, #tpu.memory_space<vmem>> -> memref<1x128xi32, #tpu.memory_space<vmem>>
          %dma_wait3A_280 = arith.constant 0 : i32
          %dma_wait3A_281 = tpu.memref_slice %dma_wait3A_279[%run_scoped3A_191, %dma_wait3A_280] : memref<1x128xi32, #tpu.memory_space<vmem>> -> memref<1x128xi32, #tpu.memory_space<vmem>>
          %dma_wait3A_282 = tpu.memref_squeeze %dma_wait3A_281 : memref<1x128xi32, #tpu.memory_space<vmem>> -> memref<128xi32, #tpu.memory_space<vmem>>
          %dma_wait3A_283 = arith.constant 0 : i32
          %dma_wait3A_284 = arith.constant 0 : i32
          %dma_wait3A_285 = tpu.memref_slice %arg2[%dma_wait3A_283, %dma_wait3A_284] : memref<6144x256xi32, #tpu.memory_space<hbm>> -> memref<6144x256xi32, #tpu.memory_space<hbm>>
          tpu.wait_indirect_dma semaphore(%run_scoped3A_257 : memref<!tpu.dma_semaphore, #tpu.memory_space<semaphore_mem>>) src(%dma_wait3A_285 : memref<6144x256xi32, #tpu.memory_space<hbm>>) dst(%dma_wait3A_275 : memref<128x256xi32, #tpu.memory_space<vmem>>)
          tpu.yield
        }) : () -> ()
        "tpu.trace_stop"() : () -> ()
        %ne3A_192 = arith.cmpi ne, %add3A_124, %add3A_142 : i32
        %or3A_193 = arith.constant false
        %or3A_194 = arith.ori %or3A_193, %ne3A_192 : i1
        %or3A_195 = arith.ori %or3A_194, %eq3A_123 : i1
        %convert_element_type3A_196 = arith.extui %or3A_195 : i1 to i32
        %cond3A_197 = arith.constant 0 : i32
        %cond3A_198 = arith.cmpi ne, %convert_element_type3A_196, %cond3A_197 : i32
        scf.if %cond3A_198 {
        } else {
        }
        %and3A_199 = arith.constant false
        %and3A_200 = arith.andi %or3A_195, %and3A_199 : i1
        %ne3A_201 = arith.cmpi ne, %add3A_124, %add3A_142 : i32
        %or3A_202 = arith.constant false
        %or3A_203 = arith.ori %or3A_202, %ne3A_201 : i1
        %or3A_204 = arith.constant false
        %or3A_205 = arith.ori %or3A_203, %or3A_204 : i1
        %or3A_206 = arith.ori %or3A_205, %eq3A_123 : i1
        %convert_element_type3A_207 = arith.extui %or3A_206 : i1 to i32
        %cond3A_208 = arith.constant 0 : i32
        %cond3A_209 = arith.cmpi ne, %convert_element_type3A_207, %cond3A_208 : i32
        scf.if %cond3A_209 {
          "tpu.trace_start"() <{level = 10 : i32, message = "ep_copy_out"}> : () -> ()
          %rem3A_257 = arith.constant 2 : i32
          %rem3A_258 = arith.remui %scan3A_117, %rem3A_257 : i32
          %mul3A_259 = arith.constant 128 : i32
          %mul3A_260 = arith.muli %mul3A_259, %add3A_124 : i32
          %dma_start3A_261 = arith.constant 0 : i32
          %dma_start3A_262 = arith.constant 0 : i32
          %dma_start3A_263 = tpu.memref_slice %run_scoped3A_2[%rem3A_258, %dma_start3A_261, %dma_start3A_262] : memref<2x128x256xi32, #tpu.memory_space<vmem>> -> memref<1x128x256xi32, #tpu.memory_space<vmem>>
          %dma_start3A_264 = tpu.memref_squeeze %dma_start3A_263 : memref<1x128x256xi32, #tpu.memory_space<vmem>> -> memref<128x256xi32, #tpu.memory_space<vmem>>
          %dma_start3A_265 = arith.constant 0 : i32
          %dma_start3A_266 = tpu.memref_slice %arg4[%mul3A_260, %dma_start3A_265] : memref<4096x256xi32, #tpu.memory_space<hbm>> -> memref<128x256xi32, #tpu.memory_space<hbm>>
          %dma_start3A_267 = tpu.memref_slice %run_scoped3A_3[%rem3A_258] : memref<2x!tpu.dma_semaphore, #tpu.memory_space<semaphore_mem>> -> memref<1x!tpu.dma_semaphore, #tpu.memory_space<semaphore_mem>>
          %dma_start3A_268 = tpu.memref_squeeze %dma_start3A_267 : memref<1x!tpu.dma_semaphore, #tpu.memory_space<semaphore_mem>> -> memref<!tpu.dma_semaphore, #tpu.memory_space<semaphore_mem>>
          %dma_start3A_269 = arith.constant 0 : i32
          %dma_start3A_270 = tpu.memref_slice %arg4[%mul3A_260, %dma_start3A_269] : memref<4096x256xi32, #tpu.memory_space<hbm>> -> memref<128x256xi32, #tpu.memory_space<hbm>>
          %dma_start3A_271 = arith.constant 0 : i32
          %dma_start3A_272 = arith.constant 0 : i32
          %dma_start3A_273 = tpu.memref_slice %run_scoped3A_2[%rem3A_258, %dma_start3A_271, %dma_start3A_272] : memref<2x128x256xi32, #tpu.memory_space<vmem>> -> memref<1x128x256xi32, #tpu.memory_space<vmem>>
          %dma_start3A_274 = tpu.memref_squeeze %dma_start3A_273 : memref<1x128x256xi32, #tpu.memory_space<vmem>> -> memref<128x256xi32, #tpu.memory_space<vmem>>
          tpu.enqueue_dma source(%dma_start3A_274 : memref<128x256xi32, #tpu.memory_space<vmem>>) target(%dma_start3A_270 : memref<128x256xi32, #tpu.memory_space<hbm>>) target_semaphore(%dma_start3A_268 : memref<!tpu.dma_semaphore, #tpu.memory_space<semaphore_mem>>)
          "tpu.trace_stop"() : () -> ()
        } else {
        }
        %and3A_210 = arith.constant true
        %and3A_211 = arith.andi %or3A_206, %and3A_210 : i1
        %add3A_212 = arith.constant 1 : i32
        %add3A_213 = arith.addi %scan3A_117, %add3A_212 : i32
        %select_n3A_214 = arith.select %and3A_211, %add3A_213, %scan3A_117 : i32
        %ne3A_215 = arith.cmpi ne, %add3A_124, %add3A_133 : i32
        %or3A_216 = arith.constant false
        %or3A_217 = arith.ori %or3A_216, %ne3A_215 : i1
        %not3A_218 = arith.constant true
        %not3A_219 = arith.xori %eq3A_121, %not3A_218 : i1
        %and3A_220 = arith.andi %or3A_217, %not3A_219 : i1
        %convert_element_type3A_221 = arith.extui %and3A_220 : i1 to i32
        %cond3A_222 = arith.constant 0 : i32
        %cond3A_223 = arith.cmpi ne, %convert_element_type3A_221, %cond3A_222 : i32
        scf.if %cond3A_223 {
        } else {
        }
        %and3A_224 = arith.constant false
        %and3A_225 = arith.andi %and3A_220, %and3A_224 : i1
        %ne3A_226 = arith.cmpi ne, %add3A_124, %add3A_133 : i32
        %or3A_227 = arith.constant false
        %or3A_228 = arith.ori %or3A_227, %ne3A_226 : i1
        %or3A_229 = arith.constant false
        %or3A_230 = arith.ori %or3A_228, %or3A_229 : i1
        %not3A_231 = arith.constant true
        %not3A_232 = arith.xori %eq3A_121, %not3A_231 : i1
        %and3A_233 = arith.andi %or3A_230, %not3A_232 : i1
        %convert_element_type3A_234 = arith.extui %and3A_233 : i1 to i32
        %cond3A_235 = arith.constant 0 : i32
        %cond3A_236 = arith.cmpi ne, %convert_element_type3A_234, %cond3A_235 : i32
        scf.if %cond3A_236 {
          "tpu.trace_start"() <{level = 10 : i32, message = "ep_wait_out"}> : () -> ()
          %rem3A_257 = arith.constant 2 : i32
          %rem3A_258 = arith.remui %scan3A_118, %rem3A_257 : i32
          %mul3A_259 = arith.constant 128 : i32
          %mul3A_260 = arith.muli %mul3A_259, %add3A_133 : i32
          %dma_wait3A_261 = arith.constant 0 : i32
          %dma_wait3A_262 = arith.constant 0 : i32
          %dma_wait3A_263 = tpu.memref_slice %run_scoped3A_2[%rem3A_258, %dma_wait3A_261, %dma_wait3A_262] : memref<2x128x256xi32, #tpu.memory_space<vmem>> -> memref<1x128x256xi32, #tpu.memory_space<vmem>>
          %dma_wait3A_264 = tpu.memref_squeeze %dma_wait3A_263 : memref<1x128x256xi32, #tpu.memory_space<vmem>> -> memref<128x256xi32, #tpu.memory_space<vmem>>
          %dma_wait3A_265 = arith.constant 0 : i32
          %dma_wait3A_266 = tpu.memref_slice %arg4[%mul3A_260, %dma_wait3A_265] : memref<4096x256xi32, #tpu.memory_space<hbm>> -> memref<128x256xi32, #tpu.memory_space<hbm>>
          %dma_wait3A_267 = tpu.memref_slice %run_scoped3A_3[%rem3A_258] : memref<2x!tpu.dma_semaphore, #tpu.memory_space<semaphore_mem>> -> memref<1x!tpu.dma_semaphore, #tpu.memory_space<semaphore_mem>>
          %dma_wait3A_268 = tpu.memref_squeeze %dma_wait3A_267 : memref<1x!tpu.dma_semaphore, #tpu.memory_space<semaphore_mem>> -> memref<!tpu.dma_semaphore, #tpu.memory_space<semaphore_mem>>
          %dma_wait3A_269 = arith.constant 0 : i32
          %dma_wait3A_270 = tpu.memref_slice %arg4[%mul3A_260, %dma_wait3A_269] : memref<4096x256xi32, #tpu.memory_space<hbm>> -> memref<128x256xi32, #tpu.memory_space<hbm>>
          %dma_wait3A_271 = arith.constant 0 : i32
          %dma_wait3A_272 = arith.constant 0 : i32
          %dma_wait3A_273 = tpu.memref_slice %run_scoped3A_2[%rem3A_258, %dma_wait3A_271, %dma_wait3A_272] : memref<2x128x256xi32, #tpu.memory_space<vmem>> -> memref<1x128x256xi32, #tpu.memory_space<vmem>>
          %dma_wait3A_274 = tpu.memref_squeeze %dma_wait3A_273 : memref<1x128x256xi32, #tpu.memory_space<vmem>> -> memref<128x256xi32, #tpu.memory_space<vmem>>
          tpu.wait_dma2 semaphore(%dma_wait3A_268 : memref<!tpu.dma_semaphore, #tpu.memory_space<semaphore_mem>>) src(%dma_wait3A_274 : memref<128x256xi32, #tpu.memory_space<vmem>>) dst(%dma_wait3A_270 : memref<128x256xi32, #tpu.memory_space<hbm>>)
          "tpu.trace_stop"() : () -> ()
        } else {
        }
        %and3A_237 = arith.constant true
        %and3A_238 = arith.andi %and3A_233, %and3A_237 : i1
        %add3A_239 = arith.constant 1 : i32
        %add3A_240 = arith.addi %scan3A_118, %add3A_239 : i32
        %select_n3A_241 = arith.select %and3A_238, %add3A_240, %scan3A_118 : i32
        %ne3A_242 = arith.cmpi ne, %add3A_124, %add3A_142 : i32
        %or3A_243 = arith.constant false
        %or3A_244 = arith.ori %or3A_243, %ne3A_242 : i1
        %or3A_245 = arith.ori %or3A_244, %eq3A_123 : i1
        %add3A_246 = arith.constant 1 : i32
        %add3A_247 = arith.addi %scan3A_116, %add3A_246 : i32
        %select_n3A_248 = arith.select %or3A_245, %add3A_247, %scan3A_116 : i32
        %add3A_249 = arith.constant 1 : i32
        %add3A_250 = arith.addi %scan3A_119, %add3A_249 : i32
        %select_n3A_251 = arith.constant true
        %select_n3A_252 = arith.select %select_n3A_251, %add3A_250, %scan3A_119 : i32
        %eq3A_253 = arith.constant 2 : i32
        %eq3A_254 = arith.cmpi eq, %select_n3A_252, %eq3A_253 : i32
        %select_n3A_255 = arith.constant 0 : i32
        %select_n3A_256 = arith.select %eq3A_254, %select_n3A_255, %select_n3A_252 : i32
        scf.yield %select_n3A_160, %select_n3A_248, %select_n3A_214, %select_n3A_241, %select_n3A_256 : i32, i32, i32, i32, i32
      }
      %scan3A_61 = arith.constant 2 : i32
      %sub3A = arith.constant 1 : i32
      %sub3A_62 = arith.subi %scan3A_60#4, %sub3A : i32
      %select_n3A_63 = arith.constant true
      %select_n3A_64 = arith.select %select_n3A_63, %sub3A_62, %scan3A_60#4 : i32
      %eq3A_65 = arith.constant -1 : i32
      %eq3A_66 = arith.cmpi eq, %select_n3A_64, %eq3A_65 : i32
      %select_n3A_67 = arith.constant 1 : i32
      %select_n3A_68 = arith.select %eq3A_66, %select_n3A_67, %select_n3A_64 : i32
      %add3A_69 = arith.addi %select_n3A_68, %mul3A_0 : i32
      %sub3A_70 = arith.constant 1 : i32
      %sub3A_71 = arith.subi %select_n3A_68, %sub3A_70 : i32
      %select_n3A_72 = arith.constant true
      %select_n3A_73 = arith.select %select_n3A_72, %sub3A_71, %select_n3A_68 : i32
      %eq3A_74 = arith.constant -1 : i32
      %eq3A_75 = arith.cmpi eq, %select_n3A_73, %eq3A_74 : i32
      %select_n3A_76 = arith.constant 1 : i32
      %select_n3A_77 = arith.select %eq3A_75, %select_n3A_76, %select_n3A_73 : i32
      %add3A_78 = arith.addi %select_n3A_77, %mul3A_0 : i32
      %add3A_79 = arith.constant 1 : i32
      %add3A_80 = arith.addi %select_n3A_68, %add3A_79 : i32
      %select_n3A_81 = arith.constant true
      %select_n3A_82 = arith.select %select_n3A_81, %add3A_80, %select_n3A_68 : i32
      %eq3A_83 = arith.constant 2 : i32
      %eq3A_84 = arith.cmpi eq, %select_n3A_82, %eq3A_83 : i32
      %select_n3A_85 = arith.constant 0 : i32
      %select_n3A_86 = arith.select %eq3A_84, %select_n3A_85, %select_n3A_82 : i32
      %add3A_87 = arith.addi %select_n3A_86, %mul3A_0 : i32
      %add3A_88 = arith.constant 1 : i32
      %add3A_89 = arith.addi %select_n3A_86, %add3A_88 : i32
      %select_n3A_90 = arith.constant true
      %select_n3A_91 = arith.select %select_n3A_90, %add3A_89, %select_n3A_86 : i32
      %eq3A_92 = arith.constant 2 : i32
      %eq3A_93 = arith.cmpi eq, %select_n3A_91, %eq3A_92 : i32
      %select_n3A_94 = arith.constant 0 : i32
      %select_n3A_95 = arith.select %eq3A_93, %select_n3A_94, %select_n3A_91 : i32
      %add3A_96 = arith.addi %select_n3A_95, %mul3A_0 : i32
      "tpu.trace_start"() <{level = 10 : i32, message = "ep_finalize"}> : () -> ()
      %rem3A_97 = arith.constant 2 : i32
      %rem3A_98 = arith.remui %scan3A_60#3, %rem3A_97 : i32
      %mul3A_99 = arith.constant 128 : i32
      %mul3A_100 = arith.muli %mul3A_99, %add3A_69 : i32
      %dma_wait3A = arith.constant 0 : i32
      %dma_wait3A_101 = arith.constant 0 : i32
      %dma_wait3A_102 = tpu.memref_slice %run_scoped3A_2[%rem3A_98, %dma_wait3A, %dma_wait3A_101] : memref<2x128x256xi32, #tpu.memory_space<vmem>> -> memref<1x128x256xi32, #tpu.memory_space<vmem>>
      %dma_wait3A_103 = tpu.memref_squeeze %dma_wait3A_102 : memref<1x128x256xi32, #tpu.memory_space<vmem>> -> memref<128x256xi32, #tpu.memory_space<vmem>>
      %dma_wait3A_104 = arith.constant 0 : i32
      %dma_wait3A_105 = tpu.memref_slice %arg4[%mul3A_100, %dma_wait3A_104] : memref<4096x256xi32, #tpu.memory_space<hbm>> -> memref<128x256xi32, #tpu.memory_space<hbm>>
      %dma_wait3A_106 = tpu.memref_slice %run_scoped3A_3[%rem3A_98] : memref<2x!tpu.dma_semaphore, #tpu.memory_space<semaphore_mem>> -> memref<1x!tpu.dma_semaphore, #tpu.memory_space<semaphore_mem>>
      %dma_wait3A_107 = tpu.memref_squeeze %dma_wait3A_106 : memref<1x!tpu.dma_semaphore, #tpu.memory_space<semaphore_mem>> -> memref<!tpu.dma_semaphore, #tpu.memory_space<semaphore_mem>>
      %dma_wait3A_108 = arith.constant 0 : i32
      %dma_wait3A_109 = tpu.memref_slice %arg4[%mul3A_100, %dma_wait3A_108] : memref<4096x256xi32, #tpu.memory_space<hbm>> -> memref<128x256xi32, #tpu.memory_space<hbm>>
      %dma_wait3A_110 = arith.constant 0 : i32
      %dma_wait3A_111 = arith.constant 0 : i32
      %dma_wait3A_112 = tpu.memref_slice %run_scoped3A_2[%rem3A_98, %dma_wait3A_110, %dma_wait3A_111] : memref<2x128x256xi32, #tpu.memory_space<vmem>> -> memref<1x128x256xi32, #tpu.memory_space<vmem>>
      %dma_wait3A_113 = tpu.memref_squeeze %dma_wait3A_112 : memref<1x128x256xi32, #tpu.memory_space<vmem>> -> memref<128x256xi32, #tpu.memory_space<vmem>>
      tpu.wait_dma2 semaphore(%dma_wait3A_107 : memref<!tpu.dma_semaphore, #tpu.memory_space<semaphore_mem>>) src(%dma_wait3A_113 : memref<128x256xi32, #tpu.memory_space<vmem>>) dst(%dma_wait3A_109 : memref<128x256xi32, #tpu.memory_space<hbm>>)
      "tpu.trace_stop"() : () -> ()
      tpu.yield
    }) : () -> ()
    return
  }
}

#map = affine_map<(d0, d1) -> (0, 0)>
module attributes {stable_mosaic.version = 14 : i64} {
  func.func @k(%arg0: i32, %arg1: i32, %arg2: memref<6144x256xi32, #tpu.memory_space<hbm>>, %arg3: memref<1x4096xi32, #tpu.memory_space<hbm>>, %arg4: memref<4096x256xi32, #tpu.memory_space<hbm>>) attributes {dimension_semantics = [#tpu.dimension_semantics<core_parallel>, #tpu.dimension_semantics<subcore_parallel>], iteration_bounds = array<i64: 2, 16>, scalar_prefetch = 0 : i64, scratch_operands = 0 : i64, tpu.core_type = #tpu.core_type<sc_vector_subcore>, window_params = [{transform_indices = #map}, {transform_indices = #map}, {transform_indices = #map}]} {
    %mul3A = arith.constant 2 : i32
    %mul3A_0 = arith.muli %arg1, %mul3A : i32
    "tpu.region"() ({
      %run_scoped3A = memref.alloca() : memref<2x1x128xi32, #tpu.memory_space<vmem>>
      %run_scoped3A_1 = tpu.sem_alloc : memref<2x!tpu.dma_semaphore, #tpu.memory_space<semaphore_mem>>
      %run_scoped3A_2 = memref.alloca() : memref<2x128x256xi32, #tpu.memory_space<vmem>>
      %run_scoped3A_3 = tpu.sem_alloc : memref<2x!tpu.dma_semaphore, #tpu.memory_space<semaphore_mem>>
      %add3A = arith.constant 0 : i32
      %add3A_4 = arith.addi %add3A, %mul3A_0 : i32
      %select_n3A = arith.constant true
      %select_n3A_5 = arith.constant 0 : i32
      %select_n3A_6 = arith.constant -1 : i32
      %select_n3A_7 = arith.select %select_n3A, %select_n3A_6, %select_n3A_5 : i32
      %eq3A = arith.constant -1 : i32
      %eq3A_8 = arith.cmpi eq, %select_n3A_7, %eq3A : i32
      %select_n3A_9 = arith.constant 1 : i32
      %select_n3A_10 = arith.select %eq3A_8, %select_n3A_9, %select_n3A_7 : i32
      %add3A_11 = arith.addi %select_n3A_10, %mul3A_0 : i32
      %select_n3A_12 = arith.constant true
      %select_n3A_13 = arith.constant 0 : i32
      %select_n3A_14 = arith.constant 1 : i32
      %select_n3A_15 = arith.select %select_n3A_12, %select_n3A_14, %select_n3A_13 : i32
      %eq3A_16 = arith.constant 2 : i32
      %eq3A_17 = arith.cmpi eq, %select_n3A_15, %eq3A_16 : i32
      %select_n3A_18 = arith.constant 0 : i32
      %select_n3A_19 = arith.select %eq3A_17, %select_n3A_18, %select_n3A_15 : i32
      %add3A_20 = arith.addi %select_n3A_19, %mul3A_0 : i32
      %add3A_21 = arith.constant 1 : i32
      %add3A_22 = arith.addi %select_n3A_19, %add3A_21 : i32
      %select_n3A_23 = arith.constant true
      %select_n3A_24 = arith.select %select_n3A_23, %add3A_22, %select_n3A_19 : i32
      %eq3A_25 = arith.constant 2 : i32
      %eq3A_26 = arith.cmpi eq, %select_n3A_24, %eq3A_25 : i32
      %select_n3A_27 = arith.constant 0 : i32
      %select_n3A_28 = arith.select %eq3A_26, %select_n3A_27, %select_n3A_24 : i32
      %add3A_29 = arith.addi %select_n3A_28, %mul3A_0 : i32
      "tpu.trace_start"() <{level = 10 : i32, message = "ep_initialize_0"}> : () -> ()
      %rem3A = arith.constant 0 : i32
      %rem3A_30 = arith.constant 2 : i32
      %rem3A_31 = arith.remui %rem3A, %rem3A_30 : i32
      %mul3A_32 = arith.constant 128 : i32
      %mul3A_33 = arith.muli %mul3A_32, %add3A_4 : i32
      %dma_start3A = arith.constant 0 : i32
      %dma_start3A_34 = arith.constant 0 : i32
      %dma_start3A_35 = tpu.memref_slice %run_scoped3A[%rem3A_31, %dma_start3A, %dma_start3A_34] : memref<2x1x128xi32, #tpu.memory_space<vmem>> -> memref<1x1x128xi32, #tpu.memory_space<vmem>>
      %dma_start3A_36 = tpu.memref_squeeze %dma_start3A_35 : memref<1x1x128xi32, #tpu.memory_space<vmem>> -> memref<1x128xi32, #tpu.memory_space<vmem>>
      %dma_start3A_37 = arith.constant 0 : i32
      %dma_start3A_38 = tpu.memref_slice %arg3[%dma_start3A_37, %mul3A_33] : memref<1x4096xi32, #tpu.memory_space<hbm>> -> memref<1x128xi32, #tpu.memory_space<hbm>>
      %dma_start3A_39 = tpu.memref_slice %run_scoped3A_1[%rem3A_31] : memref<2x!tpu.dma_semaphore, #tpu.memory_space<semaphore_mem>> -> memref<1x!tpu.dma_semaphore, #tpu.memory_space<semaphore_mem>>
      %dma_start3A_40 = tpu.memref_squeeze %dma_start3A_39 : memref<1x!tpu.dma_semaphore, #tpu.memory_space<semaphore_mem>> -> memref<!tpu.dma_semaphore, #tpu.memory_space<semaphore_mem>>
      %dma_start3A_41 = arith.constant 0 : i32
      %dma_start3A_42 = arith.constant 0 : i32
      %dma_start3A_43 = tpu.memref_slice %run_scoped3A[%rem3A_31, %dma_start3A_41, %dma_start3A_42] : memref<2x1x128xi32, #tpu.memory_space<vmem>> -> memref<1x1x128xi32, #tpu.memory_space<vmem>>
      %dma_start3A_44 = tpu.memref_squeeze %dma_start3A_43 : memref<1x1x128xi32, #tpu.memory_space<vmem>> -> memref<1x128xi32, #tpu.memory_space<vmem>>
      %dma_start3A_45 = arith.constant 0 : i32
      %dma_start3A_46 = tpu.memref_slice %arg3[%dma_start3A_45, %mul3A_33] : memref<1x4096xi32, #tpu.memory_space<hbm>> -> memref<1x128xi32, #tpu.memory_space<hbm>>
      tpu.enqueue_dma source(%dma_start3A_46 : memref<1x128xi32, #tpu.memory_space<hbm>>) target(%dma_start3A_44 : memref<1x128xi32, #tpu.memory_space<vmem>>) target_semaphore(%dma_start3A_40 : memref<!tpu.dma_semaphore, #tpu.memory_space<semaphore_mem>>)
      %add3A_47 = arith.constant 0 : i32
      %add3A_48 = arith.constant 1 : i32
      %add3A_49 = arith.addi %add3A_47, %add3A_48 : i32
      %select_n3A_50 = arith.constant true
      %select_n3A_51 = arith.constant 0 : i32
      %select_n3A_52 = arith.select %select_n3A_50, %add3A_49, %select_n3A_51 : i32
      "tpu.trace_stop"() : () -> ()
      %scan3A = arith.constant 0 : i32
      %scan3A_53 = arith.constant 0 : i32
      %scan3A_54 = arith.constant 0 : i32
      %scan3A_55 = arith.constant 0 : i32
      %scan3A_56 = arith.constant 0 : i32
      %scan3A_57 = arith.constant 2 : i32
      %scan3A_58 = arith.addi %scan3A_56, %scan3A_57 : i32
      %scan3A_59 = arith.constant 1 : i32
      %scan3A_60:5 = scf.for %scan3A_114 = %scan3A_56 to %scan3A_58 step %scan3A_59 iter_args(%scan3A_115 = %select_n3A_52, %scan3A_116 = %scan3A, %scan3A_117 = %scan3A_53, %scan3A_118 = %scan3A_54, %scan3A_119 = %scan3A_55) -> (i32, i32, i32, i32, i32)  : i32 {
        %eq3A_120 = arith.constant 0 : i32
        %eq3A_121 = arith.cmpi eq, %scan3A_114, %eq3A_120 : i32
        %eq3A_122 = arith.constant 1 : i32
        %eq3A_123 = arith.cmpi eq, %scan3A_114, %eq3A_122 : i32
        %add3A_124 = arith.addi %scan3A_119, %mul3A_0 : i32
        %sub3A_125 = arith.constant 1 : i32
        %sub3A_126 = arith.subi %scan3A_119, %sub3A_125 : i32
        %select_n3A_127 = arith.constant true
        %select_n3A_128 = arith.select %select_n3A_127, %sub3A_126, %scan3A_119 : i32
        %eq3A_129 = arith.constant -1 : i32
        %eq3A_130 = arith.cmpi eq, %select_n3A_128, %eq3A_129 : i32
        %select_n3A_131 = arith.constant 1 : i32
        %select_n3A_132 = arith.select %eq3A_130, %select_n3A_131, %select_n3A_128 : i32
        %add3A_133 = arith.addi %select_n3A_132, %mul3A_0 : i32
        %add3A_134 = arith.constant 1 : i32
        %add3A_135 = arith.addi %scan3A_119, %add3A_134 : i32
        %select_n3A_136 = arith.constant true
        %select_n3A_137 = arith.select %select_n3A_136, %add3A_135, %scan3A_119 : i32
        %eq3A_138 = arith.constant 2 : i32
        %eq3A_139 = arith.cmpi eq, %select_n3A_137, %eq3A_138 : i32
        %select_n3A_140 = arith.constant 0 : i32
        %select_n3A_141 = arith.select %eq3A_139, %select_n3A_140, %select_n3A_137 : i32
        %add3A_142 = arith.addi %select_n3A_141, %mul3A_0 : i32
        %add3A_143 = arith.constant 1 : i32
        %add3A_144 = arith.addi %select_n3A_141, %add3A_143 : i32
        %select_n3A_145 = arith.constant true
        %select_n3A_146 = arith.select %select_n3A_145, %add3A_144, %select_n3A_141 : i32
        %eq3A_147 = arith.constant 2 : i32
        %eq3A_148 = arith.cmpi eq, %select_n3A_146, %eq3A_147 : i32
        %select_n3A_149 = arith.constant 0 : i32
        %select_n3A_150 = arith.select %eq3A_148, %select_n3A_149, %select_n3A_146 : i32
        %add3A_151 = arith.addi %select_n3A_150, %mul3A_0 : i32
        %ne3A = arith.cmpi ne, %add3A_124, %add3A_142 : i32
        %or3A = arith.constant false
        %or3A_152 = arith.ori %or3A, %ne3A : i1
        %ge3A = arith.constant 1 : i32
        %ge3A_153 = arith.cmpi sge, %scan3A_114, %ge3A : i32
        %not3A = arith.constant true
        %not3A_154 = arith.xori %ge3A_153, %not3A : i1
        %and3A = arith.andi %or3A_152, %not3A_154 : i1
        %convert_element_type3A = arith.extui %and3A : i1 to i32
        %cond3A = arith.constant 0 : i32
        %cond3A_155 = arith.cmpi ne, %convert_element_type3A, %cond3A : i32
        scf.if %cond3A_155 {
          "tpu.trace_start"() <{level = 10 : i32, message = "ep_copy_in"}> : () -> ()
          %rem3A_257 = arith.constant 2 : i32
          %rem3A_258 = arith.remui %scan3A_115, %rem3A_257 : i32
          %mul3A_259 = arith.constant 128 : i32
          %mul3A_260 = arith.muli %mul3A_259, %add3A_142 : i32
          %dma_start3A_261 = arith.constant 0 : i32
          %dma_start3A_262 = arith.constant 0 : i32
          %dma_start3A_263 = tpu.memref_slice %run_scoped3A[%rem3A_258, %dma_start3A_261, %dma_start3A_262] : memref<2x1x128xi32, #tpu.memory_space<vmem>> -> memref<1x1x128xi32, #tpu.memory_space<vmem>>
          %dma_start3A_264 = tpu.memref_squeeze %dma_start3A_263 : memref<1x1x128xi32, #tpu.memory_space<vmem>> -> memref<1x128xi32, #tpu.memory_space<vmem>>
          %dma_start3A_265 = arith.constant 0 : i32
          %dma_start3A_266 = tpu.memref_slice %arg3[%dma_start3A_265, %mul3A_260] : memref<1x4096xi32, #tpu.memory_space<hbm>> -> memref<1x128xi32, #tpu.memory_space<hbm>>
          %dma_start3A_267 = tpu.memref_slice %run_scoped3A_1[%rem3A_258] : memref<2x!tpu.dma_semaphore, #tpu.memory_space<semaphore_mem>> -> memref<1x!tpu.dma_semaphore, #tpu.memory_space<semaphore_mem>>
          %dma_start3A_268 = tpu.memref_squeeze %dma_start3A_267 : memref<1x!tpu.dma_semaphore, #tpu.memory_space<semaphore_mem>> -> memref<!tpu.dma_semaphore, #tpu.memory_space<semaphore_mem>>
          %dma_start3A_269 = arith.constant 0 : i32
          %dma_start3A_270 = arith.constant 0 : i32
          %dma_start3A_271 = tpu.memref_slice %run_scoped3A[%rem3A_258, %dma_start3A_269, %dma_start3A_270] : memref<2x1x128xi32, #tpu.memory_space<vmem>> -> memref<1x1x128xi32, #tpu.memory_space<vmem>>
          %dma_start3A_272 = tpu.memref_squeeze %dma_start3A_271 : memref<1x1x128xi32, #tpu.memory_space<vmem>> -> memref<1x128xi32, #tpu.memory_space<vmem>>
          %dma_start3A_273 = arith.constant 0 : i32
          %dma_start3A_274 = tpu.memref_slice %arg3[%dma_start3A_273, %mul3A_260] : memref<1x4096xi32, #tpu.memory_space<hbm>> -> memref<1x128xi32, #tpu.memory_space<hbm>>
          tpu.enqueue_dma source(%dma_start3A_274 : memref<1x128xi32, #tpu.memory_space<hbm>>) target(%dma_start3A_272 : memref<1x128xi32, #tpu.memory_space<vmem>>) target_semaphore(%dma_start3A_268 : memref<!tpu.dma_semaphore, #tpu.memory_space<semaphore_mem>>)
          "tpu.trace_stop"() : () -> ()
        } else {
        }
        %and3A_156 = arith.constant true
        %and3A_157 = arith.andi %and3A, %and3A_156 : i1
        %add3A_158 = arith.constant 1 : i32
        %add3A_159 = arith.addi %scan3A_115, %add3A_158 : i32
        %select_n3A_160 = arith.select %and3A_157, %add3A_159, %scan3A_115 : i32
        %ne3A_161 = arith.cmpi ne, %add3A_124, %add3A_142 : i32
        %or3A_162 = arith.constant false
        %or3A_163 = arith.ori %or3A_162, %ne3A_161 : i1
        %or3A_164 = arith.constant false
        %or3A_165 = arith.ori %or3A_163, %or3A_164 : i1
        %ge3A_166 = arith.constant 1 : i32
        %ge3A_167 = arith.cmpi sge, %scan3A_114, %ge3A_166 : i32
        %not3A_168 = arith.constant true
        %not3A_169 = arith.xori %ge3A_167, %not3A_168 : i1
        %and3A_170 = arith.andi %or3A_165, %not3A_169 : i1
        %ne3A_171 = arith.cmpi ne, %add3A_124, %add3A_133 : i32
        %or3A_172 = arith.constant false
        %or3A_173 = arith.ori %or3A_172, %ne3A_171 : i1
        %or3A_174 = arith.ori %or3A_173, %eq3A_121 : i1
        %convert_element_type3A_175 = arith.extui %or3A_174 : i1 to i32
        %cond3A_176 = arith.constant 0 : i32
        %cond3A_177 = arith.cmpi ne, %convert_element_type3A_175, %cond3A_176 : i32
        scf.if %cond3A_177 {
          "tpu.trace_start"() <{level = 10 : i32, message = "ep_wait_in"}> : () -> ()
          %mul3A_257 = arith.constant 128 : i32
          %mul3A_258 = arith.muli %mul3A_257, %add3A_124 : i32
          %rem3A_259 = arith.constant 2 : i32
          %rem3A_260 = arith.remui %scan3A_116, %rem3A_259 : i32
          %dma_wait3A_261 = arith.constant 0 : i32
          %dma_wait3A_262 = arith.constant 0 : i32
          %dma_wait3A_263 = tpu.memref_slice %run_scoped3A[%rem3A_260, %dma_wait3A_261, %dma_wait3A_262] : memref<2x1x128xi32, #tpu.memory_space<vmem>> -> memref<1x1x128xi32, #tpu.memory_space<vmem>>
          %dma_wait3A_264 = tpu.memref_squeeze %dma_wait3A_263 : memref<1x1x128xi32, #tpu.memory_space<vmem>> -> memref<1x128xi32, #tpu.memory_space<vmem>>
          %dma_wait3A_265 = arith.constant 0 : i32
          %dma_wait3A_266 = tpu.memref_slice %arg3[%dma_wait3A_265, %mul3A_258] : memref<1x4096xi32, #tpu.memory_space<hbm>> -> memref<1x128xi32, #tpu.memory_space<hbm>>
          %dma_wait3A_267 = tpu.memref_slice %run_scoped3A_1[%rem3A_260] : memref<2x!tpu.dma_semaphore, #tpu.memory_space<semaphore_mem>> -> memref<1x!tpu.dma_semaphore, #tpu.memory_space<semaphore_mem>>
          %dma_wait3A_268 = tpu.memref_squeeze %dma_wait3A_267 : memref<1x!tpu.dma_semaphore, #tpu.memory_space<semaphore_mem>> -> memref<!tpu.dma_semaphore, #tpu.memory_space<semaphore_mem>>
          %dma_wait3A_269 = arith.constant 0 : i32
          %dma_wait3A_270 = arith.constant 0 : i32
          %dma_wait3A_271 = tpu.memref_slice %run_scoped3A[%rem3A_260, %dma_wait3A_269, %dma_wait3A_270] : memref<2x1x128xi32, #tpu.memory_space<vmem>> -> memref<1x1x128xi32, #tpu.memory_space<vmem>>
          %dma_wait3A_272 = tpu.memref_squeeze %dma_wait3A_271 : memref<1x1x128xi32, #tpu.memory_space<vmem>> -> memref<1x128xi32, #tpu.memory_space<vmem>>
          %dma_wait3A_273 = arith.constant 0 : i32
          %dma_wait3A_274 = tpu.memref_slice %arg3[%dma_wait3A_273, %mul3A_258] : memref<1x4096xi32, #tpu.memory_space<hbm>> -> memref<1x128xi32, #tpu.memory_space<hbm>>
          tpu.wait_dma2 semaphore(%dma_wait3A_268 : memref<!tpu.dma_semaphore, #tpu.memory_space<semaphore_mem>>) src(%dma_wait3A_274 : memref<1x128xi32, #tpu.memory_space<hbm>>) dst(%dma_wait3A_272 : memref<1x128xi32, #tpu.memory_space<vmem>>)
          "tpu.trace_stop"() : () -> ()
        } else {
        }
        %ne3A_178 = arith.cmpi ne, %add3A_124, %add3A_133 : i32
        %or3A_179 = arith.constant false
        %or3A_180 = arith.ori %or3A_179, %ne3A_178 : i1
        %or3A_181 = arith.constant false
        %or3A_182 = arith.ori %or3A_180, %or3A_181 : i1
        %or3A_183 = arith.ori %or3A_182, %eq3A_121 : i1
        %convert_element_type3A_184 = arith.extui %or3A_183 : i1 to i32
        %cond3A_185 = arith.constant 0 : i32
        %cond3A_186 = arith.cmpi ne, %convert_element_type3A_184, %cond3A_185 : i32
        scf.if %cond3A_186 {
        } else {
        }
        %rem3A_187 = arith.constant 2 : i32
        %rem3A_188 = arith.remui %scan3A_116, %rem3A_187 : i32
        %rem3A_189 = arith.constant 2 : i32
        %rem3A_190 = arith.remui %scan3A_117, %rem3A_189 : i32
        %run_scoped3A_191 = arith.constant 0 : i32
        "tpu.trace_start"() <{level = 10 : i32, message = "ep_run_kernel"}> : () -> ()
        "tpu.region"() ({
          %run_scoped3A_257 = tpu.sem_alloc : memref<!tpu.dma_semaphore, #tpu.memory_space<semaphore_mem>>
          %dma_start3A_258 = arith.constant 0 : i32
          %dma_start3A_259 = arith.constant 0 : i32
          %dma_start3A_260 = tpu.memref_slice %run_scoped3A_2[%rem3A_190, %dma_start3A_258, %dma_start3A_259] : memref<2x128x256xi32, #tpu.memory_space<vmem>> -> memref<1x128x256xi32, #tpu.memory_space<vmem>>
          %dma_start3A_261 = tpu.memref_squeeze %dma_start3A_260 : memref<1x128x256xi32, #tpu.memory_space<vmem>> -> memref<128x256xi32, #tpu.memory_space<vmem>>
          %dma_start3A_262 = arith.constant 0 : i32
          %dma_start3A_263 = arith.constant 0 : i32
          %dma_start3A_264 = tpu.memref_slice %run_scoped3A[%rem3A_188, %dma_start3A_262, %dma_start3A_263] : memref<2x1x128xi32, #tpu.memory_space<vmem>> -> memref<1x1x128xi32, #tpu.memory_space<vmem>>
          %dma_start3A_265 = tpu.memref_squeeze %dma_start3A_264 : memref<1x1x128xi32, #tpu.memory_space<vmem>> -> memref<1x128xi32, #tpu.memory_space<vmem>>
          %dma_start3A_266 = arith.constant 0 : i32
          %dma_start3A_267 = tpu.memref_slice %dma_start3A_265[%run_scoped3A_191, %dma_start3A_266] : memref<1x128xi32, #tpu.memory_space<vmem>> -> memref<1x128xi32, #tpu.memory_space<vmem>>
          %dma_start3A_268 = tpu.memref_squeeze %dma_start3A_267 : memref<1x128xi32, #tpu.memory_space<vmem>> -> memref<128xi32, #tpu.memory_space<vmem>>
          %dma_start3A_269 = arith.constant 0 : i32
          %dma_start3A_270 = arith.constant 0 : i32
          %dma_start3A_271 = tpu.memref_slice %arg2[%dma_start3A_269, %dma_start3A_270] : memref<6144x256xi32, #tpu.memory_space<hbm>> -> memref<6144x256xi32, #tpu.memory_space<hbm>>
          tpu.enqueue_indirect_dma source(%dma_start3A_271 : memref<6144x256xi32, #tpu.memory_space<hbm>>) target(%dma_start3A_261 : memref<128x256xi32, #tpu.memory_space<vmem>>) offsets(%dma_start3A_268 : memref<128xi32, #tpu.memory_space<vmem>>) semaphore(%run_scoped3A_257 : memref<!tpu.dma_semaphore, #tpu.memory_space<semaphore_mem>>)
          %dma_wait3A_272 = arith.constant 0 : i32
          %dma_wait3A_273 = arith.constant 0 : i32
          %dma_wait3A_274 = tpu.memref_slice %run_scoped3A_2[%rem3A_190, %dma_wait3A_272, %dma_wait3A_273] : memref<2x128x256xi32, #tpu.memory_space<vmem>> -> memref<1x128x256xi32, #tpu.memory_space<vmem>>
          %dma_wait3A_275 = tpu.memref_squeeze %dma_wait3A_274 : memref<1x128x256xi32, #tpu.memory_space<vmem>> -> memref<128x256xi32, #tpu.memory_space<vmem>>
          %dma_wait3A_276 = arith.constant 0 : i32
          %dma_wait3A_277 = arith.constant 0 : i32
          %dma_wait3A_278 = tpu.memref_slice %run_scoped3A[%rem3A_188, %dma_wait3A_276, %dma_wait3A_277] : memref<2x1x128xi32, #tpu.memory_space<vmem>> -> memref<1x1x128xi32, #tpu.memory_space<vmem>>
          %dma_wait3A_279 = tpu.memref_squeeze %dma_wait3A_278 : memref<1x1x128xi32, #tpu.memory_space<vmem>> -> memref<1x128xi32, #tpu.memory_space<vmem>>
          %dma_wait3A_280 = arith.constant 0 : i32
          %dma_wait3A_281 = tpu.memref_slice %dma_wait3A_279[%run_scoped3A_191, %dma_wait3A_280] : memref<1x128xi32, #tpu.memory_space<vmem>> -> memref<1x128xi32, #tpu.memory_space<vmem>>
          %dma_wait3A_282 = tpu.memref_squeeze %dma_wait3A_281 : memref<1x128xi32, #tpu.memory_space<vmem>> -> memref<128xi32, #tpu.memory_space<vmem>>
          %dma_wait3A_283 = arith.constant 0 : i32
          %dma_wait3A_284 = arith.constant 0 : i32
          %dma_wait3A_285 = tpu.memref_slice %arg2[%dma_wait3A_283, %dma_wait3A_284] : memref<6144x256xi32, #tpu.memory_space<hbm>> -> memref<6144x256xi32, #tpu.memory_space<hbm>>
          tpu.wait_indirect_dma semaphore(%run_scoped3A_257 : memref<!tpu.dma_semaphore, #tpu.memory_space<semaphore_mem>>) src(%dma_wait3A_285 : memref<6144x256xi32, #tpu.memory_space<hbm>>) dst(%dma_wait3A_275 : memref<128x256xi32, #tpu.memory_space<vmem>>)
          tpu.yield
        }) : () -> ()
        "tpu.trace_stop"() : () -> ()
        %ne3A_192 = arith.cmpi ne, %add3A_124, %add3A_142 : i32
        %or3A_193 = arith.constant false
        %or3A_194 = arith.ori %or3A_193, %ne3A_192 : i1
        %or3A_195 = arith.ori %or3A_194, %eq3A_123 : i1
        %convert_element_type3A_196 = arith.extui %or3A_195 : i1 to i32
        %cond3A_197 = arith.constant 0 : i32
        %cond3A_198 = arith.cmpi ne, %convert_element_type3A_196, %cond3A_197 : i32
        scf.if %cond3A_198 {
        } else {
        }
        %and3A_199 = arith.constant false
        %and3A_200 = arith.andi %or3A_195, %and3A_199 : i1
        %ne3A_201 = arith.cmpi ne, %add3A_124, %add3A_142 : i32
        %or3A_202 = arith.constant false
        %or3A_203 = arith.ori %or3A_202, %ne3A_201 : i1
        %or3A_204 = arith.constant false
        %or3A_205 = arith.ori %or3A_203, %or3A_204 : i1
        %or3A_206 = arith.ori %or3A_205, %eq3A_123 : i1
        %convert_element_type3A_207 = arith.extui %or3A_206 : i1 to i32
        %cond3A_208 = arith.constant 0 : i32
        %cond3A_209 = arith.cmpi ne, %convert_element_type3A_207, %cond3A_208 : i32
        scf.if %cond3A_209 {
          "tpu.trace_start"() <{level = 10 : i32, message = "ep_copy_out"}> : () -> ()
          %rem3A_257 = arith.constant 2 : i32
          %rem3A_258 = arith.remui %scan3A_117, %rem3A_257 : i32
          %mul3A_259 = arith.constant 128 : i32
          %mul3A_260 = arith.muli %mul3A_259, %add3A_124 : i32
          %dma_start3A_261 = arith.constant 0 : i32
          %dma_start3A_262 = arith.constant 0 : i32
          %dma_start3A_263 = tpu.memref_slice %run_scoped3A_2[%rem3A_258, %dma_start3A_261, %dma_start3A_262] : memref<2x128x256xi32, #tpu.memory_space<vmem>> -> memref<1x128x256xi32, #tpu.memory_space<vmem>>
          %dma_start3A_264 = tpu.memref_squeeze %dma_start3A_263 : memref<1x128x256xi32, #tpu.memory_space<vmem>> -> memref<128x256xi32, #tpu.memory_space<vmem>>
          %dma_start3A_265 = arith.constant 0 : i32
          %dma_start3A_266 = tpu.memref_slice %arg4[%mul3A_260, %dma_start3A_265] : memref<4096x256xi32, #tpu.memory_space<hbm>> -> memref<128x256xi32, #tpu.memory_space<hbm>>
          %dma_start3A_267 = tpu.memref_slice %run_scoped3A_3[%rem3A_258] : memref<2x!tpu.dma_semaphore, #tpu.memory_space<semaphore_mem>> -> memref<1x!tpu.dma_semaphore, #tpu.memory_space<semaphore_mem>>
          %dma_start3A_268 = tpu.memref_squeeze %dma_start3A_267 : memref<1x!tpu.dma_semaphore, #tpu.memory_space<semaphore_mem>> -> memref<!tpu.dma_semaphore, #tpu.memory_space<semaphore_mem>>
          %dma_start3A_269 = arith.constant 0 : i32
          %dma_start3A_270 = tpu.memref_slice %arg4[%mul3A_260, %dma_start3A_269] : memref<4096x256xi32, #tpu.memory_space<hbm>> -> memref<128x256xi32, #tpu.memory_space<hbm>>
          %dma_start3A_271 = arith.constant 0 : i32
          %dma_start3A_272 = arith.constant 0 : i32
          %dma_start3A_273 = tpu.memref_slice %run_scoped3A_2[%rem3A_258, %dma_start3A_271, %dma_start3A_272] : memref<2x128x256xi32, #tpu.memory_space<vmem>> -> memref<1x128x256xi32, #tpu.memory_space<vmem>>
          %dma_start3A_274 = tpu.memref_squeeze %dma_start3A_273 : memref<1x128x256xi32, #tpu.memory_space<vmem>> -> memref<128x256xi32, #tpu.memory_space<vmem>>
          tpu.enqueue_dma source(%dma_start3A_274 : memref<128x256xi32, #tpu.memory_space<vmem>>) target(%dma_start3A_270 : memref<128x256xi32, #tpu.memory_space<hbm>>) target_semaphore(%dma_start3A_268 : memref<!tpu.dma_semaphore, #tpu.memory_space<semaphore_mem>>)
          "tpu.trace_stop"() : () -> ()
        } else {
        }
        %and3A_210 = arith.constant true
        %and3A_211 = arith.andi %or3A_206, %and3A_210 : i1
        %add3A_212 = arith.constant 1 : i32
        %add3A_213 = arith.addi %scan3A_117, %add3A_212 : i32
        %select_n3A_214 = arith.select %and3A_211, %add3A_213, %scan3A_117 : i32
        %ne3A_215 = arith.cmpi ne, %add3A_124, %add3A_133 : i32
        %or3A_216 = arith.constant false
        %or3A_217 = arith.ori %or3A_216, %ne3A_215 : i1
        %not3A_218 = arith.constant true
        %not3A_219 = arith.xori %eq3A_121, %not3A_218 : i1
        %and3A_220 = arith.andi %or3A_217, %not3A_219 : i1
        %convert_element_type3A_221 = arith.extui %and3A_220 : i1 to i32
        %cond3A_222 = arith.constant 0 : i32
        %cond3A_223 = arith.cmpi ne, %convert_element_type3A_221, %cond3A_222 : i32
        scf.if %cond3A_223 {
        } else {
        }
        %and3A_224 = arith.constant false
        %and3A_225 = arith.andi %and3A_220, %and3A_224 : i1
        %ne3A_226 = arith.cmpi ne, %add3A_124, %add3A_133 : i32
        %or3A_227 = arith.constant false
        %or3A_228 = arith.ori %or3A_227, %ne3A_226 : i1
        %or3A_229 = arith.constant false
        %or3A_230 = arith.ori %or3A_228, %or3A_229 : i1
        %not3A_231 = arith.constant true
        %not3A_232 = arith.xori %eq3A_121, %not3A_231 : i1
        %and3A_233 = arith.andi %or3A_230, %not3A_232 : i1
        %convert_element_type3A_234 = arith.extui %and3A_233 : i1 to i32
        %cond3A_235 = arith.constant 0 : i32
        %cond3A_236 = arith.cmpi ne, %convert_element_type3A_234, %cond3A_235 : i32
        scf.if %cond3A_236 {
          "tpu.trace_start"() <{level = 10 : i32, message = "ep_wait_out"}> : () -> ()
          %rem3A_257 = arith.constant 2 : i32
          %rem3A_258 = arith.remui %scan3A_118, %rem3A_257 : i32
          %mul3A_259 = arith.constant 128 : i32
          %mul3A_260 = arith.muli %mul3A_259, %add3A_133 : i32
          %dma_wait3A_261 = arith.constant 0 : i32
          %dma_wait3A_262 = arith.constant 0 : i32
          %dma_wait3A_263 = tpu.memref_slice %run_scoped3A_2[%rem3A_258, %dma_wait3A_261, %dma_wait3A_262] : memref<2x128x256xi32, #tpu.memory_space<vmem>> -> memref<1x128x256xi32, #tpu.memory_space<vmem>>
          %dma_wait3A_264 = tpu.memref_squeeze %dma_wait3A_263 : memref<1x128x256xi32, #tpu.memory_space<vmem>> -> memref<128x256xi32, #tpu.memory_space<vmem>>
          %dma_wait3A_265 = arith.constant 0 : i32
          %dma_wait3A_266 = tpu.memref_slice %arg4[%mul3A_260, %dma_wait3A_265] : memref<4096x256xi32, #tpu.memory_space<hbm>> -> memref<128x256xi32, #tpu.memory_space<hbm>>
          %dma_wait3A_267 = tpu.memref_slice %run_scoped3A_3[%rem3A_258] : memref<2x!tpu.dma_semaphore, #tpu.memory_space<semaphore_mem>> -> memref<1x!tpu.dma_semaphore, #tpu.memory_space<semaphore_mem>>
          %dma_wait3A_268 = tpu.memref_squeeze %dma_wait3A_267 : memref<1x!tpu.dma_semaphore, #tpu.memory_space<semaphore_mem>> -> memref<!tpu.dma_semaphore, #tpu.memory_space<semaphore_mem>>
          %dma_wait3A_269 = arith.constant 0 : i32
          %dma_wait3A_270 = tpu.memref_slice %arg4[%mul3A_260, %dma_wait3A_269] : memref<4096x256xi32, #tpu.memory_space<hbm>> -> memref<128x256xi32, #tpu.memory_space<hbm>>
          %dma_wait3A_271 = arith.constant 0 : i32
          %dma_wait3A_272 = arith.constant 0 : i32
          %dma_wait3A_273 = tpu.memref_slice %run_scoped3A_2[%rem3A_258, %dma_wait3A_271, %dma_wait3A_272] : memref<2x128x256xi32, #tpu.memory_space<vmem>> -> memref<1x128x256xi32, #tpu.memory_space<vmem>>
          %dma_wait3A_274 = tpu.memref_squeeze %dma_wait3A_273 : memref<1x128x256xi32, #tpu.memory_space<vmem>> -> memref<128x256xi32, #tpu.memory_space<vmem>>
          tpu.wait_dma2 semaphore(%dma_wait3A_268 : memref<!tpu.dma_semaphore, #tpu.memory_space<semaphore_mem>>) src(%dma_wait3A_274 : memref<128x256xi32, #tpu.memory_space<vmem>>) dst(%dma_wait3A_270 : memref<128x256xi32, #tpu.memory_space<hbm>>)
          "tpu.trace_stop"() : () -> ()
        } else {
        }
        %and3A_237 = arith.constant true
        %and3A_238 = arith.andi %and3A_233, %and3A_237 : i1
        %add3A_239 = arith.constant 1 : i32
        %add3A_240 = arith.addi %scan3A_118, %add3A_239 : i32
        %select_n3A_241 = arith.select %and3A_238, %add3A_240, %scan3A_118 : i32
        %ne3A_242 = arith.cmpi ne, %add3A_124, %add3A_142 : i32
        %or3A_243 = arith.constant false
        %or3A_244 = arith.ori %or3A_243, %ne3A_242 : i1
        %or3A_245 = arith.ori %or3A_244, %eq3A_123 : i1
        %add3A_246 = arith.constant 1 : i32
        %add3A_247 = arith.addi %scan3A_116, %add3A_246 : i32
        %select_n3A_248 = arith.select %or3A_245, %add3A_247, %scan3A_116 : i32
        %add3A_249 = arith.constant 1 : i32
        %add3A_250 = arith.addi %scan3A_119, %add3A_249 : i32
        %select_n3A_251 = arith.constant true
        %select_n3A_252 = arith.select %select_n3A_251, %add3A_250, %scan3A_119 : i32
        %eq3A_253 = arith.constant 2 : i32
        %eq3A_254 = arith.cmpi eq, %select_n3A_252, %eq3A_253 : i32
        %select_n3A_255 = arith.constant 0 : i32
        %select_n3A_256 = arith.select %eq3A_254, %select_n3A_255, %select_n3A_252 : i32
        scf.yield %select_n3A_160, %select_n3A_248, %select_n3A_214, %select_n3A_241, %select_n3A_256 : i32, i32, i32, i32, i32
      }
      %scan3A_61 = arith.constant 2 : i32
      %sub3A = arith.constant 1 : i32
      %sub3A_62 = arith.subi %scan3A_60#4, %sub3A : i32
      %select_n3A_63 = arith.constant true
      %select_n3A_64 = arith.select %select_n3A_63, %sub3A_62, %scan3A_60#4 : i32
      %eq3A_65 = arith.constant -1 : i32
      %eq3A_66 = arith.cmpi eq, %select_n3A_64, %eq3A_65 : i32
      %select_n3A_67 = arith.constant 1 : i32
      %select_n3A_68 = arith.select %eq3A_66, %select_n3A_67, %select_n3A_64 : i32
      %add3A_69 = arith.addi %select_n3A_68, %mul3A_0 : i32
      %sub3A_70 = arith.constant 1 : i32
      %sub3A_71 = arith.subi %select_n3A_68, %sub3A_70 : i32
      %select_n3A_72 = arith.constant true
      %select_n3A_73 = arith.select %select_n3A_72, %sub3A_71, %select_n3A_68 : i32
      %eq3A_74 = arith.constant -1 : i32
      %eq3A_75 = arith.cmpi eq, %select_n3A_73, %eq3A_74 : i32
      %select_n3A_76 = arith.constant 1 : i32
      %select_n3A_77 = arith.select %eq3A_75, %select_n3A_76, %select_n3A_73 : i32
      %add3A_78 = arith.addi %select_n3A_77, %mul3A_0 : i32
      %add3A_79 = arith.constant 1 : i32
      %add3A_80 = arith.addi %select_n3A_68, %add3A_79 : i32
      %select_n3A_81 = arith.constant true
      %select_n3A_82 = arith.select %select_n3A_81, %add3A_80, %select_n3A_68 : i32
      %eq3A_83 = arith.constant 2 : i32
      %eq3A_84 = arith.cmpi eq, %select_n3A_82, %eq3A_83 : i32
      %select_n3A_85 = arith.constant 0 : i32
      %select_n3A_86 = arith.select %eq3A_84, %select_n3A_85, %select_n3A_82 : i32
      %add3A_87 = arith.addi %select_n3A_86, %mul3A_0 : i32
      %add3A_88 = arith.constant 1 : i32
      %add3A_89 = arith.addi %select_n3A_86, %add3A_88 : i32
      %select_n3A_90 = arith.constant true
      %select_n3A_91 = arith.select %select_n3A_90, %add3A_89, %select_n3A_86 : i32
      %eq3A_92 = arith.constant 2 : i32
      %eq3A_93 = arith.cmpi eq, %select_n3A_91, %eq3A_92 : i32
      %select_n3A_94 = arith.constant 0 : i32
      %select_n3A_95 = arith.select %eq3A_93, %select_n3A_94, %select_n3A_91 : i32
      %add3A_96 = arith.addi %select_n3A_95, %mul3A_0 : i32
      "tpu.trace_start"() <{level = 10 : i32, message = "ep_finalize"}> : () -> ()
      %rem3A_97 = arith.constant 2 : i32
      %rem3A_98 = arith.remui %scan3A_60#3, %rem3A_97 : i32
      %mul3A_99 = arith.constant 128 : i32
      %mul3A_100 = arith.muli %mul3A_99, %add3A_69 : i32
      %dma_wait3A = arith.constant 0 : i32
      %dma_wait3A_101 = arith.constant 0 : i32
      %dma_wait3A_102 = tpu.memref_slice %run_scoped3A_2[%rem3A_98, %dma_wait3A, %dma_wait3A_101] : memref<2x128x256xi32, #tpu.memory_space<vmem>> -> memref<1x128x256xi32, #tpu.memory_space<vmem>>
      %dma_wait3A_103 = tpu.memref_squeeze %dma_wait3A_102 : memref<1x128x256xi32, #tpu.memory_space<vmem>> -> memref<128x256xi32, #tpu.memory_space<vmem>>
      %dma_wait3A_104 = arith.constant 0 : i32
      %dma_wait3A_105 = tpu.memref_slice %arg4[%mul3A_100, %dma_wait3A_104] : memref<4096x256xi32, #tpu.memory_space<hbm>> -> memref<128x256xi32, #tpu.memory_space<hbm>>
      %dma_wait3A_106 = tpu.memref_slice %run_scoped3A_3[%rem3A_98] : memref<2x!tpu.dma_semaphore, #tpu.memory_space<semaphore_mem>> -> memref<1x!tpu.dma_semaphore, #tpu.memory_space<semaphore_mem>>
      %dma_wait3A_107 = tpu.memref_squeeze %dma_wait3A_106 : memref<1x!tpu.dma_semaphore, #tpu.memory_space<semaphore_mem>> -> memref<!tpu.dma_semaphore, #tpu.memory_space<semaphore_mem>>
      %dma_wait3A_108 = arith.constant 0 : i32
      %dma_wait3A_109 = tpu.memref_slice %arg4[%mul3A_100, %dma_wait3A_108] : memref<4096x256xi32, #tpu.memory_space<hbm>> -> memref<128x256xi32, #tpu.memory_space<hbm>>
      %dma_wait3A_110 = arith.constant 0 : i32
      %dma_wait3A_111 = arith.constant 0 : i32
      %dma_wait3A_112 = tpu.memref_slice %run_scoped3A_2[%rem3A_98, %dma_wait3A_110, %dma_wait3A_111] : memref<2x128x256xi32, #tpu.memory_space<vmem>> -> memref<1x128x256xi32, #tpu.memory_space<vmem>>
      %dma_wait3A_113 = tpu.memref_squeeze %dma_wait3A_112 : memref<1x128x256xi32, #tpu.memory_space<vmem>> -> memref<128x256xi32, #tpu.memory_space<vmem>>
      tpu.wait_dma2 semaphore(%dma_wait3A_107 : memref<!tpu.dma_semaphore, #tpu.memory_space<semaphore_mem>>) src(%dma_wait3A_113 : memref<128x256xi32, #tpu.memory_space<vmem>>) dst(%dma_wait3A_109 : memref<128x256xi32, #tpu.memory_space<hbm>>)
      "tpu.trace_stop"() : () -> ()
      tpu.yield
    }) : () -> ()
    return
  }
}

module attributes {stable_mosaic.version = 14 : i64} {
  func.func @_grouped_body(%arg0: i32, %arg1: memref<24xi32, #tpu.memory_space<smem>>, %arg2: memref<1xi32, #tpu.memory_space<smem>>, %arg3: memref<256x512xbf16, #tpu.memory_space<vmem>>, %arg4: memref<256x512xbf16, #tpu.memory_space<vmem>>, %arg5: memref<1x512x1024xf32, #tpu.memory_space<vmem>>, %arg6: memref<1x512x1024xf32, #tpu.memory_space<vmem>>, %arg7: memref<1x1024x512xf32, #tpu.memory_space<vmem>>, %arg8: memref<256x512xbf16, #tpu.memory_space<vmem>>, %arg9: memref<256x512xbf16, #tpu.memory_space<vmem>>) attributes {dimension_semantics = [#tpu.dimension_semantics<arbitrary>], iteration_bounds = array<i64: 24>, scalar_prefetch = 2 : i64, scratch_operands = 0 : i64, tpu.core_type = #tpu.core_type<tc>, window_params = [{transform_indices = @transform_0, window_bounds = array<i64: 256, 512>}, {transform_indices = @transform_1, window_bounds = array<i64: 256, 512>}, {transform_indices = @transform_2, window_bounds = array<i64: 1, 512, 1024>}, {transform_indices = @transform_3, window_bounds = array<i64: 1, 512, 1024>}, {transform_indices = @transform_4, window_bounds = array<i64: 1, 1024, 512>}, {transform_indices = @transform_5, window_bounds = array<i64: 256, 512>}, {transform_indices = @transform_6, window_bounds = array<i64: 256, 512>}]} {
    %get3A = arith.constant 0 : index
    %get3A_0 = memref.load %arg2[%get3A] : memref<1xi32, #tpu.memory_space<smem>>
    %lt3A = arith.cmpi slt, %arg0, %get3A_0 : i32
    %convert_element_type3A = arith.extui %lt3A : i1 to i32
    %cond3A = arith.constant 0 : i32
    %cond3A_1 = arith.cmpi ne, %convert_element_type3A, %cond3A : i32
    scf.if %cond3A_1 {
      %get3A_2 = arith.constant 0 : index
      %get3A_3 = arith.constant 0 : index
      %get3A_4 = vector.load %arg3[%get3A_2, %get3A_3] : memref<256x512xbf16, #tpu.memory_space<vmem>>, vector<256x512xbf16>
      %get3A_5 = arith.constant 0 : index
      %get3A_6 = arith.constant 0 : index
      %get3A_7 = vector.load %arg4[%get3A_5, %get3A_6] : memref<256x512xbf16, #tpu.memory_space<vmem>>, vector<256x512xbf16>
      %concatenate3A = tpu.concatenate %get3A_4, %get3A_7 in 1 : vector<256x512xbf16>, vector<256x512xbf16> -> vector<256x1024xbf16>
      %get3A_8 = arith.constant 0 : index
      %get3A_9 = arith.constant 0 : index
      %get3A_10 = arith.constant 0 : index
      %get3A_11 = vector.load %arg5[%get3A_8, %get3A_9, %get3A_10] : memref<1x512x1024xf32, #tpu.memory_space<vmem>>, vector<1x512x1024xf32>
      %get3A_12 = vector.shape_cast %get3A_11 : vector<1x512x1024xf32> to vector<512x1024xf32>
      %get3A_13 = arith.constant 0 : index
      %get3A_14 = arith.constant 0 : index
      %get3A_15 = arith.constant 0 : index
      %get3A_16 = vector.load %arg6[%get3A_13, %get3A_14, %get3A_15] : memref<1x512x1024xf32, #tpu.memory_space<vmem>>, vector<1x512x1024xf32>
      %get3A_17 = vector.shape_cast %get3A_16 : vector<1x512x1024xf32> to vector<512x1024xf32>
      %get3A_18 = arith.constant 0 : index
      %get3A_19 = arith.constant 0 : index
      %get3A_20 = arith.constant 0 : index
      %get3A_21 = vector.load %arg7[%get3A_18, %get3A_19, %get3A_20] : memref<1x1024x512xf32, #tpu.memory_space<vmem>>, vector<1x1024x512xf32>
      %get3A_22 = vector.shape_cast %get3A_21 : vector<1x1024x512xf32> to vector<1024x512xf32>
      %transpose3A = tpu.transpose %get3A_12, [1, 0] : vector<512x1024xf32> -> vector<1024x512xf32>
      %dot_general3A = arith.constant dense<0.000000e+00> : vector<256x512xf32>
      %dot_general3A_23 = tpu.matmul %concatenate3A, %transpose3A, %dot_general3A {dimension_numbers = #tpu.dot_dimension_numbers<[1], [0], [0], [1], [0, 0, 1, 1], [], []>, transpose_lhs_hint = false} : vector<256x1024xbf16>, vector<1024x512xf32>, vector<256x512xf32> -> vector<256x512xf32>
      %logistic3A = arith.negf %dot_general3A_23 : vector<256x512xf32>
      %logistic3A_24 = math.exp %logistic3A : vector<256x512xf32>
      %logistic3A_25 = arith.constant 1.000000e+00 : f32
      %logistic3A_26 = vector.broadcast %logistic3A_25 : f32 to vector<256x512xf32>
      %logistic3A_27 = arith.addf %logistic3A_26, %logistic3A_24 : vector<256x512xf32>
      %logistic3A_28 = arith.divf %logistic3A_26, %logistic3A_27 : vector<256x512xf32>
      %mul3A = arith.mulf %dot_general3A_23, %logistic3A_28 : vector<256x512xf32>
      %transpose3A_29 = tpu.transpose %get3A_17, [1, 0] : vector<512x1024xf32> -> vector<1024x512xf32>
      %dot_general3A_30 = arith.constant dense<0.000000e+00> : vector<256x512xf32>
      %dot_general3A_31 = tpu.matmul %concatenate3A, %transpose3A_29, %dot_general3A_30 {dimension_numbers = #tpu.dot_dimension_numbers<[1], [0], [0], [1], [0, 0, 1, 1], [], []>, transpose_lhs_hint = false} : vector<256x1024xbf16>, vector<1024x512xf32>, vector<256x512xf32> -> vector<256x512xf32>
      %mul3A_32 = arith.mulf %mul3A, %dot_general3A_31 : vector<256x512xf32>
      %transpose3A_33 = tpu.transpose %get3A_22, [1, 0] : vector<1024x512xf32> -> vector<512x1024xf32>
      %dot_general3A_34 = arith.constant dense<0.000000e+00> : vector<256x1024xf32>
      %dot_general3A_35 = tpu.matmul %mul3A_32, %transpose3A_33, %dot_general3A_34 {dimension_numbers = #tpu.dot_dimension_numbers<[1], [0], [0], [1], [0, 0, 1, 1], [], []>, transpose_lhs_hint = false} : vector<256x512xf32>, vector<512x1024xf32>, vector<256x1024xf32> -> vector<256x1024xf32>
      %convert_element_type3A_36 = arith.truncf %dot_general3A_35 : vector<256x1024xf32> to vector<256x1024xbf16>
      %slice3A = vector.extract_strided_slice %convert_element_type3A_36 {offsets = [0, 0], sizes = [256, 512], strides = [1, 1]} : vector<256x1024xbf16> to vector<256x512xbf16>
      %swap3A = arith.constant 0 : index
      %swap3A_37 = arith.constant 0 : index
      %swap3A_38 = vector.load %arg8[%swap3A, %swap3A_37] : memref<256x512xbf16, #tpu.memory_space<vmem>>, vector<256x512xbf16>
      tpu.vector_store %arg8[%swap3A, %swap3A_37], %slice3A {strides = array<i32>} : memref<256x512xbf16, #tpu.memory_space<vmem>>, vector<256x512xbf16>,
      %slice3A_39 = vector.extract_strided_slice %convert_element_type3A_36 {offsets = [0, 512], sizes = [256, 512], strides = [1, 1]} : vector<256x1024xbf16> to vector<256x512xbf16>
      %swap3A_40 = arith.constant 0 : index
      %swap3A_41 = arith.constant 0 : index
      %swap3A_42 = vector.load %arg9[%swap3A_40, %swap3A_41] : memref<256x512xbf16, #tpu.memory_space<vmem>>, vector<256x512xbf16>
      tpu.vector_store %arg9[%swap3A_40, %swap3A_41], %slice3A_39 {strides = array<i32>} : memref<256x512xbf16, #tpu.memory_space<vmem>>, vector<256x512xbf16>,
    } else {
    }
    return
  }
  func.func @transform_0(%arg0: i32, %arg1: memref<24xi32, #tpu.memory_space<smem>>, %arg2: memref<1xi32, #tpu.memory_space<smem>>) -> (i32, i32) {
    %c0_i32 = arith.constant 0 : i32
    %c0_i32_0 = arith.constant 0 : i32
    return %arg0, %c0_i32 : i32, i32
  }
  func.func @transform_1(%arg0: i32, %arg1: memref<24xi32, #tpu.memory_space<smem>>, %arg2: memref<1xi32, #tpu.memory_space<smem>>) -> (i32, i32) {
    %c0_i32 = arith.constant 0 : i32
    %c0_i32_0 = arith.constant 0 : i32
    return %arg0, %c0_i32 : i32, i32
  }
  func.func @transform_2(%arg0: i32, %arg1: memref<24xi32, #tpu.memory_space<smem>>, %arg2: memref<1xi32, #tpu.memory_space<smem>>) -> (i32, i32, i32) {
    %get3A = arith.index_cast %arg0 : i32 to index
    %get3A_0 = memref.load %arg1[%get3A] : memref<24xi32, #tpu.memory_space<smem>>
    %c0_i32 = arith.constant 0 : i32
    %c0_i32_1 = arith.constant 0 : i32
    %c0_i32_2 = arith.constant 0 : i32
    return %get3A_0, %c0_i32, %c0_i32_1 : i32, i32, i32
  }
  func.func @transform_3(%arg0: i32, %arg1: memref<24xi32, #tpu.memory_space<smem>>, %arg2: memref<1xi32, #tpu.memory_space<smem>>) -> (i32, i32, i32) {
    %get3A = arith.index_cast %arg0 : i32 to index
    %get3A_0 = memref.load %arg1[%get3A] : memref<24xi32, #tpu.memory_space<smem>>
    %c0_i32 = arith.constant 0 : i32
    %c0_i32_1 = arith.constant 0 : i32
    %c0_i32_2 = arith.constant 0 : i32
    return %get3A_0, %c0_i32, %c0_i32_1 : i32, i32, i32
  }
  func.func @transform_4(%arg0: i32, %arg1: memref<24xi32, #tpu.memory_space<smem>>, %arg2: memref<1xi32, #tpu.memory_space<smem>>) -> (i32, i32, i32) {
    %get3A = arith.index_cast %arg0 : i32 to index
    %get3A_0 = memref.load %arg1[%get3A] : memref<24xi32, #tpu.memory_space<smem>>
    %c0_i32 = arith.constant 0 : i32
    %c0_i32_1 = arith.constant 0 : i32
    %c0_i32_2 = arith.constant 0 : i32
    return %get3A_0, %c0_i32, %c0_i32_1 : i32, i32, i32
  }
  func.func @transform_5(%arg0: i32, %arg1: memref<24xi32, #tpu.memory_space<smem>>, %arg2: memref<1xi32, #tpu.memory_space<smem>>) -> (i32, i32) {
    %c0_i32 = arith.constant 0 : i32
    %c0_i32_0 = arith.constant 0 : i32
    return %arg0, %c0_i32 : i32, i32
  }
  func.func @transform_6(%arg0: i32, %arg1: memref<24xi32, #tpu.memory_space<smem>>, %arg2: memref<1xi32, #tpu.memory_space<smem>>) -> (i32, i32) {
    %c0_i32 = arith.constant 0 : i32
    %c0_i32_0 = arith.constant 0 : i32
    return %arg0, %c0_i32 : i32, i32
  }
}

module attributes {stable_mosaic.version = 14 : i64} {
  func.func @_shared_body(%arg0: i32, %arg1: memref<1024x1024xf32, #tpu.memory_space<vmem>>, %arg2: memref<1x512x1024xf32, #tpu.memory_space<vmem>>, %arg3: memref<1x512x1024xf32, #tpu.memory_space<vmem>>, %arg4: memref<1x1024x512xf32, #tpu.memory_space<vmem>>, %arg5: memref<1024x1024xf32, #tpu.memory_space<vmem>>) attributes {dimension_semantics = [#tpu.dimension_semantics<arbitrary>], iteration_bounds = array<i64: 2>, scalar_prefetch = 0 : i64, scratch_operands = 0 : i64, tpu.core_type = #tpu.core_type<tc>, window_params = [{transform_indices = @transform_0, window_bounds = array<i64: 1024, 1024>}, {pipeline_mode = #tpu.pipeline_mode<synchronous>, transform_indices = @transform_1, window_bounds = array<i64: 1, 512, 1024>}, {pipeline_mode = #tpu.pipeline_mode<synchronous>, transform_indices = @transform_2, window_bounds = array<i64: 1, 512, 1024>}, {pipeline_mode = #tpu.pipeline_mode<synchronous>, transform_indices = @transform_3, window_bounds = array<i64: 1, 1024, 512>}, {transform_indices = @transform_4, window_bounds = array<i64: 1024, 1024>}]} {
    %get3A = arith.constant 0 : index
    %get3A_0 = arith.constant 0 : index
    %get3A_1 = vector.load %arg1[%get3A, %get3A_0] : memref<1024x1024xf32, #tpu.memory_space<vmem>>, vector<1024x1024xf32>
    %get3A_2 = arith.constant 0 : index
    %get3A_3 = arith.constant 0 : index
    %get3A_4 = arith.constant 0 : index
    %get3A_5 = vector.load %arg2[%get3A_2, %get3A_3, %get3A_4] : memref<1x512x1024xf32, #tpu.memory_space<vmem>>, vector<1x512x1024xf32>
    %get3A_6 = vector.shape_cast %get3A_5 : vector<1x512x1024xf32> to vector<512x1024xf32>
    %get3A_7 = arith.constant 0 : index
    %get3A_8 = arith.constant 0 : index
    %get3A_9 = arith.constant 0 : index
    %get3A_10 = vector.load %arg3[%get3A_7, %get3A_8, %get3A_9] : memref<1x512x1024xf32, #tpu.memory_space<vmem>>, vector<1x512x1024xf32>
    %get3A_11 = vector.shape_cast %get3A_10 : vector<1x512x1024xf32> to vector<512x1024xf32>
    %get3A_12 = arith.constant 0 : index
    %get3A_13 = arith.constant 0 : index
    %get3A_14 = arith.constant 0 : index
    %get3A_15 = vector.load %arg4[%get3A_12, %get3A_13, %get3A_14] : memref<1x1024x512xf32, #tpu.memory_space<vmem>>, vector<1x1024x512xf32>
    %get3A_16 = vector.shape_cast %get3A_15 : vector<1x1024x512xf32> to vector<1024x512xf32>
    %transpose3A = tpu.transpose %get3A_6, [1, 0] : vector<512x1024xf32> -> vector<1024x512xf32>
    %dot_general3A = arith.constant dense<0.000000e+00> : vector<1024x512xf32>
    %dot_general3A_17 = tpu.matmul %get3A_1, %transpose3A, %dot_general3A {dimension_numbers = #tpu.dot_dimension_numbers<[1], [0], [0], [1], [0, 0, 1, 1], [], []>, transpose_lhs_hint = false} : vector<1024x1024xf32>, vector<1024x512xf32>, vector<1024x512xf32> -> vector<1024x512xf32>
    %logistic3A = arith.negf %dot_general3A_17 : vector<1024x512xf32>
    %logistic3A_18 = math.exp %logistic3A : vector<1024x512xf32>
    %logistic3A_19 = arith.constant 1.000000e+00 : f32
    %logistic3A_20 = vector.broadcast %logistic3A_19 : f32 to vector<1024x512xf32>
    %logistic3A_21 = arith.addf %logistic3A_20, %logistic3A_18 : vector<1024x512xf32>
    %logistic3A_22 = arith.divf %logistic3A_20, %logistic3A_21 : vector<1024x512xf32>
    %mul3A = arith.mulf %dot_general3A_17, %logistic3A_22 : vector<1024x512xf32>
    %transpose3A_23 = tpu.transpose %get3A_11, [1, 0] : vector<512x1024xf32> -> vector<1024x512xf32>
    %dot_general3A_24 = arith.constant dense<0.000000e+00> : vector<1024x512xf32>
    %dot_general3A_25 = tpu.matmul %get3A_1, %transpose3A_23, %dot_general3A_24 {dimension_numbers = #tpu.dot_dimension_numbers<[1], [0], [0], [1], [0, 0, 1, 1], [], []>, transpose_lhs_hint = false} : vector<1024x1024xf32>, vector<1024x512xf32>, vector<1024x512xf32> -> vector<1024x512xf32>
    %mul3A_26 = arith.mulf %mul3A, %dot_general3A_25 : vector<1024x512xf32>
    %transpose3A_27 = tpu.transpose %get3A_16, [1, 0] : vector<1024x512xf32> -> vector<512x1024xf32>
    %dot_general3A_28 = arith.constant dense<0.000000e+00> : vector<1024x1024xf32>
    %dot_general3A_29 = tpu.matmul %mul3A_26, %transpose3A_27, %dot_general3A_28 {dimension_numbers = #tpu.dot_dimension_numbers<[1], [0], [0], [1], [0, 0, 1, 1], [], []>, transpose_lhs_hint = false} : vector<1024x512xf32>, vector<512x1024xf32>, vector<1024x1024xf32> -> vector<1024x1024xf32>
    %swap3A = arith.constant 0 : index
    %swap3A_30 = arith.constant 0 : index
    %swap3A_31 = vector.load %arg5[%swap3A, %swap3A_30] : memref<1024x1024xf32, #tpu.memory_space<vmem>>, vector<1024x1024xf32>
    tpu.vector_store %arg5[%swap3A, %swap3A_30], %dot_general3A_29 {strides = array<i32>} : memref<1024x1024xf32, #tpu.memory_space<vmem>>, vector<1024x1024xf32>,
    return
  }
  func.func @transform_0(%arg0: i32) -> (i32, i32) {
    %c0_i32 = arith.constant 0 : i32
    %c0_i32_0 = arith.constant 0 : i32
    return %arg0, %c0_i32 : i32, i32
  }
  func.func @transform_1(%arg0: i32) -> (i32, i32, i32) {
    %c0_i32 = arith.constant 0 : i32
    %c0_i32_0 = arith.constant 0 : i32
    %c0_i32_1 = arith.constant 0 : i32
    %c0_i32_2 = arith.constant 0 : i32
    return %c0_i32, %c0_i32_0, %c0_i32_1 : i32, i32, i32
  }
  func.func @transform_2(%arg0: i32) -> (i32, i32, i32) {
    %c0_i32 = arith.constant 0 : i32
    %c0_i32_0 = arith.constant 0 : i32
    %c0_i32_1 = arith.constant 0 : i32
    %c0_i32_2 = arith.constant 0 : i32
    return %c0_i32, %c0_i32_0, %c0_i32_1 : i32, i32, i32
  }
  func.func @transform_3(%arg0: i32) -> (i32, i32, i32) {
    %c0_i32 = arith.constant 0 : i32
    %c0_i32_0 = arith.constant 0 : i32
    %c0_i32_1 = arith.constant 0 : i32
    %c0_i32_2 = arith.constant 0 : i32
    return %c0_i32, %c0_i32_0, %c0_i32_1 : i32, i32, i32
  }
  func.func @transform_4(%arg0: i32) -> (i32, i32) {
    %c0_i32 = arith.constant 0 : i32
    %c0_i32_0 = arith.constant 0 : i32
    return %arg0, %c0_i32 : i32, i32
  }
}

module attributes {stable_mosaic.version = 14 : i64} {
  func.func @_combine_body(%arg0: i32, %arg1: memref<1024x1024xf32, #tpu.memory_space<vmem>>, %arg2: memref<1024x512xbf16, #tpu.memory_space<vmem>>, %arg3: memref<1024x512xbf16, #tpu.memory_space<vmem>>, %arg4: memref<1024x512xbf16, #tpu.memory_space<vmem>>, %arg5: memref<1024x512xbf16, #tpu.memory_space<vmem>>, %arg6: memref<1x1024x1xf32, #tpu.memory_space<vmem>>, %arg7: memref<1x1024x1xf32, #tpu.memory_space<vmem>>, %arg8: memref<1024x1024xf32, #tpu.memory_space<vmem>>) attributes {dimension_semantics = [#tpu.dimension_semantics<arbitrary>], iteration_bounds = array<i64: 2>, scalar_prefetch = 0 : i64, scratch_operands = 0 : i64, tpu.core_type = #tpu.core_type<tc>, window_params = [{transform_indices = @transform_0, window_bounds = array<i64: 1024, 1024>}, {transform_indices = @transform_1, window_bounds = array<i64: 1024, 512>}, {transform_indices = @transform_2, window_bounds = array<i64: 1024, 512>}, {transform_indices = @transform_3, window_bounds = array<i64: 1024, 512>}, {transform_indices = @transform_4, window_bounds = array<i64: 1024, 512>}, {transform_indices = @transform_5, window_bounds = array<i64: 1, 1024, 1>}, {transform_indices = @transform_6, window_bounds = array<i64: 1, 1024, 1>}, {transform_indices = @transform_7, window_bounds = array<i64: 1024, 1024>}]} {
    %get3A = arith.constant 0 : index
    %get3A_0 = arith.constant 0 : index
    %get3A_1 = vector.load %arg2[%get3A, %get3A_0] : memref<1024x512xbf16, #tpu.memory_space<vmem>>, vector<1024x512xbf16>
    %get3A_2 = arith.constant 0 : index
    %get3A_3 = arith.constant 0 : index
    %get3A_4 = vector.load %arg3[%get3A_2, %get3A_3] : memref<1024x512xbf16, #tpu.memory_space<vmem>>, vector<1024x512xbf16>
    %concatenate3A = tpu.concatenate %get3A_1, %get3A_4 in 1 : vector<1024x512xbf16>, vector<1024x512xbf16> -> vector<1024x1024xbf16>
    %get3A_5 = arith.constant 0 : index
    %get3A_6 = arith.constant 0 : index
    %get3A_7 = vector.load %arg4[%get3A_5, %get3A_6] : memref<1024x512xbf16, #tpu.memory_space<vmem>>, vector<1024x512xbf16>
    %get3A_8 = arith.constant 0 : index
    %get3A_9 = arith.constant 0 : index
    %get3A_10 = vector.load %arg5[%get3A_8, %get3A_9] : memref<1024x512xbf16, #tpu.memory_space<vmem>>, vector<1024x512xbf16>
    %concatenate3A_11 = tpu.concatenate %get3A_7, %get3A_10 in 1 : vector<1024x512xbf16>, vector<1024x512xbf16> -> vector<1024x1024xbf16>
    %get3A_12 = arith.constant 0 : index
    %get3A_13 = arith.constant 0 : index
    %get3A_14 = vector.load %arg1[%get3A_12, %get3A_13] : memref<1024x1024xf32, #tpu.memory_space<vmem>>, vector<1024x1024xf32>
    %get3A_15 = arith.constant 0 : index
    %get3A_16 = arith.constant 0 : index
    %get3A_17 = arith.constant 0 : index
    %get3A_18 = vector.load %arg6[%get3A_15, %get3A_16, %get3A_17] : memref<1x1024x1xf32, #tpu.memory_space<vmem>>, vector<1x1024x1xf32>
    %get3A_19 = vector.shape_cast %get3A_18 : vector<1x1024x1xf32> to vector<1024x1xf32>
    %convert_element_type3A = arith.extf %concatenate3A : vector<1024x1024xbf16> to vector<1024x1024xf32>
    %mul3A = vector.broadcast %get3A_19 : vector<1024x1xf32> to vector<1024x1024xf32>
    %mul3A_20 = arith.mulf %mul3A, %convert_element_type3A : vector<1024x1024xf32>
    %add3A = arith.addf %get3A_14, %mul3A_20 : vector<1024x1024xf32>
    %get3A_21 = arith.constant 0 : index
    %get3A_22 = arith.constant 0 : index
    %get3A_23 = arith.constant 0 : index
    %get3A_24 = vector.load %arg7[%get3A_21, %get3A_22, %get3A_23] : memref<1x1024x1xf32, #tpu.memory_space<vmem>>, vector<1x1024x1xf32>
    %get3A_25 = vector.shape_cast %get3A_24 : vector<1x1024x1xf32> to vector<1024x1xf32>
    %convert_element_type3A_26 = arith.extf %concatenate3A_11 : vector<1024x1024xbf16> to vector<1024x1024xf32>
    %mul3A_27 = vector.broadcast %get3A_25 : vector<1024x1xf32> to vector<1024x1024xf32>
    %mul3A_28 = arith.mulf %mul3A_27, %convert_element_type3A_26 : vector<1024x1024xf32>
    %add3A_29 = arith.addf %add3A, %mul3A_28 : vector<1024x1024xf32>
    %mul3A_30 = arith.constant 0.333333343 : f32
    %mul3A_31 = vector.broadcast %mul3A_30 : f32 to vector<1024x1024xf32>
    %mul3A_32 = arith.mulf %add3A_29, %mul3A_31 : vector<1024x1024xf32>
    %swap3A = arith.constant 0 : index
    %swap3A_33 = arith.constant 0 : index
    %swap3A_34 = vector.load %arg8[%swap3A, %swap3A_33] : memref<1024x1024xf32, #tpu.memory_space<vmem>>, vector<1024x1024xf32>
    tpu.vector_store %arg8[%swap3A, %swap3A_33], %mul3A_32 {strides = array<i32>} : memref<1024x1024xf32, #tpu.memory_space<vmem>>, vector<1024x1024xf32>,
    return
  }
  func.func @transform_0(%arg0: i32) -> (i32, i32) {
    %c0_i32 = arith.constant 0 : i32
    %c0_i32_0 = arith.constant 0 : i32
    return %arg0, %c0_i32 : i32, i32
  }
  func.func @transform_1(%arg0: i32) -> (i32, i32) {
    %c0_i32 = arith.constant 0 : i32
    %c0_i32_0 = arith.constant 0 : i32
    return %arg0, %c0_i32 : i32, i32
  }
  func.func @transform_2(%arg0: i32) -> (i32, i32) {
    %c0_i32 = arith.constant 0 : i32
    %c0_i32_0 = arith.constant 0 : i32
    return %arg0, %c0_i32 : i32, i32
  }
  func.func @transform_3(%arg0: i32) -> (i32, i32) {
    %add3A = arith.constant 2 : i32
    %add3A_0 = arith.addi %arg0, %add3A : i32
    %c0_i32 = arith.constant 0 : i32
    %c0_i32_1 = arith.constant 0 : i32
    return %add3A_0, %c0_i32 : i32, i32
  }
  func.func @transform_4(%arg0: i32) -> (i32, i32) {
    %add3A = arith.constant 2 : i32
    %add3A_0 = arith.addi %arg0, %add3A : i32
    %c0_i32 = arith.constant 0 : i32
    %c0_i32_1 = arith.constant 0 : i32
    return %add3A_0, %c0_i32 : i32, i32
  }
  func.func @transform_5(%arg0: i32) -> (i32, i32, i32) {
    %c0_i32 = arith.constant 0 : i32
    %c0_i32_0 = arith.constant 0 : i32
    %c0_i32_1 = arith.constant 0 : i32
    return %arg0, %c0_i32, %c0_i32_0 : i32, i32, i32
  }
  func.func @transform_6(%arg0: i32) -> (i32, i32, i32) {
    %c0_i32 = arith.constant 0 : i32
    %c0_i32_0 = arith.constant 0 : i32
    %c0_i32_1 = arith.constant 0 : i32
    return %arg0, %c0_i32, %c0_i32_0 : i32, i32, i32
  }
  func.func @transform_7(%arg0: i32) -> (i32, i32) {
    %c0_i32 = arith.constant 0 : i32
    %c0_i32_0 = arith.constant 0 : i32
    return %arg0, %c0_i32 : i32, i32
  }
}

</mosaic_0001>

<sc_bundles>
// kernel: gather_offload_async_start
scs
__scs_entry_jumppad:
0x0: {  	(pc) =	sbr.rel $0x88, $3  }
0x1: {  	(tag) =	ssettag $0x0;
	lr =	simm.s32 $0x1  }
0x2: {  	[smem:$0x3F99] =	sst lr;
	_ =	strace $0xD0000000  }
0x3: {  	_ = 	snop  }
0x4: {  	_ = 	snop  }
0x5: {  	_ = 	snop  }
0x6: {  	_ = 	snop  }
0x7: {  	_ = 	snop  }
__scs_overlays_trampoline_lowered:
0x8: {  	[smem:$0x3FA8] =	sst s0  }
0x9: {  	[smem:$0x3FA9] =	sst s1  }
0xa: {  	[smem:$0x3FAA] =	sst s2  }
0xb: {  	[smem:$0x3FAB] =	sst s3  }
0xc: {  	[smem:$0x3FAC] =	sst s4  }
0xd: {  	[smem:$0x3FAD] =	sst s5  }
0xe: {  	[smem:$0x3FAE] =	sst s6  }
0xf: {  	[smem:$0x3FAF] =	sst s7  }
0x10: {  	[smem:$0x3FB0] =	sst s8  }
0x11: {  	[smem:$0x3FB1] =	sst s9;
	s0 =	simm.s32 @!p0 $0x0  }
0x12: {  	s1 =	sld [smem:$0x3F97];
	s0 =	simm.s32 @p0 $0x1  }
0x13: {  	[smem:$0x3FB2] =	sst s0;
	s0 =	simm.s32 @!p1 $0x0  }
0x14: {  	s2 =	sld [smem:$0x3F96];
	s0 =	simm.s32 @p1 $0x1  }
0x15: {  	[smem:$0x3FB3] =	sst s0;
	s0 =	simm.s32 @!p2 $0x0  }
0x16: {  	s3 =	sld [smem:$0x3FDB];
	s0 =	simm.s32 @p2 $0x1  }
0x17: {  	s4 =	simm.s32 $0x1BF5;
	[smem:$0x3FB5] =	sst s0  }
0x18: {  	s0 =	sld [smem:$0x3F98];
	_ =	swait.ge [sflag:s4], $0x0  }
0x19: {  	s7 =	sld [smem:$0x3F99]  }
0x1a: {  	s8 =	sadd.s32 $0xFFFFE003, lr  }
0x1b: {  	s9 =	sadd.s32 $0xFFFFFEF7, lr;
	s5 =	simm.s32 $0xFFFFFFFF;
	p2 =	slt.u32 s8, $0xFFFFF086  }
0x1c: {  	p1 =	slt.u32 s9, $0xF7A;
	s5 =	simm.s32 @!p2 $0x0  }
0x1d: {  	s5 =	simm.s32 @p1 $0x1;
	p0 =	seq.s32 s7, s2  }
0x1e: {  	s7 =	smul.u32 @!p0 $0xF7A, s2;
	p2 =	seq.s32 @!p0 s5, $0x0  }
0x1f: {  	s9 =	smul.u32 $0xF7A, s1;
	s8 =	simm.s32 @!p0 $0x1BF5;
	p2 =	por !p2, p0  }
0x20: {  	[sflag:s8] =	ssyncset.s32 @!p0 $0xFFFFF086;
	s6 =	sadd.s32 @!p0 s3, s7;
	s7 =	simm.s32 @!p0 $0x108  }
0x21: {  	s3 =	sadd.s32 s3, s9;
	s6 =	sadd.s32 @!p0 $0x88, s6;
	s7 =	simm.s32 @p2 $0x1082  }
0x22: {  	[simem:s7], [sflag:s8] =	dma.local @!p0 [hbm:s6], $0xF7A  }
0x23: {  	s9 =	sor.u32 $0xD0000000, s2;
	s6 =	simm.s32 $0x108;
	_ =	swait.ge @!p0 [sflag:s8], $0x0  }
0x24: {  	s3 =	sadd.s32 $0x88, s3;
	s6 =	simm.s32 @!p1 $0x1082;
	[sflag:s4] =	ssyncset.s32 $0xFFFFF086  }
0x25: {  	[simem:s6], [sflag:s4] =	dma.local [hbm:s3], $0xF7A  }
0x26: {  	[smem:$0x3F99] =	sst s1;
	(tag) =	ssettag s2;
	_ =	strace s9  }
0x27: {  	s1 =	sld [smem:$0x3FA9]  }
0x28: {  	s2 =	sld [smem:$0x3FAA]  }
0x29: {  	s4 =	sld [smem:$0x3FAC]  }
0x2a: {  	p0 =	seq.s32 s5, $0x0;
	s5 =	sld [smem:$0x3FAD]  }
0x2b: {  	s6 =	sld [smem:$0x3FAE]  }
0x2c: {  	s7 =	sld [smem:$0x3FAF]  }
0x2d: {  	s3 =	simm.s32 $0x108;
	s8 =	sld [smem:$0x3FB0]  }
0x2e: {  	s3 =	simm.s32 @!p0 $0x1082;
	s9 =	sld [smem:$0x3FB1]  }
0x2f: {  	lr =	sadd.s32 s0, s3;
	s0 =	sld [smem:$0x3FA8]  }
0x30: {  	s3 =	sld [smem:$0x3FAB]  }
0x31: {  	[smem:$0x3FB4] =	sst s10  }
0x32: {  	s10 =	sld [smem:$0x3FB2];
	_ =	sdelay $0x3  }
0x33: {  	p0 =	seq.s32 s10, $0x1;
	s10 =	sld [smem:$0x3FB4];
	_ =	sdelay $0x3  }
0x34: {  	[smem:$0x3FB4] =	sst s10  }
0x35: {  	s10 =	sld [smem:$0x3FB3];
	_ =	sdelay $0x3  }
0x36: {  	p1 =	seq.s32 s10, $0x1;
	s10 =	sld [smem:$0x3FB4];
	_ =	sdelay $0x3  }
0x37: {  	[smem:$0x3FB4] =	sst s10  }
0x38: {  	s10 =	sld [smem:$0x3FB5]  }
0x39: {  	_ = 	snop;
	(pc) =	sbr.ind lr, $3  }
0x3a: {  	_ = 	snop  }
0x3b: {  	_ = 	snop  }
0x3c: {  	p2 =	seq.s32 s10, $0x1;
	s10 =	sld [smem:$0x3FB4]  }
0x3d: {  	_ =	shalt  }
0x3e: {  	_ =	shalt  }
0x3f: {  	_ =	shalt  }
0x40: {  	_ =	shalt  }
0x41: {  	_ =	shalt  }
0x42: {  	_ =	shalt  }
0x43: {  	_ =	shalt  }
0x44: {  	_ =	shalt  }
0x45: {  	_ =	shalt  }
0x46: {  	_ =	shalt  }
0x47: {  	_ =	shalt  }
0x48: {  	_ =	shalt  }
0x49: {  	_ =	shalt  }
0x4a: {  	_ =	shalt  }
0x4b: {  	_ =	shalt  }
0x4c: {  	_ =	shalt  }
0x4d: {  	_ =	shalt  }
0x4e: {  	_ =	shalt  }
0x4f: {  	_ =	shalt  }
0x50: {  	_ =	shalt  }
0x51: {  	_ =	shalt  }
0x52: {  	_ =	shalt  }
0x53: {  	_ =	shalt  }
0x54: {  	_ =	shalt  }
0x55: {  	_ =	shalt  }
0x56: {  	_ =	shalt  }
0x57: {  	_ =	shalt  }
0x58: {  	_ =	shalt  }
0x59: {  	_ =	shalt  }
0x5a: {  	_ =	shalt  }
0x5b: {  	_ =	shalt  }
0x5c: {  	_ =	shalt  }
0x5d: {  	_ =	shalt  }
0x5e: {  	_ =	shalt  }
0x5f: {  	_ =	shalt  }
0x60: {  	_ =	shalt  }
0x61: {  	_ =	shalt  }
0x62: {  	_ =	shalt  }
0x63: {  	_ =	shalt  }
0x64: {  	_ =	shalt  }
0x65: {  	_ =	shalt  }
0x66: {  	_ =	shalt  }
0x67: {  	_ =	shalt  }
0x68: {  	_ =	shalt  }
0x69: {  	_ =	shalt  }
0x6a: {  	_ =	shalt  }
0x6b: {  	_ =	shalt  }
0x6c: {  	_ =	shalt  }
0x6d: {  	_ =	shalt  }
0x6e: {  	_ =	shalt  }
0x6f: {  	_ =	shalt  }
0x70: {  	_ =	shalt  }
0x71: {  	_ =	shalt  }
0x72: {  	_ =	shalt  }
0x73: {  	_ =	shalt  }
0x74: {  	_ =	shalt  }
0x75: {  	_ =	shalt  }
0x76: {  	_ =	shalt  }
0x77: {  	_ =	shalt  }
0x78: {  	_ =	shalt  }
0x79: {  	_ =	shalt  }
0x7a: {  	_ =	shalt  }
0x7b: {  	_ =	shalt  }
0x7c: {  	_ =	shalt  }
0x7d: {  	_ =	shalt  }
0x7e: {  	_ =	shalt  }
0x7f: {  	_ =	shalt  }
0x80: {  	_ =	shalt  }
0x81: {  	_ =	shalt  }
0x82: {  	_ =	shalt  }
0x83: {  	_ =	shalt  }
0x84: {  	_ =	shalt  }
0x85: {  	_ =	shalt  }
0x86: {  	_ =	shalt  }
0x87: {  	_ =	shalt  }
.Lfunc_end0:
.L_simem_size_0:
called_computation_lowered:
.L_overlay_start_0:
0x88: {  	s2 =	sld [smem:$0x3FD9]  }
0x89: {  	s3 =	sld [smem:$0x3FFE];
	_ =	sdelay $0x1  }
0x8a: {  	s1 =	srdreg.scid  }
0x8b: {  	s0 =	sand.u32 $0x1, s1  }
0x8c: {  	s16 =	sshll.u32 s0, $0xA;
	s2 =	sadd.s32 s3, s2  }
0x8d: {  	s2 =	sadd.s32 s2, s16  }
0x8e: {  	[smem:$0x3FC0] =	sst s2  }
0x8f: {  	_ = 	snop  }
0x90: {  	(tm) =	ssettm $0x1  }
0x91: {  	s17 =	sld [smem:$0x3FFB];
	_ =	sdelay $0x3  }
0x92: {  	_ =	strace s17  }
0x93: {  	s2 =	sld [smem:$0x3FFC];
	_ =	sdelay $0x3  }
0x94: {  	_ =	strace s2  }
0x95: {  	s2 =	sld [smem:$0x3FFD];
	_ =	sdelay $0x3  }
0x96: {  	_ =	strace s2  }
0x97: {  	_ =	strace $0x8FFFFFFF  }
0x98: {  	s18 =	sld [smem:$0x3FDB];
	_ =	sdelay $0x1  }
0x99: {  	s19 =	simm.s32 $_scs_section_size  }
0x9a: {  	s4 =	simm.s32 $_size__tile_overlayer_lowered;
	s5 =	simm.s32 $_tile_overlayer_lowered  }
0x9b: {  	s22 =	simm.s32 $0x1BFF;
	s21 =	sshll.u32 s5, $0x1;
	s2 =	sadd.s32 s19, s18  }
0x9c: {  	s6 =	simm.s32 $0x0;
	s20 =	sshll.u32 s4, $0x1;
	s4 =	sadd.s32 s21, s2  }
0x9d: {  	[timem:s6], [sflag:s22] =	dma.local [hbm:s4], s20  }
0x9e: {  	_ =	swait.ge [sflag:s22], s20  }
0x9f: {  	s3 =	ssub.s32 $0x0, s20;
	[sflag:s22] =	ssyncset.done $0x0  }
0xa0: {  	[sflag:s22] =	ssyncadd.s32 s3;
	_ =	sdelay $0x1  }
0xa1: {  	s23 =	simm.s32 $0x1B8B  }
0xa2: {  	_ =	swait.ge [sflag:s23], $0x1  }
0xa3: {  	[sflag:s23] =	ssyncset.done $0x0  }
0xa4: {  	s25 =	simm.s32 $0x1B8E;
	s24 =	sld [smem:$0x3FFE];
	[sflag:s23] =	ssyncadd.s32 $0xFFFFFFFF  }
0xa5: {  	s26 =	simm.s32 $execute0_lowered;
	[smem:$0x3FD2] =	sst s25  }
0xa6: {  	s4 =	sshll.u32 s26, $0x1;
	_ =	strace $0x80000046;
	[dreg:$0x1] =	wrdreg $0xFFFFFFFF  }
0xa7: {  	s28 =	simm.s32 $_size_execute0_lowered;
	s2 =	sadd.s32 s2, s4;
	[dreg:$0x0] =	wrdreg $0x0  }
0xa8: {  	s4 =	sshll.u32 s28, $0x1;
	[dreg:$0x2] =	wrdreg s2  }
0xa9: {  	[dreg:$0x3] =	wrdreg s4  }
0xaa: {  	[dreg:$0x4] =	wrdreg $0xC0  }
0xab: {  	_ =	task [dreg:s6], $0x5FFFF  }
0xac: {  	[dreg:$0x1] =	wrdreg $0xFFFFFFFF  }
0xad: {  	[dreg:$0x0] =	wrdreg $0x60  }
0xae: {  	[dreg:$0x2] =	wrdreg s24  }
0xaf: {  	[dreg:$0x3] =	wrdreg $0x9  }
0xb0: {  	_ =	task.clear_ibuf [dreg:s6], $0x4FFFF;
	_ =	strace $0x90000046  }
0xb1: {  	s29 =	simm.s32 $0x9;
	_ =	strace $0x80000048  }
0xb2: {  	_ =	swait.ge [sflag:s29], $0x1  }
0xb3: {  	[sflag:s29] =	ssyncadd.s32 $0xFFFFFFFF  }
0xb4: {  	_ =	strace $0x90000048  }
0xb5: {  	_ =	sfence  }
0xb6: {  	s30 =	sld [smem:$0x0];
	_ =	sdelay $0x2  }
0xb7: {  	s31 =	sshll.u32 s1, $0xD;
	s1 =	sshrl.u32 s1, $0x2  }
0xb8: {  	s3 =	sand.u32 $0x4000, s31;
	s1 =	sadd.s32 s1, s30  }
0xb9: {  	s0 =	sor.u32 s3, s0;
	s1 =	sshll.u32 s1, $0x11  }
0xba: {  	s0 =	sor.u32 s1, s0  }
0xbb: {  	s0 =	sadd.s32 $0x8F2B, s0  }
0xbc: {  	[sflag:s0] =	ssyncadd.remote.s32 $0x1  }
0xbd: {  	_ =	sfence.sel $0xFFFF  }
0xbe: {  	[dreg:$0x0] =	wrdreg $0xFFFFFFFF;
	(pc) =	sbr.abs _section_cstart, $3  }
0xbf: {  	[dreg:$0x1] =	wrdreg $0xFFFFFFFF  }
0xc0: {  	_ =	task.clear_ibuf [dreg:s6], $0x2FFFF;
	_ =	strace $0x9FFFFFFF  }
0xc1: {  	(tm) =	ssettm $0x7FFFFFFF  }
tec
execute0_lowered:
.L_overlay_start_1:
0x0: {  	(tag) =	ssettag $0x1  }
0x1: {  	s0 =	srdreg.scid;
	s5 =	rddreg [dreg:$0x0]  }
0x2: {  	s1 =	stileid.u32;
	s6 =	simm.s32 $0x1;
	s9 =	simm.s32 $0x1  }
0x3: {  	s10 =	simm.s32 $0x3;
	s13 =	simm.s32 $0x0;
	s2 =	sshll.u32 s0, $0x6  }
0x4: {  	s12 =	simm.s32 $0x0;
	s3 =	sshll.u32 s1, $0x7;
	s2 =	sand.u32 $0x40, s2  }
0x5: {  	s0 =	rddreg [dreg:$0x1];
	_ =	strace $0x80000047;
	s2 =	sor.u32 s3, s2  }
0x6: {  	s4 =	sadd.s32 $0x2A00, s5;
	[sflag:s6] =	ssyncpa.u1 $0x0;
	s8 =	ssub.s32 $0x1000, s2  }
.Ltmp0:
0x7: {  	s3 =	sadd.s32 $0x1000, s5;
	s7 =	sand.u32 $0x7C0, s8;
	(pc) =	sbr.rel .LBB2_1-.Ltmp0, $4  }
0x8: {  	s5 =	sadd.s32 $0x12C00, s5;
	s11 =	smov.u32 s2;
	p0 =	sne.s32 s7, $0x0  }
0x9: {  	s8 =	sshrl.u32 s8, $0xB;
	s7 =	simm.s32 $0x2;
	s9 =	simm.s32 @!p0 $0x0  }
0xa: {  	[sflag:s7] =	ssyncpa.u1 $0x0;
	p0 =	por $0x0, $0x0;
	s8 =	sadd.s32 s9, s8  }
0xb: {  	vm0 =	vmmov $0xffff;
	[sflag:s10] =	ssyncpa.u1 $0x0;
	s10 =	simm.s32 $0x0;
	s9 =	sadd.s32 $0x1, s8  }
.LBB2_4:
0xc: {  	v1 =	vsel vm1, $0xFFFFFFFF, v1;
	v2 =	vand.u32 $0x7, v2  }
0xd: {  	v2 =	vsel vm1, $0xFFFFFFFF, v2;
	v3 =	vshll.u32 v1, $0x3  }
0xe: {  	v4 =	vand.u32 $0xFFFFC000, v2;
	v3 =	vand.u32 $0xFFFFFC00, v3;
	v2 =	vshll.u32 v2, $0x7  }
0xf: {  	v3 =	vadd.s32 v3, v4;
	v2 =	vand.u32 $0x380, v2  }
0x10: {  	v1 =	vand.u32 $0x7F, v1;
	v2 =	vor.u32 v2, v3  }
0x11: {  	v1 =	vor.u32 v1, v2;
	_ =	sdelay $0x1  }
0x12: {  	(ifvalue) =	ssetifvalue $0x7FFFFFFF;
	s15 =	sadd.s32 $0x10, s15  }
0x13: {  	[tilespmem:s15], [sflag:$0x1] =	stream.indirect_vreg.gather [hbm4b:s3+s10], $0x1, v0, vm0, $0x4038;
	[tilespmem:$0x100] =	vst v63  }
0x14: {  	(ifvalue) =	ssetifvalue $0x7FFFFFFF;
	s15 =	sadd.s32 $0x10, s15  }
0x15: {  	[tilespmem:s15], [sflag:$0x1] =	stream.indirect_vreg.gather [hbm4b:s3+s10], $0x1, v1, vm0, $0x4038;
	[tilespmem:$0x100] =	vst v63  }
0x16: {  	_ =	swait.ge [sflag:s6], $0x40  }
0x17: {  	s30 =	sshrl.u32 s13, $0x3;
	[sflag:s6] =	ssyncset.done $0x0  }
0x18: {  	s31 =	sand.u32 $0x7, s13;
	s15 =	sadd.s32 s5, s30;
	[sflag:s6] =	ssyncadd.s32 $0xFFFFFFC0  }
0x19: {  	[hbm4b:s15+s31] =	stream.linear.scatter [tilespmem:s14], [sflag:$0x3], $0x40, $0x38;
	[tilespmem:$0x100] =	vst v63  }
.LBB2_5:
0x1a: {  	s15 =	sadd.s32 $0x800, s11  }
0x1b: {  	p2 =	sgt.s32 s15, $0xFFF  }
0x1c: {  	s15 =	smov.u32 @p2 s2;
	p2 =	sne.s32 s12, s9  }
.Ltmp1:
0x1d: {  	p1 =	slt.u32 s12, $0x2;
	(pc) =	sbr.rel @!p2 .LBB2_6-.Ltmp1, $4  }
0x1e: {  	s14 =	simm.s32 @!p1 $0x3  }
0x1f: {  	s16 =	sadd.s32 $0x1, s12;
	_ =	swait.ge @!p1 [sflag:s14], $0x40  }
0x20: {  	s13 =	smov.u32 s11;
	p0 =	por !p0, !p0;
	[sflag:s14] =	ssyncset.done @!p1 $0x0  }
0x21: {  	s12 =	smov.u32 s16;
	s11 =	smov.u32 s15;
	[sflag:s14] =	ssyncadd.s32 @!p1 $0xFFFFFFC0  }
.LBB2_1:
0x22: {  	p1 =	sge.u32 s12, s8  }
0x23: {  	s14 =	sxor.u32 @!p1 $0xFFFFFFFF, s12  }
0x24: {  	s31 =	sadd.s32 $0xFFFFFFFF, s12;
	s15 =	sshrl.u32 @!p1 s11, $0x3;
	s14 =	sshll.u32 @!p1 s14, $0x6  }
0x25: {  	s16 =	sand.u32 @!p1 $0x7, s11;
	s15 =	sadd.s32 @!p1 s4, s15;
	s14 =	sand.u32 @!p1 $0x40, s14  }
0x26: {  	[tilespmem:s14], [sflag:$0x2] =	stream.linear.gather @!p1 [hbm4b:s15+s16], $0x40, $0x38;
	[tilespmem:$0x100] =	vst v63  }
0x27: {  	p1 =	sge.u32 s31, s8  }
.Ltmp2:
0x28: {  	_ = 	snop;
	(pc) =	sbr.rel @p1 .LBB2_5-.Ltmp2, $1  }
0x29: {  	_ =	sdelay $0x3  }
0x2a: {  	s14 =	simm.s32 $0x1  }
0x2b: {  	_ =	swait.ge [sflag:s7], $0x40;
	s14 =	simm.s32 @!p0 $0x0  }
0x2c: {  	[sflag:s7] =	ssyncset.done $0x0;
	s14 =	sshll.u32 s14, $0x6  }
0x2d: {  	[sflag:s7] =	ssyncadd.s32 $0xFFFFFFC0;
	(ifvalue) =	ssetifvalue $0x7FFFFFFF;
	v0 =	vld.msk [tilespmem:s14+$0x0 ss:$0x1], $0xffff;
	_ =	sdelay $0x3  }
0x2e: {  	s15 =	sadd.s32 $0x10, s14  }
0x2f: {  	v2 =	vld.msk [tilespmem:s15+$0x0 ss:$0x1], $0xffff;
	vm1 =	veq.s32 v0, $0x80000000;
	v1 =	vand.u32 $0x7FF, v0;
	v0 =	vshrl.u32 v0, $0xB  }
0x30: {  	v1 =	vsel vm1, $0xFFFFFFFF, v1;
	v0 =	vand.u32 $0x7, v0  }
0x31: {  	v0 =	vsel vm1, $0xFFFFFFFF, v0;
	v3 =	vshll.u32 v1, $0x3  }
0x32: {  	v4 =	vand.u32 $0xFFFFC000, v0;
	v3 =	vand.u32 $0xFFFFFC00, v3;
	v0 =	vshll.u32 v0, $0x7  }
0x33: {  	v3 =	vadd.s32 v3, v4;
	v0 =	vand.u32 $0x380, v0  }
0x34: {  	v1 =	vand.u32 $0x7F, v1;
	vm1 =	veq.s32 v2, $0x80000000;
	v0 =	vor.u32 v0, v3  }
0x35: {  	v0 =	vor.u32 v1, v0;
	v1 =	vand.u32 $0x7FF, v2;
	v2 =	vshrl.u32 v2, $0xB  }
0x36: {  	s17 =	sadd.s32 $0x10, s15;
	v1 =	vsel vm1, $0xFFFFFFFF, v1;
	v2 =	vand.u32 $0x7, v2  }
0x37: {  	v3 =	vld.msk [tilespmem:s17+$0x0 ss:$0x1], $0xffff;
	v2 =	vsel vm1, $0xFFFFFFFF, v2;
	v63 =	vshll.u32 v1, $0x3  }
0x38: {  	v5 =	vand.u32 $0xFFFFC000, v2;
	v4 =	vand.u32 $0xFFFFFC00, v63;
	v2 =	vshll.u32 v2, $0x7  }
0x39: {  	s31 =	sshll.u32 s12, $0x6;
	s15 =	sor.u32 $0x80, s14;
	(ifvalue) =	ssetifvalue $0x7FFFFFFF;
	v4 =	vadd.s32 v4, v5;
	v2 =	vand.u32 $0x380, v2  }
0x3a: {  	[tilespmem:s15], [sflag:$0x1] =	stream.indirect_vreg.gather [hbm4b:s3+s10], $0x1, v0, vm0, $0x4038;
	v0 =	vand.u32 $0x7F, v1;
	v1 =	vor.u32 v2, v4;
	[tilespmem:$0x100] =	vst v63  }
0x3b: {  	s14 =	sand.u32 $0x40, s31;
	v0 =	vor.u32 v0, v1  }
0x3c: {  	s16 =	simm.s32 $0x20;
	s14 =	sor.u32 $0x80, s14;
	s17 =	sadd.s32 $0x10, s17;
	vm1 =	veq.s32 v3, $0x80000000;
	v2 =	vshrl.u32 v3, $0xB;
	v1 =	vand.u32 $0x7FF, v3  }
.LBB2_3:
0x3d: {  	v3 =	vld.msk [tilespmem:s17+$0x0 ss:$0x1], $0xffff;
	s16 =	sadd.s32 $0x10, s16;
	v1 =	vsel vm1, $0xFFFFFFFF, v1;
	v2 =	vand.u32 $0x7, v2  }
0x3e: {  	p1 =	slt.u32 s16, $0x30;
	v2 =	vsel vm1, $0xFFFFFFFF, v2;
	v4 =	vshll.u32 v1, $0x3  }
.Ltmp3:
0x3f: {  	s15 =	sadd.s32 $0x10, s15;
	v5 =	vand.u32 $0xFFFFC000, v2;
	v4 =	vand.u32 $0xFFFFFC00, v4;
	v2 =	vshll.u32 v2, $0x7;
	(ifvalue) =	ssetifvalue $0x7FFFFFFF;
	(pc) =	sbr.rel @p1 .LBB2_3-.Ltmp3, $4  }
0x40: {  	v4 =	vadd.s32 v4, v5;
	v2 =	vand.u32 $0x380, v2;
	[tilespmem:s15], [sflag:$0x1] =	stream.indirect_vreg.gather [hbm4b:s3+s10], $0x1, v0, vm0, $0x4038;
	[tilespmem:$0x100] =	vst v63  }
0x41: {  	v0 =	vand.u32 $0x7F, v1;
	v1 =	vor.u32 v2, v4  }
0x42: {  	v0 =	vor.u32 v0, v1  }
0x43: {  	s17 =	sadd.s32 $0x10, s17;
	vm1 =	veq.s32 v3, $0x80000000;
	v1 =	vand.u32 $0x7FF, v3;
	v2 =	vshrl.u32 v3, $0xB  }
.Ltmp4:
0x44: {  	_ = 	snop;
	(pc) =	sbr.rel .LBB2_4-.Ltmp4, $1  }
0x45: {  	_ =	sdelay $0x3  }
.LBB2_6:
0x46: {  	_ =	sfence.sel $0x180000  }
0x47: {  	s2 =	simm.s32 $0x2;
	[bflag:$0x0] =	sbarrier.arrive $0xFFFF  }
0x48: {  	s30 =	simm.s32 $0x3;
	[sflag:s2] =	ssyncpa.u1 $0x1  }
0x49: {  	s31 =	simm.s32 $0x1;
	[sflag:s30] =	ssyncpa.u1 $0x1  }
0x4a: {  	[sflag:s31] =	ssyncpa.u1 $0x1  }
0x4b: {  	p0 =	sne.s32 s1, $0x0;
	_ =	strace $0x90000047  }
0x4c: {  	s0 =	sadd.s32 @!p0 $0x100000, s0;
	[bflag:$0x2] =	sbarrier.arrive $0xFFFF  }
0x4d: {  	[sflag:s0] =	ssyncadd.tile.s32 @!p0 $0x1;
	_ =	shalt  }
.Lfunc_end2:
_tile_overlayer_lowered:
.L_overlay_start_2:
0x4e: {  	(tag) =	ssettag $0x2  }
0x4f: {  	s0 =	rddreg [dreg:$0x0];
	s2 =	stileid.u32  }
0x50: {  	s1 =	rddreg [dreg:$0x1];
	p0 =	sne.s32 s2, $0x0  }
0x51: {  	s3 =	rddreg [dreg:$0x2];
	[bflag:$0x3] =	sbarrier.arrive $0xFFFF;
	s2 =	simm.s32 @!p0 $0x1C01  }
0x52: {  	[timem:s3], [sflag:s2] =	dma.local @!p0 [hbm:s0], s1  }
0x53: {  	s0 =	simm.s32 @!p0 $0x1  }
0x54: {  	_ =	swait.ge @!p0 [sflag:s0], s1  }
0x55: {  	s1 =	ssub.s32 @!p0 $0x0, s1;
	[sflag:s0] =	ssyncset.done @!p0 $0x0  }
0x56: {  	[sflag:s0] =	ssyncadd.s32 @!p0 s1  }
0x57: {  	[bflag:$0x3] =	sbarrier.arrive $0xFFFF  }
0x58: {  	_ =	shalt  }

// kernel: kernel.12.cloned.1.call-start
scs
__scs_entry_jumppad:
0x0: {  	(pc) =	sbr.rel $0x88, $3  }
0x1: {  	(tag) =	ssettag $0x0;
	lr =	simm.s32 $0x1  }
0x2: {  	[smem:$0x3F99] =	sst lr;
	_ =	strace $0xD0000000  }
0x3: {  	_ = 	snop  }
0x4: {  	_ = 	snop  }
0x5: {  	_ = 	snop  }
0x6: {  	_ = 	snop  }
0x7: {  	_ = 	snop  }
__scs_overlays_trampoline_lowered:
0x8: {  	[smem:$0x3FA8] =	sst s0  }
0x9: {  	[smem:$0x3FA9] =	sst s1  }
0xa: {  	[smem:$0x3FAA] =	sst s2  }
0xb: {  	[smem:$0x3FAB] =	sst s3  }
0xc: {  	[smem:$0x3FAC] =	sst s4  }
0xd: {  	[smem:$0x3FAD] =	sst s5  }
0xe: {  	[smem:$0x3FAE] =	sst s6  }
0xf: {  	[smem:$0x3FAF] =	sst s7  }
0x10: {  	[smem:$0x3FB0] =	sst s8  }
0x11: {  	[smem:$0x3FB1] =	sst s9;
	s0 =	simm.s32 @!p0 $0x0  }
0x12: {  	s1 =	sld [smem:$0x3F97];
	s0 =	simm.s32 @p0 $0x1  }
0x13: {  	[smem:$0x3FB2] =	sst s0;
	s0 =	simm.s32 @!p1 $0x0  }
0x14: {  	s2 =	sld [smem:$0x3F96];
	s0 =	simm.s32 @p1 $0x1  }
0x15: {  	[smem:$0x3FB3] =	sst s0;
	s0 =	simm.s32 @!p2 $0x0  }
0x16: {  	s3 =	sld [smem:$0x3FDB];
	s0 =	simm.s32 @p2 $0x1  }
0x17: {  	s4 =	simm.s32 $0x1BF5;
	[smem:$0x3FB5] =	sst s0  }
0x18: {  	s0 =	sld [smem:$0x3F98];
	_ =	swait.ge [sflag:s4], $0x0  }
0x19: {  	s7 =	sld [smem:$0x3F99]  }
0x1a: {  	s8 =	sadd.s32 $0xFFFFE003, lr  }
0x1b: {  	s9 =	sadd.s32 $0xFFFFFEF7, lr;
	s5 =	simm.s32 $0xFFFFFFFF;
	p2 =	slt.u32 s8, $0xFFFFF086  }
0x1c: {  	p1 =	slt.u32 s9, $0xF7A;
	s5 =	simm.s32 @!p2 $0x0  }
0x1d: {  	s5 =	simm.s32 @p1 $0x1;
	p0 =	seq.s32 s7, s2  }
0x1e: {  	s7 =	smul.u32 @!p0 $0xF7A, s2;
	p2 =	seq.s32 @!p0 s5, $0x0  }
0x1f: {  	s9 =	smul.u32 $0xF7A, s1;
	s8 =	simm.s32 @!p0 $0x1BF5;
	p2 =	por !p2, p0  }
0x20: {  	[sflag:s8] =	ssyncset.s32 @!p0 $0xFFFFF086;
	s6 =	sadd.s32 @!p0 s3, s7;
	s7 =	simm.s32 @!p0 $0x108  }
0x21: {  	s3 =	sadd.s32 s3, s9;
	s6 =	sadd.s32 @!p0 $0x88, s6;
	s7 =	simm.s32 @p2 $0x1082  }
0x22: {  	[simem:s7], [sflag:s8] =	dma.local @!p0 [hbm:s6], $0xF7A  }
0x23: {  	s9 =	sor.u32 $0xD0000000, s2;
	s6 =	simm.s32 $0x108;
	_ =	swait.ge @!p0 [sflag:s8], $0x0  }
0x24: {  	s3 =	sadd.s32 $0x88, s3;
	s6 =	simm.s32 @!p1 $0x1082;
	[sflag:s4] =	ssyncset.s32 $0xFFFFF086  }
0x25: {  	[simem:s6], [sflag:s4] =	dma.local [hbm:s3], $0xF7A  }
0x26: {  	[smem:$0x3F99] =	sst s1;
	(tag) =	ssettag s2;
	_ =	strace s9  }
0x27: {  	s1 =	sld [smem:$0x3FA9]  }
0x28: {  	s2 =	sld [smem:$0x3FAA]  }
0x29: {  	s4 =	sld [smem:$0x3FAC]  }
0x2a: {  	p0 =	seq.s32 s5, $0x0;
	s5 =	sld [smem:$0x3FAD]  }
0x2b: {  	s6 =	sld [smem:$0x3FAE]  }
0x2c: {  	s7 =	sld [smem:$0x3FAF]  }
0x2d: {  	s3 =	simm.s32 $0x108;
	s8 =	sld [smem:$0x3FB0]  }
0x2e: {  	s3 =	simm.s32 @!p0 $0x1082;
	s9 =	sld [smem:$0x3FB1]  }
0x2f: {  	lr =	sadd.s32 s0, s3;
	s0 =	sld [smem:$0x3FA8]  }
0x30: {  	s3 =	sld [smem:$0x3FAB]  }
0x31: {  	[smem:$0x3FB4] =	sst s10  }
0x32: {  	s10 =	sld [smem:$0x3FB2];
	_ =	sdelay $0x3  }
0x33: {  	p0 =	seq.s32 s10, $0x1;
	s10 =	sld [smem:$0x3FB4];
	_ =	sdelay $0x3  }
0x34: {  	[smem:$0x3FB4] =	sst s10  }
0x35: {  	s10 =	sld [smem:$0x3FB3];
	_ =	sdelay $0x3  }
0x36: {  	p1 =	seq.s32 s10, $0x1;
	s10 =	sld [smem:$0x3FB4];
	_ =	sdelay $0x3  }
0x37: {  	[smem:$0x3FB4] =	sst s10  }
0x38: {  	s10 =	sld [smem:$0x3FB5]  }
0x39: {  	_ = 	snop;
	(pc) =	sbr.ind lr, $3  }
0x3a: {  	_ = 	snop  }
0x3b: {  	_ = 	snop  }
0x3c: {  	p2 =	seq.s32 s10, $0x1;
	s10 =	sld [smem:$0x3FB4]  }
0x3d: {  	_ =	shalt  }
0x3e: {  	_ =	shalt  }
0x3f: {  	_ =	shalt  }
0x40: {  	_ =	shalt  }
0x41: {  	_ =	shalt  }
0x42: {  	_ =	shalt  }
0x43: {  	_ =	shalt  }
0x44: {  	_ =	shalt  }
0x45: {  	_ =	shalt  }
0x46: {  	_ =	shalt  }
0x47: {  	_ =	shalt  }
0x48: {  	_ =	shalt  }
0x49: {  	_ =	shalt  }
0x4a: {  	_ =	shalt  }
0x4b: {  	_ =	shalt  }
0x4c: {  	_ =	shalt  }
0x4d: {  	_ =	shalt  }
0x4e: {  	_ =	shalt  }
0x4f: {  	_ =	shalt  }
0x50: {  	_ =	shalt  }
0x51: {  	_ =	shalt  }
0x52: {  	_ =	shalt  }
0x53: {  	_ =	shalt  }
0x54: {  	_ =	shalt  }
0x55: {  	_ =	shalt  }
0x56: {  	_ =	shalt  }
0x57: {  	_ =	shalt  }
0x58: {  	_ =	shalt  }
0x59: {  	_ =	shalt  }
0x5a: {  	_ =	shalt  }
0x5b: {  	_ =	shalt  }
0x5c: {  	_ =	shalt  }
0x5d: {  	_ =	shalt  }
0x5e: {  	_ =	shalt  }
0x5f: {  	_ =	shalt  }
0x60: {  	_ =	shalt  }
0x61: {  	_ =	shalt  }
0x62: {  	_ =	shalt  }
0x63: {  	_ =	shalt  }
0x64: {  	_ =	shalt  }
0x65: {  	_ =	shalt  }
0x66: {  	_ =	shalt  }
0x67: {  	_ =	shalt  }
0x68: {  	_ =	shalt  }
0x69: {  	_ =	shalt  }
0x6a: {  	_ =	shalt  }
0x6b: {  	_ =	shalt  }
0x6c: {  	_ =	shalt  }
0x6d: {  	_ =	shalt  }
0x6e: {  	_ =	shalt  }
0x6f: {  	_ =	shalt  }
0x70: {  	_ =	shalt  }
0x71: {  	_ =	shalt  }
0x72: {  	_ =	shalt  }
0x73: {  	_ =	shalt  }
0x74: {  	_ =	shalt  }
0x75: {  	_ =	shalt  }
0x76: {  	_ =	shalt  }
0x77: {  	_ =	shalt  }
0x78: {  	_ =	shalt  }
0x79: {  	_ =	shalt  }
0x7a: {  	_ =	shalt  }
0x7b: {  	_ =	shalt  }
0x7c: {  	_ =	shalt  }
0x7d: {  	_ =	shalt  }
0x7e: {  	_ =	shalt  }
0x7f: {  	_ =	shalt  }
0x80: {  	_ =	shalt  }
0x81: {  	_ =	shalt  }
0x82: {  	_ =	shalt  }
0x83: {  	_ =	shalt  }
0x84: {  	_ =	shalt  }
0x85: {  	_ =	shalt  }
0x86: {  	_ =	shalt  }
0x87: {  	_ =	shalt  }
.Lfunc_end0:
.L_simem_size_0:
called_computation.2_lowered:
.L_overlay_start_0:
0x88: {  	s2 =	sld [smem:$0x3FD9]  }
0x89: {  	s3 =	sld [smem:$0x3FFE];
	_ =	sdelay $0x1  }
0x8a: {  	s1 =	srdreg.scid  }
0x8b: {  	s0 =	sand.u32 $0x1, s1  }
0x8c: {  	s17 =	sshll.u32 s0, $0xA;
	s2 =	sadd.s32 s3, s2  }
0x8d: {  	s2 =	sadd.s32 s2, s17  }
0x8e: {  	[smem:$0x3FC0] =	sst s2  }
0x8f: {  	_ = 	snop  }
0x90: {  	s18 =	sld [smem:$0x3FD0];
	(tm) =	ssettm $0x1  }
0x91: {  	s19 =	sld [smem:$0x3FFB];
	_ =	sdelay $0x3  }
0x92: {  	_ =	strace s19  }
0x93: {  	s2 =	sld [smem:$0x3FFC];
	_ =	sdelay $0x3  }
0x94: {  	_ =	strace s2  }
0x95: {  	s2 =	sld [smem:$0x3FFD];
	_ =	sdelay $0x3  }
0x96: {  	_ =	strace s2  }
0x97: {  	_ =	strace $0x8FFFFFFF  }
0x98: {  	s20 =	sld [smem:$0x3FDB];
	_ =	sdelay $0x1  }
0x99: {  	s4 =	simm.s32 $_scs_section_size  }
0x9a: {  	s5 =	simm.s32 $_size__tile_overlayer_lowered;
	s6 =	simm.s32 $_tile_overlayer_lowered  }
0x9b: {  	s7 =	simm.s32 $0x1BFF;
	s21 =	sshll.u32 s6, $0x1;
	s4 =	sadd.s32 s4, s20  }
0x9c: {  	s22 =	simm.s32 $0x0;
	s5 =	sshll.u32 s5, $0x1;
	s6 =	sadd.s32 s21, s4  }
0x9d: {  	[timem:s22], [sflag:s7] =	dma.local [hbm:s6], s5  }
0x9e: {  	_ =	swait.ge [sflag:s7], s5  }
0x9f: {  	s5 =	ssub.s32 $0x0, s5;
	[sflag:s7] =	ssyncset.done $0x0  }
0xa0: {  	[sflag:s7] =	ssyncadd.s32 s5;
	_ =	sdelay $0x1  }
0xa1: {  	s23 =	simm.s32 $0x1B8B  }
0xa2: {  	_ =	swait.ge [sflag:s23], $0x1  }
0xa3: {  	[sflag:s23] =	ssyncset.done $0x0  }
0xa4: {  	[sflag:s23] =	ssyncadd.s32 $0xFFFFFFFF  }
0xa5: {  	s5 =	sld [smem:$0x0]  }
0xa6: {  	s6 =	sand.u32 $0xFFFFFFFE, s1  }
0xa7: {  	p0 =	sne.s32 s1, s6  }
0xa8: {  	s6 =	sshll.u32 @p0 s6, $0xE  }
0xa9: {  	s6 =	sadd.s32 @p0 $0x11B8D, s6;
	s7 =	sshll.u32 @p0 s5, $0x11  }
0xaa: {  	s6 =	sor.u32 @p0 s7, s6  }
0xab: {  	[sflag:s6] =	ssyncadd.remote.s32 @p0 $0x1;
	_ =	sdelay $0x1  }
0xac: {  	s6 =	simm.s32 @p0 $0x1B8D  }
0xad: {  	_ =	swait.eq @p0 [sflag:s6], $0x1  }
0xae: {  	[sflag:s6] =	ssyncadd.s32 @p0 $0xFFFFFFFF  }
0xaf: {  	s7 =	sshll.u32 @!p0 s1, $0xE  }
0xb0: {  	s7 =	sor.u32 @!p0 $0x4000, s7;
	s6 =	simm.s32 @!p0 $0x1B8D  }
0xb1: {  	s5 =	sshll.u32 @!p0 s5, $0x11;
	s7 =	sadd.s32 @!p0 $0x11B8D, s7;
	_ =	swait.eq @!p0 [sflag:s6], $0x1  }
0xb2: {  	s5 =	sor.u32 @!p0 s5, s7;
	[sflag:s6] =	ssyncadd.s32 @!p0 $0xFFFFFFFF  }
0xb3: {  	s25 =	simm.s32 $0x1B8E;
	s24 =	sld [smem:$0x3FFE];
	[sflag:s5] =	ssyncadd.remote.s32 @!p0 $0x1  }
0xb4: {  	s26 =	simm.s32 $execute0_lowered;
	[smem:$0x3FD2] =	sst s25  }
0xb5: {  	s6 =	sshll.u32 s26, $0x1;
	_ =	strace $0x80000052;
	[dreg:$0x1] =	wrdreg $0xFFFFFFFF  }
0xb6: {  	s28 =	simm.s32 $_size_execute0_lowered;
	s4 =	sadd.s32 s4, s6;
	[dreg:$0x0] =	wrdreg $0x0  }
0xb7: {  	s6 =	sshll.u32 s28, $0x1;
	[dreg:$0x2] =	wrdreg s4  }
0xb8: {  	[dreg:$0x3] =	wrdreg s6  }
0xb9: {  	[dreg:$0x4] =	wrdreg $0xC0  }
0xba: {  	_ =	task [dreg:s22], $0x5FFFF  }
0xbb: {  	[dreg:$0x1] =	wrdreg $0xFFFFFFFF  }
0xbc: {  	[dreg:$0x0] =	wrdreg $0x60  }
0xbd: {  	[dreg:$0x2] =	wrdreg s24  }
0xbe: {  	[dreg:$0x3] =	wrdreg s18  }
0xbf: {  	[dreg:$0x4] =	wrdreg $0xA  }
0xc0: {  	_ =	task.clear_ibuf [dreg:s22], $0x5FFFF;
	_ =	strace $0x90000052  }
0xc1: {  	s29 =	simm.s32 $0xA;
	_ =	strace $0x8000005A  }
0xc2: {  	_ =	swait.ge [sflag:s29], $0x1  }
0xc3: {  	[sflag:s29] =	ssyncadd.s32 $0xFFFFFFFF  }
0xc4: {  	_ =	strace $0x9000005A  }
0xc5: {  	_ =	sfence  }
0xc6: {  	s30 =	sld [smem:$0x0];
	_ =	sdelay $0x2  }
0xc7: {  	s31 =	sshll.u32 s1, $0xD;
	s1 =	sshrl.u32 s1, $0x2  }
0xc8: {  	s4 =	sand.u32 $0x4000, s31;
	s1 =	sadd.s32 s1, s30  }
0xc9: {  	s0 =	sor.u32 s4, s0;
	s1 =	sshll.u32 s1, $0x11  }
0xca: {  	s0 =	sor.u32 s1, s0  }
0xcb: {  	s0 =	sadd.s32 $0x8F2B, s0  }
0xcc: {  	[sflag:s0] =	ssyncadd.remote.s32 $0x1  }
0xcd: {  	_ =	sfence.sel $0xFFFF  }
0xce: {  	[dreg:$0x0] =	wrdreg $0xFFFFFFFF;
	(pc) =	sbr.abs _section_cstart, $3  }
0xcf: {  	[dreg:$0x1] =	wrdreg $0xFFFFFFFF  }
0xd0: {  	_ =	task.clear_ibuf [dreg:s22], $0x2FFFF;
	_ =	strace $0x9FFFFFFF  }
0xd1: {  	(tm) =	ssettm $0x7FFFFFFF  }
tec
execute0_lowered:
.L_overlay_start_1:
0x0: {  	(tag) =	ssettag $0x1  }
0x1: {  	s5 =	rddreg [dreg:$0x0]  }
0x2: {  	s1 =	rddreg [dreg:$0x1]  }
0x3: {  	s0 =	rddreg [dreg:$0x2];
	s2 =	simm.s32 $0x0  }
0x4: {  	s3 =	srdreg.scid;
	s10 =	simm.s32 $0x10000;
	s11 =	simm.s32 $0x5  }
0x5: {  	s12 =	simm.s32 $0x0;
	[smem:$0x7FF] =	sst s2;
	s3 =	sand.u32 $0x1, s3  }
.Ltmp0:
0x6: {  	s4 =	sadd.s32 $0x42C00, s5;
	s5 =	sadd.s32 $0x800, s5;
	(pc) =	sbr.rel .LBB2_1-.Ltmp0, $4  }
0x7: {  	_ =	strace $0x80000053;
	s6 =	ssub.s32 $0x2, s3;
	s3 =	stileid.u32  }
0x8: {  	v2 =	vlaneseq.u32;
	s7 =	sshrl.u32 s6, $0x1;
	s31 =	sshll.u32 s3, $0xD;
	s8 =	sshll.u32 s3, $0x5  }
0x9: {  	vm0 =	vmmov $0xffff;
	v1 =	vshrl.u32 v2, $0x3;
	s9 =	ssub.s32 s6, s7;
	s6 =	sshll.u32 s3, $0x1;
	s7 =	sand.u32 $0xE000, s31  }
0xa: {  	v0 =	vand.u32 $0x7, v2;
	v2 =	vor.u32 $0x8, v2;
	v1 =	vmul.u32 $0x8, v1;
	s8 =	sadd.s32 s5, s8;
	s7 =	sadd.s32 s4, s7;
	s9 =	smax.u32 s9, $0x1  }
.LBB2_7:
0xb: {  	s12 =	sadd.s32 $0x1, s12  }
0xc: {  	p0 =	sne.s32 s12, s9  }
.Ltmp1:
0xd: {  	_ = 	snop;
	(pc) =	sbr.rel @!p0 .LBB2_8-.Ltmp1, $1  }
0xe: {  	_ =	sdelay $0x3  }
.LBB2_1:
0xf: {  	_ =	strace $0x80000054  }
.Ltmp2:
0x10: {  	p0 =	por $0x0, $0x0;
	p2 =	por $0x1, $0x1;
	(pc) =	sbr.rel .LBB2_2-.Ltmp2, $4  }
0x11: {  	[tilespmem:s2], [sflag:$0x1] =	stream.linear.gather [hbm4b:s7+s2], $0x8000, $0x200038;
	[tilespmem:$0x10100] =	vst v63  }
0x12: {  	s18 =	simm.s32 $0x0;
	s13 =	simm.s32 $0x0;
	s14 =	simm.s32 $0x1  }
0x13: {  	[tilespmem:s10], [sflag:$0x3] =	stream.linear.gather [hbm4b:s8+s2], $0x80, $0x200038;
	[tilespmem:$0x10100] =	vst v63  }
0x14: {  	s15 =	simm.s32 $0x0;
	s16 =	simm.s32 $0x1;
	_ =	strace $0x90000054  }
.LBB2_3:
0x15: {  	s19 =	sand.u32 $0x1, s14;
	s20 =	sshll.u32 s20, $0x4  }
0x16: {  	_ =	strace $0x80000056;
	s21 =	sshll.u32 s19, $0x7;
	s20 =	sand.u32 $0x1FFFFFF0, s20  }
0x17: {  	s19 =	sadd.s32 $0x3, s19;
	s21 =	sor.u32 $0x10000, s21;
	s20 =	sadd.s32 s5, s20  }
0x18: {  	[tilespmem:s21], [sflag:s19] =	stream.linear.gather [hbm4b:s20+s2], $0x80, $0x200038;
	[tilespmem:$0x10100] =	vst v63  }
0x19: {  	s14 =	sadd.s32 $0x1, s14;
	_ =	strace $0x90000056  }
.LBB2_5:
0x1a: {  	s19 =	sand.u32 $0x1, s15  }
0x1b: {  	_ =	strace $0x80000057;
	s19 =	sadd.s32 $0x1, s19  }
0x1c: {  	_ =	swait.ge [sflag:s19], $0x8000  }
0x1d: {  	[sflag:s19] =	ssyncset.done $0x0  }
0x1e: {  	[sflag:s19] =	ssyncadd.s32 $0xFFFF8000  }
0x1f: {  	_ =	strace $0x90000057  }
.LBB2_6:
0x20: {  	s19 =	sand.u32 $0x1, s13  }
0x21: {  	_ =	strace $0x80000058;
	s19 =	sadd.s32 $0x3, s19  }
0x22: {  	_ =	swait.ge [sflag:s19], $0x80  }
0x23: {  	[sflag:s19] =	ssyncset.done $0x0  }
0x24: {  	[sflag:s19] =	ssyncadd.s32 $0xFFFFFF80  }
0x25: {  	s25 =	sshll.u32 s13, $0x7;
	_ =	strace $0x90000058  }
0x26: {  	s20 =	sand.u32 $0x80, s25;
	_ =	strace $0x80000059  }
0x27: {  	v3 =	vld [tilespmem:s20+$0x10000];
	_ =	sdelay $0x4  }
0x28: {  	v4 =	vshll.u32 v3, $0x1  }
0x29: {  	v3 =	vand.u32 $0x7, v3;
	v4 =	vand.u32 $0xFFFFFFF0, v4  }
0x2a: {  	v3 =	vor.u32 v3, v4  }
0x2b: {  	v4 =	vperm.xlane v3, v0;
	_ =	sdelay $0x1  }
0x2c: {  	v3 =	vperm.xlane v3, v2;
	v4 =	vadd.s32 v1, v4;
	_ =	sdelay $0x1  }
0x2d: {  	v3 =	vadd.s32 v1, v3  }
0x2e: {  	s26 =	sshll.u32 s15, $0xF  }
0x2f: {  	s19 =	sand.u32 $0x8000, s26  }
0x30: {  	[hbm4b:s1+s2] =	stream.indirect_vreg.scatter [tilespmem:s19], [sflag:$0x5], $0x80, v4, vm0, $0x2000b8;
	[tilespmem:$0x10100] =	vst v63  }
0x31: {  	s21 =	sor.u32 $0x800, s19  }
0x32: {  	[hbm4b:s1+s2] =	stream.indirect_vreg.scatter [tilespmem:s21], [sflag:$0x5], $0x80, v3, vm0, $0x2000b8;
	[tilespmem:$0x10100] =	vst v63  }
0x33: {  	v3 =	vld [tilespmem:s20+$0x10010];
	_ =	sdelay $0x4  }
0x34: {  	v57 =	vshll.u32 v3, $0x1  }
0x35: {  	v3 =	vand.u32 $0x7, v3;
	v4 =	vand.u32 $0xFFFFFFF0, v57  }
0x36: {  	v3 =	vor.u32 v3, v4  }
0x37: {  	v4 =	vperm.xlane v3, v0;
	_ =	sdelay $0x1  }
0x38: {  	v3 =	vperm.xlane v3, v2;
	v4 =	vadd.s32 v1, v4;
	_ =	sdelay $0x1  }
0x39: {  	v3 =	vadd.s32 v1, v3;
	_ =	sdelay $0x1  }
0x3a: {  	s28 =	sor.u32 $0x1000, s19  }
0x3b: {  	[hbm4b:s1+s2] =	stream.indirect_vreg.scatter [tilespmem:s28], [sflag:$0x5], $0x80, v4, vm0, $0x2000b8;
	[tilespmem:$0x10100] =	vst v63  }
0x3c: {  	s29 =	sor.u32 $0x1800, s19  }
0x3d: {  	[hbm4b:s1+s2] =	stream.indirect_vreg.scatter [tilespmem:s29], [sflag:$0x5], $0x80, v3, vm0, $0x2000b8;
	[tilespmem:$0x10100] =	vst v63  }
0x3e: {  	v3 =	vld [tilespmem:s20+$0x10020];
	_ =	sdelay $0x4  }
0x3f: {  	v58 =	vshll.u32 v3, $0x1  }
0x40: {  	v3 =	vand.u32 $0x7, v3;
	v4 =	vand.u32 $0xFFFFFFF0, v58  }
0x41: {  	v3 =	vor.u32 v3, v4  }
0x42: {  	v4 =	vperm.xlane v3, v0;
	_ =	sdelay $0x1  }
0x43: {  	v3 =	vperm.xlane v3, v2;
	v4 =	vadd.s32 v1, v4;
	_ =	sdelay $0x1  }
0x44: {  	v3 =	vadd.s32 v1, v3;
	_ =	sdelay $0x1  }
0x45: {  	s30 =	sor.u32 $0x2000, s19  }
0x46: {  	[hbm4b:s1+s2] =	stream.indirect_vreg.scatter [tilespmem:s30], [sflag:$0x5], $0x80, v4, vm0, $0x2000b8;
	[tilespmem:$0x10100] =	vst v63  }
0x47: {  	s31 =	sor.u32 $0x2800, s19  }
0x48: {  	[hbm4b:s1+s2] =	stream.indirect_vreg.scatter [tilespmem:s31], [sflag:$0x5], $0x80, v3, vm0, $0x2000b8;
	[tilespmem:$0x10100] =	vst v63  }
0x49: {  	v3 =	vld [tilespmem:s20+$0x10030];
	_ =	sdelay $0x4  }
0x4a: {  	v59 =	vshll.u32 v3, $0x1  }
0x4b: {  	v3 =	vand.u32 $0x7, v3;
	v4 =	vand.u32 $0xFFFFFFF0, v59  }
0x4c: {  	v3 =	vor.u32 v3, v4  }
0x4d: {  	v4 =	vperm.xlane v3, v0;
	_ =	sdelay $0x1  }
0x4e: {  	v3 =	vperm.xlane v3, v2;
	v4 =	vadd.s32 v1, v4;
	_ =	sdelay $0x1  }
0x4f: {  	v3 =	vadd.s32 v1, v3;
	_ =	sdelay $0x1  }
0x50: {  	s22 =	sor.u32 $0x3000, s19  }
0x51: {  	[hbm4b:s1+s2] =	stream.indirect_vreg.scatter [tilespmem:s22], [sflag:$0x5], $0x80, v4, vm0, $0x2000b8;
	[tilespmem:$0x10100] =	vst v63  }
0x52: {  	s23 =	sor.u32 $0x3800, s19  }
0x53: {  	[hbm4b:s1+s2] =	stream.indirect_vreg.scatter [tilespmem:s23], [sflag:$0x5], $0x80, v3, vm0, $0x2000b8;
	[tilespmem:$0x10100] =	vst v63  }
0x54: {  	v3 =	vld [tilespmem:s20+$0x10040];
	_ =	sdelay $0x4  }
0x55: {  	v60 =	vshll.u32 v3, $0x1  }
0x56: {  	v3 =	vand.u32 $0x7, v3;
	v4 =	vand.u32 $0xFFFFFFF0, v60  }
0x57: {  	v3 =	vor.u32 v3, v4  }
0x58: {  	v4 =	vperm.xlane v3, v0;
	_ =	sdelay $0x1  }
0x59: {  	v3 =	vperm.xlane v3, v2;
	v4 =	vadd.s32 v1, v4;
	_ =	sdelay $0x1  }
0x5a: {  	v3 =	vadd.s32 v1, v3;
	_ =	sdelay $0x1  }
0x5b: {  	s24 =	sor.u32 $0x4000, s19  }
0x5c: {  	[hbm4b:s1+s2] =	stream.indirect_vreg.scatter [tilespmem:s24], [sflag:$0x5], $0x80, v4, vm0, $0x2000b8;
	[tilespmem:$0x10100] =	vst v63  }
0x5d: {  	s25 =	sor.u32 $0x4800, s19  }
0x5e: {  	[hbm4b:s1+s2] =	stream.indirect_vreg.scatter [tilespmem:s25], [sflag:$0x5], $0x80, v3, vm0, $0x2000b8;
	[tilespmem:$0x10100] =	vst v63  }
0x5f: {  	v3 =	vld [tilespmem:s20+$0x10050];
	_ =	sdelay $0x4  }
0x60: {  	v61 =	vshll.u32 v3, $0x1  }
0x61: {  	v3 =	vand.u32 $0x7, v3;
	v4 =	vand.u32 $0xFFFFFFF0, v61  }
0x62: {  	v3 =	vor.u32 v3, v4  }
0x63: {  	v4 =	vperm.xlane v3, v0;
	_ =	sdelay $0x1  }
0x64: {  	v3 =	vperm.xlane v3, v2;
	v4 =	vadd.s32 v1, v4;
	_ =	sdelay $0x1  }
0x65: {  	v3 =	vadd.s32 v1, v3;
	_ =	sdelay $0x1  }
0x66: {  	s26 =	sor.u32 $0x5000, s19  }
0x67: {  	[hbm4b:s1+s2] =	stream.indirect_vreg.scatter [tilespmem:s26], [sflag:$0x5], $0x80, v4, vm0, $0x2000b8;
	[tilespmem:$0x10100] =	vst v63  }
0x68: {  	s28 =	sor.u32 $0x5800, s19  }
0x69: {  	[hbm4b:s1+s2] =	stream.indirect_vreg.scatter [tilespmem:s28], [sflag:$0x5], $0x80, v3, vm0, $0x2000b8;
	[tilespmem:$0x10100] =	vst v63  }
0x6a: {  	v3 =	vld [tilespmem:s20+$0x10060];
	_ =	sdelay $0x4  }
0x6b: {  	v62 =	vshll.u32 v3, $0x1  }
0x6c: {  	v3 =	vand.u32 $0x7, v3;
	v4 =	vand.u32 $0xFFFFFFF0, v62  }
0x6d: {  	v3 =	vor.u32 v3, v4  }
0x6e: {  	v4 =	vperm.xlane v3, v0;
	_ =	sdelay $0x1  }
0x6f: {  	v3 =	vperm.xlane v3, v2;
	v4 =	vadd.s32 v1, v4;
	_ =	sdelay $0x1  }
0x70: {  	v3 =	vadd.s32 v1, v3;
	_ =	sdelay $0x1  }
0x71: {  	s29 =	sor.u32 $0x6000, s19  }
0x72: {  	[hbm4b:s1+s2] =	stream.indirect_vreg.scatter [tilespmem:s29], [sflag:$0x5], $0x80, v4, vm0, $0x2000b8;
	[tilespmem:$0x10100] =	vst v63  }
0x73: {  	s30 =	sor.u32 $0x6800, s19  }
0x74: {  	[hbm4b:s1+s2] =	stream.indirect_vreg.scatter [tilespmem:s30], [sflag:$0x5], $0x80, v3, vm0, $0x2000b8;
	[tilespmem:$0x10100] =	vst v63  }
0x75: {  	v3 =	vld [tilespmem:s20+$0x10070];
	_ =	sdelay $0x4  }
0x76: {  	v63 =	vshll.u32 v3, $0x1  }
0x77: {  	v3 =	vand.u32 $0x7, v3;
	v4 =	vand.u32 $0xFFFFFFF0, v63  }
0x78: {  	v3 =	vor.u32 v3, v4  }
0x79: {  	v4 =	vperm.xlane v3, v0;
	_ =	sdelay $0x1  }
0x7a: {  	v3 =	vperm.xlane v3, v2;
	v4 =	vadd.s32 v1, v4;
	_ =	sdelay $0x1  }
0x7b: {  	v3 =	vadd.s32 v1, v3  }
0x7c: {  	p6 =	sne.s32 s18, s17  }
0x7d: {  	p2 =	por p0, p2;
	s18 =	simm.s32 $0x1;
	s31 =	sor.u32 $0x7000, s19  }
0x7e: {  	[hbm4b:s1+s2] =	stream.indirect_vreg.scatter [tilespmem:s31], [sflag:$0x5], $0x80, v4, vm0, $0x2000b8;
	[tilespmem:$0x10100] =	vst v63  }
0x7f: {  	s18 =	simm.s32 @!p2 $0x0;
	p0 =	por p0, p6;
	s19 =	sor.u32 $0x7800, s19  }
0x80: {  	[hbm4b:s1+s2] =	stream.indirect_vreg.scatter [tilespmem:s19], [sflag:$0x5], $0x80, v3, vm0, $0x2000b8;
	[tilespmem:$0x10100] =	vst v63  }
.Ltmp3:
0x81: {  	p2 =	por $0x0, $0x0;
	s15 =	sadd.s32 s18, s15;
	(pc) =	sbr.rel @!p1 .LBB2_7-.Ltmp3, $4  }
0x82: {  	s18 =	smov.u32 s17;
	s20 =	simm.s32 $0x1;
	_ =	swait.ge [sflag:s11], $0x8000  }
0x83: {  	s20 =	simm.s32 @!p3 $0x0;
	s19 =	simm.s32 $0x1;
	[sflag:s11] =	ssyncset.done $0x0  }
0x84: {  	s16 =	sadd.s32 s20, s16;
	s19 =	simm.s32 @!p0 $0x0;
	[sflag:s11] =	ssyncadd.s32 $0xFFFF8000  }
0x85: {  	p0 =	por $0x1, $0x1;
	s13 =	sadd.s32 s19, s13;
	_ =	strace $0x90000059  }
.LBB2_2:
0x86: {  	s17 =	sadd.s32 $0x1, s18  }
0x87: {  	p1 =	seq.s32 s17, $0x2  }
0x88: {  	s17 =	simm.s32 @p1 $0x0  }
0x89: {  	s19 =	sadd.s32 s6, s18;
	s20 =	sadd.s32 s6, s17  }
0x8a: {  	s19 =	sand.u32 $0xF, s19;
	s21 =	sand.u32 $0xF, s20  }
0x8b: {  	p1 =	por p2, p2;
	p2 =	sne.s32 s19, s21  }
0x8c: {  	p5 =	seq.s32 s18, s17;
	p4 =	por !p1, !p1;
	p3 =	por !p1, !p2  }
0x8d: {  	p5 =	por p4, p5;
	p3 =	por !p3, !p3  }
.Ltmp4:
0x8e: {  	s22 =	sand.u32 @p3 $0x1, s16;
	(pc) =	sbr.rel @!p5 .LBB2_3-.Ltmp4, $4  }
0x8f: {  	_ =	strace @p3 $0x80000055;
	s21 =	sshll.u32 @p3 s21, $0xC;
	s24 =	simm.s32 @p3 $0x0  }
0x90: {  	s23 =	sshll.u32 @p3 s22, $0xF;
	s22 =	sadd.s32 @p3 $0x1, s22;
	s21 =	sadd.s32 @p3 s4, s21  }
0x91: {  	[tilespmem:s23], [sflag:s22] =	stream.linear.gather @p3 [hbm4b:s21+s24], $0x8000, $0x200038;
	[tilespmem:$0x10100] =	vst v63  }
0x92: {  	_ =	strace @p3 $0x90000055  }
0x93: {  	s20 =	sadd.s32 $0xF, s18;
	p5 =	seq.s32 s18, $0x0  }
0x94: {  	s20 =	simm.s32 @p5 $0x1  }
0x95: {  	s20 =	sadd.s32 s6, s20  }
0x96: {  	s20 =	sand.u32 $0xF, s20  }
0x97: {  	p6 =	seq.s32 s19, s20  }
0x98: {  	p4 =	por !p4, !p6  }
0x99: {  	p4 =	por !p4, !p4  }
.Ltmp5:
0x9a: {  	_ = 	snop;
	(pc) =	sbr.rel @p4 .LBB2_6-.Ltmp5, $4  }
.Ltmp6:
0x9b: {  	_ = 	snop;
	(pc) =	sbr.rel @!p4 .LBB2_5-.Ltmp6, $4  }
0x9c: {  	_ = 	snop  }
0x9d: {  	_ = 	snop  }
0x9e: {  	_ = 	snop  }
0x9f: {  	_ = 	snop  }
.LBB2_8:
0xa0: {  	_ =	sfence.sel $0x180000  }
0xa1: {  	[bflag:$0x0] =	sbarrier.arrive $0xFFFF  }
0xa2: {  	p0 =	sne.s32 s3, $0x0;
	_ =	strace $0x90000053  }
0xa3: {  	s0 =	sadd.s32 @!p0 $0x100000, s0;
	[bflag:$0x2] =	sbarrier.arrive $0xFFFF  }
0xa4: {  	[sflag:s0] =	ssyncadd.tile.s32 @!p0 $0x1;
	_ =	shalt  }
.Lfunc_end2:
_tile_overlayer_lowered:
.L_overlay_start_2:
0xa5: {  	(tag) =	ssettag $0x2  }
0xa6: {  	s0 =	rddreg [dreg:$0x0];
	s2 =	stileid.u32  }
0xa7: {  	s1 =	rddreg [dreg:$0x1];
	p0 =	sne.s32 s2, $0x0  }
0xa8: {  	s3 =	rddreg [dreg:$0x2];
	[bflag:$0x3] =	sbarrier.arrive $0xFFFF;
	s2 =	simm.s32 @!p0 $0x1C01  }
0xa9: {  	[timem:s3], [sflag:s2] =	dma.local @!p0 [hbm:s0], s1  }
0xaa: {  	s0 =	simm.s32 @!p0 $0x1  }
0xab: {  	_ =	swait.ge @!p0 [sflag:s0], s1  }
0xac: {  	s1 =	ssub.s32 @!p0 $0x0, s1;
	[sflag:s0] =	ssyncset.done @!p0 $0x0  }
0xad: {  	[sflag:s0] =	ssyncadd.s32 @!p0 s1  }
0xae: {  	[bflag:$0x3] =	sbarrier.arrive $0xFFFF  }
0xaf: {  	_ =	shalt  }

// kernel: kernel.15.cloned.1.call-start
scs
__scs_entry_jumppad:
0x0: {  	(pc) =	sbr.rel $0x88, $3  }
0x1: {  	(tag) =	ssettag $0x0;
	lr =	simm.s32 $0x1  }
0x2: {  	[smem:$0x3F99] =	sst lr;
	_ =	strace $0xD0000000  }
0x3: {  	_ = 	snop  }
0x4: {  	_ = 	snop  }
0x5: {  	_ = 	snop  }
0x6: {  	_ = 	snop  }
0x7: {  	_ = 	snop  }
__scs_overlays_trampoline_lowered:
0x8: {  	[smem:$0x3FA8] =	sst s0  }
0x9: {  	[smem:$0x3FA9] =	sst s1  }
0xa: {  	[smem:$0x3FAA] =	sst s2  }
0xb: {  	[smem:$0x3FAB] =	sst s3  }
0xc: {  	[smem:$0x3FAC] =	sst s4  }
0xd: {  	[smem:$0x3FAD] =	sst s5  }
0xe: {  	[smem:$0x3FAE] =	sst s6  }
0xf: {  	[smem:$0x3FAF] =	sst s7  }
0x10: {  	[smem:$0x3FB0] =	sst s8  }
0x11: {  	[smem:$0x3FB1] =	sst s9;
	s0 =	simm.s32 @!p0 $0x0  }
0x12: {  	s1 =	sld [smem:$0x3F97];
	s0 =	simm.s32 @p0 $0x1  }
0x13: {  	[smem:$0x3FB2] =	sst s0;
	s0 =	simm.s32 @!p1 $0x0  }
0x14: {  	s2 =	sld [smem:$0x3F96];
	s0 =	simm.s32 @p1 $0x1  }
0x15: {  	[smem:$0x3FB3] =	sst s0;
	s0 =	simm.s32 @!p2 $0x0  }
0x16: {  	s3 =	sld [smem:$0x3FDB];
	s0 =	simm.s32 @p2 $0x1  }
0x17: {  	s4 =	simm.s32 $0x1BF5;
	[smem:$0x3FB5] =	sst s0  }
0x18: {  	s0 =	sld [smem:$0x3F98];
	_ =	swait.ge [sflag:s4], $0x0  }
0x19: {  	s7 =	sld [smem:$0x3F99]  }
0x1a: {  	s8 =	sadd.s32 $0xFFFFE003, lr  }
0x1b: {  	s9 =	sadd.s32 $0xFFFFFEF7, lr;
	s5 =	simm.s32 $0xFFFFFFFF;
	p2 =	slt.u32 s8, $0xFFFFF086  }
0x1c: {  	p1 =	slt.u32 s9, $0xF7A;
	s5 =	simm.s32 @!p2 $0x0  }
0x1d: {  	s5 =	simm.s32 @p1 $0x1;
	p0 =	seq.s32 s7, s2  }
0x1e: {  	s7 =	smul.u32 @!p0 $0xF7A, s2;
	p2 =	seq.s32 @!p0 s5, $0x0  }
0x1f: {  	s9 =	smul.u32 $0xF7A, s1;
	s8 =	simm.s32 @!p0 $0x1BF5;
	p2 =	por !p2, p0  }
0x20: {  	[sflag:s8] =	ssyncset.s32 @!p0 $0xFFFFF086;
	s6 =	sadd.s32 @!p0 s3, s7;
	s7 =	simm.s32 @!p0 $0x108  }
0x21: {  	s3 =	sadd.s32 s3, s9;
	s6 =	sadd.s32 @!p0 $0x88, s6;
	s7 =	simm.s32 @p2 $0x1082  }
0x22: {  	[simem:s7], [sflag:s8] =	dma.local @!p0 [hbm:s6], $0xF7A  }
0x23: {  	s9 =	sor.u32 $0xD0000000, s2;
	s6 =	simm.s32 $0x108;
	_ =	swait.ge @!p0 [sflag:s8], $0x0  }
0x24: {  	s3 =	sadd.s32 $0x88, s3;
	s6 =	simm.s32 @!p1 $0x1082;
	[sflag:s4] =	ssyncset.s32 $0xFFFFF086  }
0x25: {  	[simem:s6], [sflag:s4] =	dma.local [hbm:s3], $0xF7A  }
0x26: {  	[smem:$0x3F99] =	sst s1;
	(tag) =	ssettag s2;
	_ =	strace s9  }
0x27: {  	s1 =	sld [smem:$0x3FA9]  }
0x28: {  	s2 =	sld [smem:$0x3FAA]  }
0x29: {  	s4 =	sld [smem:$0x3FAC]  }
0x2a: {  	p0 =	seq.s32 s5, $0x0;
	s5 =	sld [smem:$0x3FAD]  }
0x2b: {  	s6 =	sld [smem:$0x3FAE]  }
0x2c: {  	s7 =	sld [smem:$0x3FAF]  }
0x2d: {  	s3 =	simm.s32 $0x108;
	s8 =	sld [smem:$0x3FB0]  }
0x2e: {  	s3 =	simm.s32 @!p0 $0x1082;
	s9 =	sld [smem:$0x3FB1]  }
0x2f: {  	lr =	sadd.s32 s0, s3;
	s0 =	sld [smem:$0x3FA8]  }
0x30: {  	s3 =	sld [smem:$0x3FAB]  }
0x31: {  	[smem:$0x3FB4] =	sst s10  }
0x32: {  	s10 =	sld [smem:$0x3FB2];
	_ =	sdelay $0x3  }
0x33: {  	p0 =	seq.s32 s10, $0x1;
	s10 =	sld [smem:$0x3FB4];
	_ =	sdelay $0x3  }
0x34: {  	[smem:$0x3FB4] =	sst s10  }
0x35: {  	s10 =	sld [smem:$0x3FB3];
	_ =	sdelay $0x3  }
0x36: {  	p1 =	seq.s32 s10, $0x1;
	s10 =	sld [smem:$0x3FB4];
	_ =	sdelay $0x3  }
0x37: {  	[smem:$0x3FB4] =	sst s10  }
0x38: {  	s10 =	sld [smem:$0x3FB5]  }
0x39: {  	_ = 	snop;
	(pc) =	sbr.ind lr, $3  }
0x3a: {  	_ = 	snop  }
0x3b: {  	_ = 	snop  }
0x3c: {  	p2 =	seq.s32 s10, $0x1;
	s10 =	sld [smem:$0x3FB4]  }
0x3d: {  	_ =	shalt  }
0x3e: {  	_ =	shalt  }
0x3f: {  	_ =	shalt  }
0x40: {  	_ =	shalt  }
0x41: {  	_ =	shalt  }
0x42: {  	_ =	shalt  }
0x43: {  	_ =	shalt  }
0x44: {  	_ =	shalt  }
0x45: {  	_ =	shalt  }
0x46: {  	_ =	shalt  }
0x47: {  	_ =	shalt  }
0x48: {  	_ =	shalt  }
0x49: {  	_ =	shalt  }
0x4a: {  	_ =	shalt  }
0x4b: {  	_ =	shalt  }
0x4c: {  	_ =	shalt  }
0x4d: {  	_ =	shalt  }
0x4e: {  	_ =	shalt  }
0x4f: {  	_ =	shalt  }
0x50: {  	_ =	shalt  }
0x51: {  	_ =	shalt  }
0x52: {  	_ =	shalt  }
0x53: {  	_ =	shalt  }
0x54: {  	_ =	shalt  }
0x55: {  	_ =	shalt  }
0x56: {  	_ =	shalt  }
0x57: {  	_ =	shalt  }
0x58: {  	_ =	shalt  }
0x59: {  	_ =	shalt  }
0x5a: {  	_ =	shalt  }
0x5b: {  	_ =	shalt  }
0x5c: {  	_ =	shalt  }
0x5d: {  	_ =	shalt  }
0x5e: {  	_ =	shalt  }
0x5f: {  	_ =	shalt  }
0x60: {  	_ =	shalt  }
0x61: {  	_ =	shalt  }
0x62: {  	_ =	shalt  }
0x63: {  	_ =	shalt  }
0x64: {  	_ =	shalt  }
0x65: {  	_ =	shalt  }
0x66: {  	_ =	shalt  }
0x67: {  	_ =	shalt  }
0x68: {  	_ =	shalt  }
0x69: {  	_ =	shalt  }
0x6a: {  	_ =	shalt  }
0x6b: {  	_ =	shalt  }
0x6c: {  	_ =	shalt  }
0x6d: {  	_ =	shalt  }
0x6e: {  	_ =	shalt  }
0x6f: {  	_ =	shalt  }
0x70: {  	_ =	shalt  }
0x71: {  	_ =	shalt  }
0x72: {  	_ =	shalt  }
0x73: {  	_ =	shalt  }
0x74: {  	_ =	shalt  }
0x75: {  	_ =	shalt  }
0x76: {  	_ =	shalt  }
0x77: {  	_ =	shalt  }
0x78: {  	_ =	shalt  }
0x79: {  	_ =	shalt  }
0x7a: {  	_ =	shalt  }
0x7b: {  	_ =	shalt  }
0x7c: {  	_ =	shalt  }
0x7d: {  	_ =	shalt  }
0x7e: {  	_ =	shalt  }
0x7f: {  	_ =	shalt  }
0x80: {  	_ =	shalt  }
0x81: {  	_ =	shalt  }
0x82: {  	_ =	shalt  }
0x83: {  	_ =	shalt  }
0x84: {  	_ =	shalt  }
0x85: {  	_ =	shalt  }
0x86: {  	_ =	shalt  }
0x87: {  	_ =	shalt  }
.Lfunc_end0:
.L_simem_size_0:
called_computation.3_lowered:
.L_overlay_start_0:
0x88: {  	s2 =	sld [smem:$0x3FD9]  }
0x89: {  	s3 =	sld [smem:$0x3FFE];
	_ =	sdelay $0x1  }
0x8a: {  	s1 =	srdreg.scid  }
0x8b: {  	s0 =	sand.u32 $0x1, s1  }
0x8c: {  	s17 =	sshll.u32 s0, $0xA;
	s2 =	sadd.s32 s3, s2  }
0x8d: {  	s2 =	sadd.s32 s2, s17  }
0x8e: {  	[smem:$0x3FC0] =	sst s2  }
0x8f: {  	_ = 	snop  }
0x90: {  	s2 =	sld [smem:$0x3FD0];
	(tm) =	ssettm $0x1  }
0x91: {  	s18 =	sld [smem:$0x3FFB];
	_ =	sdelay $0x3  }
0x92: {  	_ =	strace s18  }
0x93: {  	s3 =	sld [smem:$0x3FFC];
	_ =	sdelay $0x3  }
0x94: {  	_ =	strace s3  }
0x95: {  	s3 =	sld [smem:$0x3FFD];
	_ =	sdelay $0x3  }
0x96: {  	_ =	strace s3  }
0x97: {  	_ =	strace $0x8FFFFFFF  }
0x98: {  	s19 =	sld [smem:$0x3FDB];
	_ =	sdelay $0x1  }
0x99: {  	s4 =	simm.s32 $_scs_section_size  }
0x9a: {  	s5 =	simm.s32 $_size__tile_overlayer_lowered;
	s6 =	simm.s32 $_tile_overlayer_lowered  }
0x9b: {  	s22 =	simm.s32 $0x1BFF;
	s21 =	sshll.u32 s6, $0x1;
	s3 =	sadd.s32 s4, s19  }
0x9c: {  	s7 =	simm.s32 $0x0;
	s20 =	sshll.u32 s5, $0x1;
	s5 =	sadd.s32 s21, s3  }
0x9d: {  	[timem:s7], [sflag:s22] =	dma.local [hbm:s5], s20  }
0x9e: {  	_ =	swait.ge [sflag:s22], s20  }
0x9f: {  	s4 =	ssub.s32 $0x0, s20;
	[sflag:s22] =	ssyncset.done $0x0  }
0xa0: {  	[sflag:s22] =	ssyncadd.s32 s4;
	_ =	sdelay $0x1  }
0xa1: {  	s23 =	simm.s32 $0x1B8B  }
0xa2: {  	_ =	swait.ge [sflag:s23], $0x1  }
0xa3: {  	[sflag:s23] =	ssyncset.done $0x0  }
0xa4: {  	s25 =	simm.s32 $0x1B8E;
	s24 =	sld [smem:$0x3FFE];
	[sflag:s23] =	ssyncadd.s32 $0xFFFFFFFF  }
0xa5: {  	s26 =	simm.s32 $execute0_lowered;
	[smem:$0x3FD2] =	sst s25  }
0xa6: {  	s5 =	sshll.u32 s26, $0x1;
	_ =	strace $0x8000005B;
	[dreg:$0x1] =	wrdreg $0xFFFFFFFF  }
0xa7: {  	s28 =	simm.s32 $_size_execute0_lowered;
	s3 =	sadd.s32 s3, s5;
	[dreg:$0x0] =	wrdreg $0x0  }
0xa8: {  	s5 =	sshll.u32 s28, $0x1;
	[dreg:$0x2] =	wrdreg s3  }
0xa9: {  	[dreg:$0x3] =	wrdreg s5  }
0xaa: {  	[dreg:$0x4] =	wrdreg $0xC0  }
0xab: {  	_ =	task [dreg:s7], $0x5FFFF  }
0xac: {  	[dreg:$0x1] =	wrdreg $0xFFFFFFFF  }
0xad: {  	[dreg:$0x0] =	wrdreg $0x60  }
0xae: {  	[dreg:$0x2] =	wrdreg s2  }
0xaf: {  	[dreg:$0x3] =	wrdreg s24  }
0xb0: {  	[dreg:$0x4] =	wrdreg $0x9  }
0xb1: {  	_ =	task.clear_ibuf [dreg:s7], $0x5FFFF;
	_ =	strace $0x9000005B  }
0xb2: {  	s29 =	simm.s32 $0x9;
	_ =	strace $0x80000064  }
0xb3: {  	_ =	swait.ge [sflag:s29], $0x1  }
0xb4: {  	[sflag:s29] =	ssyncadd.s32 $0xFFFFFFFF  }
0xb5: {  	_ =	strace $0x90000064  }
0xb6: {  	_ =	sfence  }
0xb7: {  	s30 =	sld [smem:$0x0];
	_ =	sdelay $0x2  }
0xb8: {  	s31 =	sshll.u32 s1, $0xD;
	s1 =	sshrl.u32 s1, $0x2  }
0xb9: {  	s3 =	sand.u32 $0x4000, s31;
	s1 =	sadd.s32 s1, s30  }
0xba: {  	s0 =	sor.u32 s3, s0;
	s1 =	sshll.u32 s1, $0x11  }
0xbb: {  	s0 =	sor.u32 s1, s0  }
0xbc: {  	s0 =	sadd.s32 $0x8F2B, s0  }
0xbd: {  	[sflag:s0] =	ssyncadd.remote.s32 $0x1  }
0xbe: {  	_ =	sfence.sel $0xFFFF  }
0xbf: {  	[dreg:$0x0] =	wrdreg $0xFFFFFFFF;
	(pc) =	sbr.abs _section_cstart, $3  }
0xc0: {  	[dreg:$0x1] =	wrdreg $0xFFFFFFFF  }
0xc1: {  	_ =	task.clear_ibuf [dreg:s7], $0x2FFFF;
	_ =	strace $0x9FFFFFFF  }
0xc2: {  	(tm) =	ssettm $0x7FFFFFFF  }
0xc3: {  	_ =	shalt  }
tec
execute0_lowered:
.L_overlay_start_1:
0x0: {  	(tag) =	ssettag $0x1  }
0x1: {  	s1 =	rddreg [dreg:$0x0]  }
0x2: {  	s5 =	rddreg [dreg:$0x1]  }
0x3: {  	s0 =	rddreg [dreg:$0x2];
	s2 =	simm.s32 $0x0  }
0x4: {  	s3 =	srdreg.scid;
	s9 =	simm.s32 $0x5;
	s10 =	simm.s32 $0x4  }
.Ltmp0:
0x5: {  	s11 =	simm.s32 $0x0;
	s3 =	sand.u32 $0x1, s3;
	(pc) =	sbr.rel .LBB2_1-.Ltmp0, $4  }
0x6: {  	[smem:$0x7FF] =	sst s2;
	s4 =	sadd.s32 $0x800, s5;
	s6 =	ssub.s32 $0x2, s3  }
0x7: {  	v2 =	vlaneseq.u32;
	s5 =	sadd.s32 $0x60A00, s5;
	s3 =	stileid.u32;
	s7 =	sshrl.u32 s6, $0x1  }
0x8: {  	vm0 =	vmmov $0xffff;
	v1 =	vshrl.u32 v2, $0x3;
	_ =	strace $0x8000005C;
	s31 =	sshll.u32 s3, $0x5;
	s8 =	ssub.s32 s6, s7  }
0x9: {  	v0 =	vand.u32 $0x7, v2;
	v2 =	vor.u32 $0x8, v2;
	v1 =	vmul.u32 $0x8, v1;
	s6 =	sshll.u32 s3, $0x1;
	s7 =	sadd.s32 s4, s31;
	s8 =	smax.u32 s8, $0x1  }
.LBB2_4:
0xa: {  	s12 =	sand.u32 $0x1, s12  }
0xb: {  	_ =	strace $0x80000062;
	s12 =	sadd.s32 $0x3, s12  }
0xc: {  	_ =	swait.ge [sflag:s12], $0x8000  }
0xd: {  	[sflag:s12] =	ssyncset.done $0x0  }
0xe: {  	s11 =	sadd.s32 $0x1, s11;
	[sflag:s12] =	ssyncadd.s32 $0xFFFF8000  }
0xf: {  	p0 =	sne.s32 s11, s8;
	_ =	strace $0x90000062  }
.Ltmp1:
0x10: {  	_ =	strace $0x80000063;
	(pc) =	sbr.rel @!p0 .LBB2_5-.Ltmp1, $4  }
0x11: {  	_ =	swait.ge [sflag:s10], $0x8000  }
0x12: {  	[sflag:s10] =	ssyncset.done $0x0  }
0x13: {  	[sflag:s10] =	ssyncadd.s32 $0xFFFF8000  }
0x14: {  	_ =	strace $0x90000063  }
.LBB2_1:
0x15: {  	_ =	strace $0x8000005D  }
0x16: {  	p0 =	por $0x1, $0x1;
	p2 =	por $0x0, $0x0;
	s13 =	simm.s32 $0x0  }
0x17: {  	s12 =	simm.s32 $0x0;
	s17 =	simm.s32 $0x0;
	s14 =	simm.s32 $0x0  }
0x18: {  	[tilespmem:s2], [sflag:$0x1] =	stream.linear.gather [hbm4b:s7+s2], $0x80, $0x200038;
	[tilespmem:$0x10100] =	vst v63  }
0x19: {  	s15 =	simm.s32 $0x1;
	s16 =	simm.s32 $0x0;
	_ =	strace $0x9000005D  }
.LBB2_2:
0x1a: {  	s18 =	smov.u32 s13;
	s13 =	sadd.s32 $0x1, s13  }
0x1b: {  	p1 =	seq.s32 s13, $0x2  }
0x1c: {  	s13 =	simm.s32 @p1 $0x0  }
0x1d: {  	p1 =	sne.s32 s18, s13  }
0x1e: {  	p1 =	por !p0, !p1  }
0x1f: {  	p1 =	por !p1, !p1  }
0x20: {  	s19 =	sadd.s32 @p1 s6, s13  }
0x21: {  	s20 =	sand.u32 @p1 $0x1, s15;
	s19 =	sshll.u32 @p1 s19, $0x4  }
0x22: {  	_ =	strace @p1 $0x8000005E;
	s22 =	simm.s32 @p1 $0x0;
	s19 =	sand.u32 @p1 $0x1FFFFFF0, s19  }
0x23: {  	s21 =	sshll.u32 @p1 s20, $0x7;
	s20 =	sadd.s32 @p1 $0x1, s20;
	s19 =	sadd.s32 @p1 s4, s19  }
0x24: {  	[tilespmem:s21], [sflag:s20] =	stream.linear.gather @p1 [hbm4b:s19+s22], $0x80, $0x200038;
	[tilespmem:$0x10100] =	vst v63  }
0x25: {  	s23 =	sand.u32 $0x1, s14;
	_ =	strace @p1 $0x9000005E  }
0x26: {  	s19 =	sadd.s32 $0x1, s23;
	_ =	strace $0x8000005F  }
0x27: {  	_ =	swait.ge [sflag:s19], $0x80  }
0x28: {  	[sflag:s19] =	ssyncset.done $0x0  }
0x29: {  	[sflag:s19] =	ssyncadd.s32 $0xFFFFFF80  }
0x2a: {  	s24 =	sshll.u32 s14, $0x7;
	_ =	strace $0x9000005F  }
0x2b: {  	s22 =	sand.u32 $0x80, s24;
	_ =	strace $0x80000060  }
0x2c: {  	v3 =	vld [tilespmem:s22+$0x0];
	_ =	sdelay $0x4  }
0x2d: {  	v4 =	vshll.u32 v3, $0x1  }
0x2e: {  	v3 =	vand.u32 $0x7, v3;
	v4 =	vand.u32 $0xFFFFFFF0, v4  }
0x2f: {  	v3 =	vor.u32 v3, v4  }
0x30: {  	v4 =	vperm.xlane v3, v0;
	_ =	sdelay $0x1  }
0x31: {  	v3 =	vperm.xlane v3, v2;
	v4 =	vadd.s32 v1, v4;
	_ =	sdelay $0x1  }
0x32: {  	s19 =	sand.u32 $0x1, s17;
	v3 =	vadd.s32 v1, v3  }
0x33: {  	s21 =	sshll.u32 s19, $0xF  }
0x34: {  	s20 =	sor.u32 $0x100, s21  }
0x35: {  	[tilespmem:s20], [sflag:$0x5] =	stream.indirect_vreg.gather [hbm4b:s1+s2], $0x80, v4, vm0, $0x2000b8;
	[tilespmem:$0x10100] =	vst v63  }
0x36: {  	s23 =	sor.u32 $0x900, s21  }
0x37: {  	[tilespmem:s23], [sflag:$0x5] =	stream.indirect_vreg.gather [hbm4b:s1+s2], $0x80, v3, vm0, $0x2000b8;
	[tilespmem:$0x10100] =	vst v63  }
0x38: {  	v3 =	vld [tilespmem:s22+$0x10];
	_ =	sdelay $0x4  }
0x39: {  	v57 =	vshll.u32 v3, $0x1  }
0x3a: {  	v3 =	vand.u32 $0x7, v3;
	v4 =	vand.u32 $0xFFFFFFF0, v57  }
0x3b: {  	v3 =	vor.u32 v3, v4  }
0x3c: {  	v4 =	vperm.xlane v3, v0;
	_ =	sdelay $0x1  }
0x3d: {  	v3 =	vperm.xlane v3, v2;
	v4 =	vadd.s32 v1, v4;
	_ =	sdelay $0x1  }
0x3e: {  	v3 =	vadd.s32 v1, v3;
	_ =	sdelay $0x1  }
0x3f: {  	s25 =	sor.u32 $0x1100, s21  }
0x40: {  	[tilespmem:s25], [sflag:$0x5] =	stream.indirect_vreg.gather [hbm4b:s1+s2], $0x80, v4, vm0, $0x2000b8;
	[tilespmem:$0x10100] =	vst v63  }
0x41: {  	s26 =	sor.u32 $0x1900, s21  }
0x42: {  	[tilespmem:s26], [sflag:$0x5] =	stream.indirect_vreg.gather [hbm4b:s1+s2], $0x80, v3, vm0, $0x2000b8;
	[tilespmem:$0x10100] =	vst v63  }
0x43: {  	v3 =	vld [tilespmem:s22+$0x20];
	_ =	sdelay $0x4  }
0x44: {  	v58 =	vshll.u32 v3, $0x1  }
0x45: {  	v3 =	vand.u32 $0x7, v3;
	v4 =	vand.u32 $0xFFFFFFF0, v58  }
0x46: {  	v3 =	vor.u32 v3, v4  }
0x47: {  	v4 =	vperm.xlane v3, v0;
	_ =	sdelay $0x1  }
0x48: {  	v3 =	vperm.xlane v3, v2;
	v4 =	vadd.s32 v1, v4;
	_ =	sdelay $0x1  }
0x49: {  	v3 =	vadd.s32 v1, v3;
	_ =	sdelay $0x1  }
0x4a: {  	s28 =	sor.u32 $0x2100, s21  }
0x4b: {  	[tilespmem:s28], [sflag:$0x5] =	stream.indirect_vreg.gather [hbm4b:s1+s2], $0x80, v4, vm0, $0x2000b8;
	[tilespmem:$0x10100] =	vst v63  }
0x4c: {  	s29 =	sor.u32 $0x2900, s21  }
0x4d: {  	[tilespmem:s29], [sflag:$0x5] =	stream.indirect_vreg.gather [hbm4b:s1+s2], $0x80, v3, vm0, $0x2000b8;
	[tilespmem:$0x10100] =	vst v63  }
0x4e: {  	v3 =	vld [tilespmem:s22+$0x30];
	_ =	sdelay $0x4  }
0x4f: {  	v59 =	vshll.u32 v3, $0x1  }
0x50: {  	v3 =	vand.u32 $0x7, v3;
	v4 =	vand.u32 $0xFFFFFFF0, v59  }
0x51: {  	v3 =	vor.u32 v3, v4  }
0x52: {  	v4 =	vperm.xlane v3, v0;
	_ =	sdelay $0x1  }
0x53: {  	v3 =	vperm.xlane v3, v2;
	v4 =	vadd.s32 v1, v4;
	_ =	sdelay $0x1  }
0x54: {  	v3 =	vadd.s32 v1, v3;
	_ =	sdelay $0x1  }
0x55: {  	s30 =	sor.u32 $0x3100, s21  }
0x56: {  	[tilespmem:s30], [sflag:$0x5] =	stream.indirect_vreg.gather [hbm4b:s1+s2], $0x80, v4, vm0, $0x2000b8;
	[tilespmem:$0x10100] =	vst v63  }
0x57: {  	s31 =	sor.u32 $0x3900, s21  }
0x58: {  	[tilespmem:s31], [sflag:$0x5] =	stream.indirect_vreg.gather [hbm4b:s1+s2], $0x80, v3, vm0, $0x2000b8;
	[tilespmem:$0x10100] =	vst v63  }
0x59: {  	v3 =	vld [tilespmem:s22+$0x40];
	_ =	sdelay $0x4  }
0x5a: {  	v60 =	vshll.u32 v3, $0x1  }
0x5b: {  	v3 =	vand.u32 $0x7, v3;
	v4 =	vand.u32 $0xFFFFFFF0, v60  }
0x5c: {  	v3 =	vor.u32 v3, v4  }
0x5d: {  	v4 =	vperm.xlane v3, v0;
	_ =	sdelay $0x1  }
0x5e: {  	v3 =	vperm.xlane v3, v2;
	v4 =	vadd.s32 v1, v4;
	_ =	sdelay $0x1  }
0x5f: {  	v3 =	vadd.s32 v1, v3;
	_ =	sdelay $0x1  }
0x60: {  	s24 =	sor.u32 $0x4100, s21  }
0x61: {  	[tilespmem:s24], [sflag:$0x5] =	stream.indirect_vreg.gather [hbm4b:s1+s2], $0x80, v4, vm0, $0x2000b8;
	[tilespmem:$0x10100] =	vst v63  }
0x62: {  	s25 =	sor.u32 $0x4900, s21  }
0x63: {  	[tilespmem:s25], [sflag:$0x5] =	stream.indirect_vreg.gather [hbm4b:s1+s2], $0x80, v3, vm0, $0x2000b8;
	[tilespmem:$0x10100] =	vst v63  }
0x64: {  	v3 =	vld [tilespmem:s22+$0x50];
	_ =	sdelay $0x4  }
0x65: {  	v61 =	vshll.u32 v3, $0x1  }
0x66: {  	v3 =	vand.u32 $0x7, v3;
	v4 =	vand.u32 $0xFFFFFFF0, v61  }
0x67: {  	v3 =	vor.u32 v3, v4  }
0x68: {  	v4 =	vperm.xlane v3, v0;
	_ =	sdelay $0x1  }
0x69: {  	v3 =	vperm.xlane v3, v2;
	v4 =	vadd.s32 v1, v4;
	_ =	sdelay $0x1  }
0x6a: {  	v3 =	vadd.s32 v1, v3;
	_ =	sdelay $0x1  }
0x6b: {  	s26 =	sor.u32 $0x5100, s21  }
0x6c: {  	[tilespmem:s26], [sflag:$0x5] =	stream.indirect_vreg.gather [hbm4b:s1+s2], $0x80, v4, vm0, $0x2000b8;
	[tilespmem:$0x10100] =	vst v63  }
0x6d: {  	s28 =	sor.u32 $0x5900, s21  }
0x6e: {  	[tilespmem:s28], [sflag:$0x5] =	stream.indirect_vreg.gather [hbm4b:s1+s2], $0x80, v3, vm0, $0x2000b8;
	[tilespmem:$0x10100] =	vst v63  }
0x6f: {  	v3 =	vld [tilespmem:s22+$0x60];
	_ =	sdelay $0x4  }
0x70: {  	v62 =	vshll.u32 v3, $0x1  }
0x71: {  	v3 =	vand.u32 $0x7, v3;
	v4 =	vand.u32 $0xFFFFFFF0, v62  }
0x72: {  	v3 =	vor.u32 v3, v4  }
0x73: {  	v4 =	vperm.xlane v3, v0;
	_ =	sdelay $0x1  }
0x74: {  	v3 =	vperm.xlane v3, v2;
	v4 =	vadd.s32 v1, v4;
	_ =	sdelay $0x1  }
0x75: {  	v3 =	vadd.s32 v1, v3;
	_ =	sdelay $0x1  }
0x76: {  	s29 =	sor.u32 $0x6100, s21  }
0x77: {  	[tilespmem:s29], [sflag:$0x5] =	stream.indirect_vreg.gather [hbm4b:s1+s2], $0x80, v4, vm0, $0x2000b8;
	[tilespmem:$0x10100] =	vst v63  }
0x78: {  	s30 =	sor.u32 $0x6900, s21  }
0x79: {  	[tilespmem:s30], [sflag:$0x5] =	stream.indirect_vreg.gather [hbm4b:s1+s2], $0x80, v3, vm0, $0x2000b8;
	[tilespmem:$0x10100] =	vst v63  }
0x7a: {  	v3 =	vld [tilespmem:s22+$0x70];
	_ =	sdelay $0x4  }
0x7b: {  	v63 =	vshll.u32 v3, $0x1  }
0x7c: {  	v3 =	vand.u32 $0x7, v3;
	v4 =	vand.u32 $0xFFFFFFF0, v63  }
0x7d: {  	v3 =	vor.u32 v3, v4  }
0x7e: {  	v4 =	vperm.xlane v3, v0;
	_ =	sdelay $0x1  }
0x7f: {  	v3 =	vperm.xlane v3, v2;
	v4 =	vadd.s32 v1, v4;
	_ =	sdelay $0x1  }
0x80: {  	v3 =	vadd.s32 v1, v3;
	_ =	sdelay $0x1  }
0x81: {  	p2 =	por !p2, !p2;
	p3 =	seq.s32 s18, s13;
	s31 =	sor.u32 $0x7100, s21  }
0x82: {  	[tilespmem:s31], [sflag:$0x5] =	stream.indirect_vreg.gather [hbm4b:s1+s2], $0x80, v4, vm0, $0x2000b8;
	[tilespmem:$0x10100] =	vst v63  }
0x83: {  	p2 =	por !p2, !p3;
	s21 =	sor.u32 $0x7900, s21  }
0x84: {  	[tilespmem:s21], [sflag:$0x5] =	stream.indirect_vreg.gather [hbm4b:s1+s2], $0x80, v3, vm0, $0x2000b8;
	[tilespmem:$0x10100] =	vst v63  }
0x85: {  	s18 =	sadd.s32 s6, s18;
	p2 =	por !p2, !p2;
	_ =	swait.ge [sflag:s9], $0x8000  }
0x86: {  	s18 =	sshll.u32 @!p2 s18, $0xC;
	p0 =	por p2, p0;
	[sflag:s9] =	ssyncset.done $0x0  }
.Ltmp2:
0x87: {  	s18 =	sand.u32 @!p2 $0x1FFFF000, s18;
	[sflag:s9] =	ssyncadd.s32 $0xFFFF8000;
	(pc) =	sbr.rel @!p0 .LBB2_4-.Ltmp2, $4  }
0x88: {  	s18 =	sadd.s32 @!p2 s5, s18;
	_ =	strace $0x90000060  }
0x89: {  	s19 =	sadd.s32 @!p2 $0x3, s19;
	s21 =	simm.s32 @!p2 $0x0;
	_ =	strace @!p2 $0x80000061  }
0x8a: {  	[hbm4b:s18+s21] =	stream.linear.scatter @!p2 [tilespmem:s20], [sflag:s19], $0x8000, $0x200038;
	[tilespmem:$0x10100] =	vst v63  }
0x8b: {  	_ =	strace @!p2 $0x90000061  }
.Ltmp3:
0x8c: {  	s18 =	simm.s32 $0x1;
	(pc) =	sbr.rel .LBB2_2-.Ltmp3, $4  }
0x8d: {  	s19 =	simm.s32 @!p2 $0x1;
	s12 =	sadd.s32 s16, s12;
	s18 =	simm.s32 @!p1 $0x0  }
0x8e: {  	s16 =	simm.s32 $0x1;
	s15 =	sadd.s32 s18, s15;
	s18 =	sadd.s32 @!p2 $0x1, s17  }
0x8f: {  	p0 =	por $0x0, $0x0;
	s19 =	simm.s32 @p2 $0x0;
	s18 =	smov.u32 @p2 s17  }
0x90: {  	s14 =	sadd.s32 s14, s19;
	p2 =	por $0x1, $0x1;
	s17 =	smov.u32 s18  }
.LBB2_5:
0x91: {  	_ =	sfence.sel $0x180000  }
0x92: {  	[bflag:$0x0] =	sbarrier.arrive $0xFFFF  }
0x93: {  	p0 =	sne.s32 s3, $0x0;
	_ =	strace $0x9000005C  }
0x94: {  	s0 =	sadd.s32 @!p0 $0x100000, s0;
	[bflag:$0x2] =	sbarrier.arrive $0xFFFF  }
0x95: {  	[sflag:s0] =	ssyncadd.tile.s32 @!p0 $0x1;
	_ =	shalt  }
.Lfunc_end2:
_tile_overlayer_lowered:
.L_overlay_start_2:
0x96: {  	(tag) =	ssettag $0x2  }
0x97: {  	s0 =	rddreg [dreg:$0x0];
	s2 =	stileid.u32  }
0x98: {  	s1 =	rddreg [dreg:$0x1];
	p0 =	sne.s32 s2, $0x0  }
0x99: {  	s3 =	rddreg [dreg:$0x2];
	[bflag:$0x3] =	sbarrier.arrive $0xFFFF;
	s2 =	simm.s32 @!p0 $0x1C01  }
0x9a: {  	[timem:s3], [sflag:s2] =	dma.local @!p0 [hbm:s0], s1  }
0x9b: {  	s0 =	simm.s32 @!p0 $0x1  }
0x9c: {  	_ =	swait.ge @!p0 [sflag:s0], s1  }
0x9d: {  	s1 =	ssub.s32 @!p0 $0x0, s1;
	[sflag:s0] =	ssyncset.done @!p0 $0x0  }
0x9e: {  	[sflag:s0] =	ssyncadd.s32 @!p0 s1  }
0x9f: {  	[bflag:$0x3] =	sbarrier.arrive $0xFFFF  }
0xa0: {  	_ =	shalt  }

// kernel: kernel.18.cloned.1.call-start
scs
__scs_entry_jumppad:
0x0: {  	(pc) =	sbr.rel $0x88, $3  }
0x1: {  	(tag) =	ssettag $0x0;
	lr =	simm.s32 $0x1  }
0x2: {  	[smem:$0x3F99] =	sst lr;
	_ =	strace $0xD0000000  }
0x3: {  	_ = 	snop  }
0x4: {  	_ = 	snop  }
0x5: {  	_ = 	snop  }
0x6: {  	_ = 	snop  }
0x7: {  	_ = 	snop  }
__scs_overlays_trampoline_lowered:
0x8: {  	[smem:$0x3FA8] =	sst s0  }
0x9: {  	[smem:$0x3FA9] =	sst s1  }
0xa: {  	[smem:$0x3FAA] =	sst s2  }
0xb: {  	[smem:$0x3FAB] =	sst s3  }
0xc: {  	[smem:$0x3FAC] =	sst s4  }
0xd: {  	[smem:$0x3FAD] =	sst s5  }
0xe: {  	[smem:$0x3FAE] =	sst s6  }
0xf: {  	[smem:$0x3FAF] =	sst s7  }
0x10: {  	[smem:$0x3FB0] =	sst s8  }
0x11: {  	[smem:$0x3FB1] =	sst s9;
	s0 =	simm.s32 @!p0 $0x0  }
0x12: {  	s1 =	sld [smem:$0x3F97];
	s0 =	simm.s32 @p0 $0x1  }
0x13: {  	[smem:$0x3FB2] =	sst s0;
	s0 =	simm.s32 @!p1 $0x0  }
0x14: {  	s2 =	sld [smem:$0x3F96];
	s0 =	simm.s32 @p1 $0x1  }
0x15: {  	[smem:$0x3FB3] =	sst s0;
	s0 =	simm.s32 @!p2 $0x0  }
0x16: {  	s3 =	sld [smem:$0x3FDB];
	s0 =	simm.s32 @p2 $0x1  }
0x17: {  	s4 =	simm.s32 $0x1BF5;
	[smem:$0x3FB5] =	sst s0  }
0x18: {  	s0 =	sld [smem:$0x3F98];
	_ =	swait.ge [sflag:s4], $0x0  }
0x19: {  	s7 =	sld [smem:$0x3F99]  }
0x1a: {  	s8 =	sadd.s32 $0xFFFFE003, lr  }
0x1b: {  	s9 =	sadd.s32 $0xFFFFFEF7, lr;
	s5 =	simm.s32 $0xFFFFFFFF;
	p2 =	slt.u32 s8, $0xFFFFF086  }
0x1c: {  	p1 =	slt.u32 s9, $0xF7A;
	s5 =	simm.s32 @!p2 $0x0  }
0x1d: {  	s5 =	simm.s32 @p1 $0x1;
	p0 =	seq.s32 s7, s2  }
0x1e: {  	s7 =	smul.u32 @!p0 $0xF7A, s2;
	p2 =	seq.s32 @!p0 s5, $0x0  }
0x1f: {  	s9 =	smul.u32 $0xF7A, s1;
	s8 =	simm.s32 @!p0 $0x1BF5;
	p2 =	por !p2, p0  }
0x20: {  	[sflag:s8] =	ssyncset.s32 @!p0 $0xFFFFF086;
	s6 =	sadd.s32 @!p0 s3, s7;
	s7 =	simm.s32 @!p0 $0x108  }
0x21: {  	s3 =	sadd.s32 s3, s9;
	s6 =	sadd.s32 @!p0 $0x88, s6;
	s7 =	simm.s32 @p2 $0x1082  }
0x22: {  	[simem:s7], [sflag:s8] =	dma.local @!p0 [hbm:s6], $0xF7A  }
0x23: {  	s9 =	sor.u32 $0xD0000000, s2;
	s6 =	simm.s32 $0x108;
	_ =	swait.ge @!p0 [sflag:s8], $0x0  }
0x24: {  	s3 =	sadd.s32 $0x88, s3;
	s6 =	simm.s32 @!p1 $0x1082;
	[sflag:s4] =	ssyncset.s32 $0xFFFFF086  }
0x25: {  	[simem:s6], [sflag:s4] =	dma.local [hbm:s3], $0xF7A  }
0x26: {  	[smem:$0x3F99] =	sst s1;
	(tag) =	ssettag s2;
	_ =	strace s9  }
0x27: {  	s1 =	sld [smem:$0x3FA9]  }
0x28: {  	s2 =	sld [smem:$0x3FAA]  }
0x29: {  	s4 =	sld [smem:$0x3FAC]  }
0x2a: {  	p0 =	seq.s32 s5, $0x0;
	s5 =	sld [smem:$0x3FAD]  }
0x2b: {  	s6 =	sld [smem:$0x3FAE]  }
0x2c: {  	s7 =	sld [smem:$0x3FAF]  }
0x2d: {  	s3 =	simm.s32 $0x108;
	s8 =	sld [smem:$0x3FB0]  }
0x2e: {  	s3 =	simm.s32 @!p0 $0x1082;
	s9 =	sld [smem:$0x3FB1]  }
0x2f: {  	lr =	sadd.s32 s0, s3;
	s0 =	sld [smem:$0x3FA8]  }
0x30: {  	s3 =	sld [smem:$0x3FAB]  }
0x31: {  	[smem:$0x3FB4] =	sst s10  }
0x32: {  	s10 =	sld [smem:$0x3FB2];
	_ =	sdelay $0x3  }
0x33: {  	p0 =	seq.s32 s10, $0x1;
	s10 =	sld [smem:$0x3FB4];
	_ =	sdelay $0x3  }
0x34: {  	[smem:$0x3FB4] =	sst s10  }
0x35: {  	s10 =	sld [smem:$0x3FB3];
	_ =	sdelay $0x3  }
0x36: {  	p1 =	seq.s32 s10, $0x1;
	s10 =	sld [smem:$0x3FB4];
	_ =	sdelay $0x3  }
0x37: {  	[smem:$0x3FB4] =	sst s10  }
0x38: {  	s10 =	sld [smem:$0x3FB5]  }
0x39: {  	_ = 	snop;
	(pc) =	sbr.ind lr, $3  }
0x3a: {  	_ = 	snop  }
0x3b: {  	_ = 	snop  }
0x3c: {  	p2 =	seq.s32 s10, $0x1;
	s10 =	sld [smem:$0x3FB4]  }
0x3d: {  	_ =	shalt  }
0x3e: {  	_ =	shalt  }
0x3f: {  	_ =	shalt  }
0x40: {  	_ =	shalt  }
0x41: {  	_ =	shalt  }
0x42: {  	_ =	shalt  }
0x43: {  	_ =	shalt  }
0x44: {  	_ =	shalt  }
0x45: {  	_ =	shalt  }
0x46: {  	_ =	shalt  }
0x47: {  	_ =	shalt  }
0x48: {  	_ =	shalt  }
0x49: {  	_ =	shalt  }
0x4a: {  	_ =	shalt  }
0x4b: {  	_ =	shalt  }
0x4c: {  	_ =	shalt  }
0x4d: {  	_ =	shalt  }
0x4e: {  	_ =	shalt  }
0x4f: {  	_ =	shalt  }
0x50: {  	_ =	shalt  }
0x51: {  	_ =	shalt  }
0x52: {  	_ =	shalt  }
0x53: {  	_ =	shalt  }
0x54: {  	_ =	shalt  }
0x55: {  	_ =	shalt  }
0x56: {  	_ =	shalt  }
0x57: {  	_ =	shalt  }
0x58: {  	_ =	shalt  }
0x59: {  	_ =	shalt  }
0x5a: {  	_ =	shalt  }
0x5b: {  	_ =	shalt  }
0x5c: {  	_ =	shalt  }
0x5d: {  	_ =	shalt  }
0x5e: {  	_ =	shalt  }
0x5f: {  	_ =	shalt  }
0x60: {  	_ =	shalt  }
0x61: {  	_ =	shalt  }
0x62: {  	_ =	shalt  }
0x63: {  	_ =	shalt  }
0x64: {  	_ =	shalt  }
0x65: {  	_ =	shalt  }
0x66: {  	_ =	shalt  }
0x67: {  	_ =	shalt  }
0x68: {  	_ =	shalt  }
0x69: {  	_ =	shalt  }
0x6a: {  	_ =	shalt  }
0x6b: {  	_ =	shalt  }
0x6c: {  	_ =	shalt  }
0x6d: {  	_ =	shalt  }
0x6e: {  	_ =	shalt  }
0x6f: {  	_ =	shalt  }
0x70: {  	_ =	shalt  }
0x71: {  	_ =	shalt  }
0x72: {  	_ =	shalt  }
0x73: {  	_ =	shalt  }
0x74: {  	_ =	shalt  }
0x75: {  	_ =	shalt  }
0x76: {  	_ =	shalt  }
0x77: {  	_ =	shalt  }
0x78: {  	_ =	shalt  }
0x79: {  	_ =	shalt  }
0x7a: {  	_ =	shalt  }
0x7b: {  	_ =	shalt  }
0x7c: {  	_ =	shalt  }
0x7d: {  	_ =	shalt  }
0x7e: {  	_ =	shalt  }
0x7f: {  	_ =	shalt  }
0x80: {  	_ =	shalt  }
0x81: {  	_ =	shalt  }
0x82: {  	_ =	shalt  }
0x83: {  	_ =	shalt  }
0x84: {  	_ =	shalt  }
0x85: {  	_ =	shalt  }
0x86: {  	_ =	shalt  }
0x87: {  	_ =	shalt  }
.Lfunc_end0:
.L_simem_size_0:
called_computation.4_lowered:
.L_overlay_start_0:
0x88: {  	s2 =	sld [smem:$0x3FD9]  }
0x89: {  	s3 =	sld [smem:$0x3FFE];
	_ =	sdelay $0x1  }
0x8a: {  	s1 =	srdreg.scid  }
0x8b: {  	s0 =	sand.u32 $0x1, s1  }
0x8c: {  	s17 =	sshll.u32 s0, $0xA;
	s2 =	sadd.s32 s3, s2  }
0x8d: {  	s2 =	sadd.s32 s2, s17  }
0x8e: {  	[smem:$0x3FC0] =	sst s2  }
0x8f: {  	_ = 	snop  }
0x90: {  	(tm) =	ssettm $0x1  }
0x91: {  	s18 =	sld [smem:$0x3FFB];
	_ =	sdelay $0x3  }
0x92: {  	_ =	strace s18  }
0x93: {  	s2 =	sld [smem:$0x3FFC];
	_ =	sdelay $0x3  }
0x94: {  	_ =	strace s2  }
0x95: {  	s2 =	sld [smem:$0x3FFD];
	_ =	sdelay $0x3  }
0x96: {  	_ =	strace s2  }
0x97: {  	_ =	strace $0x8FFFFFFF  }
0x98: {  	s19 =	sld [smem:$0x3FDB];
	_ =	sdelay $0x1  }
0x99: {  	s20 =	simm.s32 $_scs_section_size  }
0x9a: {  	s4 =	simm.s32 $_size__tile_overlayer_lowered;
	s5 =	simm.s32 $_tile_overlayer_lowered  }
0x9b: {  	s6 =	simm.s32 $0x1BFF;
	s21 =	sshll.u32 s5, $0x1;
	s3 =	sadd.s32 s20, s19  }
0x9c: {  	s22 =	simm.s32 $0x0;
	s4 =	sshll.u32 s4, $0x1;
	s5 =	sadd.s32 s21, s3  }
0x9d: {  	[timem:s22], [sflag:s6] =	dma.local [hbm:s5], s4  }
0x9e: {  	_ =	swait.ge [sflag:s6], s4  }
0x9f: {  	s4 =	ssub.s32 $0x0, s4;
	[sflag:s6] =	ssyncset.done $0x0  }
0xa0: {  	[sflag:s6] =	ssyncadd.s32 s4;
	_ =	sdelay $0x1  }
0xa1: {  	s23 =	simm.s32 $0x1B8B  }
0xa2: {  	_ =	swait.ge [sflag:s23], $0x1  }
0xa3: {  	[sflag:s23] =	ssyncset.done $0x0  }
0xa4: {  	[sflag:s23] =	ssyncadd.s32 $0xFFFFFFFF  }
0xa5: {  	s4 =	sld [smem:$0x0]  }
0xa6: {  	s5 =	sand.u32 $0xFFFFFFFE, s1  }
0xa7: {  	p0 =	sne.s32 s1, s5  }
0xa8: {  	s5 =	sshll.u32 @p0 s5, $0xE  }
0xa9: {  	s5 =	sadd.s32 @p0 $0x11B8D, s5;
	s6 =	sshll.u32 @p0 s4, $0x11  }
0xaa: {  	s5 =	sor.u32 @p0 s6, s5  }
0xab: {  	[sflag:s5] =	ssyncadd.remote.s32 @p0 $0x1;
	_ =	sdelay $0x1  }
0xac: {  	s5 =	simm.s32 @p0 $0x1B8D  }
0xad: {  	_ =	swait.eq @p0 [sflag:s5], $0x1  }
0xae: {  	[sflag:s5] =	ssyncadd.s32 @p0 $0xFFFFFFFF  }
0xaf: {  	s6 =	sshll.u32 @!p0 s1, $0xE  }
0xb0: {  	s6 =	sor.u32 @!p0 $0x4000, s6;
	s5 =	simm.s32 @!p0 $0x1B8D  }
0xb1: {  	s4 =	sshll.u32 @!p0 s4, $0x11;
	s6 =	sadd.s32 @!p0 $0x11B8D, s6;
	_ =	swait.eq @!p0 [sflag:s5], $0x1  }
0xb2: {  	s4 =	sor.u32 @!p0 s4, s6;
	[sflag:s5] =	ssyncadd.s32 @!p0 $0xFFFFFFFF  }
0xb3: {  	s25 =	simm.s32 $0x1B8E;
	s24 =	sld [smem:$0x3FFE];
	[sflag:s4] =	ssyncadd.remote.s32 @!p0 $0x1  }
0xb4: {  	s26 =	simm.s32 $execute0_lowered;
	[smem:$0x3FD2] =	sst s25  }
0xb5: {  	s5 =	sshll.u32 s26, $0x1;
	_ =	strace $0x80000065;
	[dreg:$0x1] =	wrdreg $0xFFFFFFFF  }
0xb6: {  	s28 =	simm.s32 $_size_execute0_lowered;
	s3 =	sadd.s32 s3, s5;
	[dreg:$0x0] =	wrdreg $0x0  }
0xb7: {  	s5 =	sshll.u32 s28, $0x1;
	[dreg:$0x2] =	wrdreg s3  }
0xb8: {  	[dreg:$0x3] =	wrdreg s5  }
0xb9: {  	[dreg:$0x4] =	wrdreg $0xC0  }
0xba: {  	_ =	task [dreg:s22], $0x5FFFF  }
0xbb: {  	[dreg:$0x1] =	wrdreg $0xFFFFFFFF  }
0xbc: {  	[dreg:$0x0] =	wrdreg $0x60  }
0xbd: {  	[dreg:$0x2] =	wrdreg s24  }
0xbe: {  	[dreg:$0x3] =	wrdreg $0xA  }
0xbf: {  	_ =	task.clear_ibuf [dreg:s22], $0x4FFFF;
	_ =	strace $0x90000065  }
0xc0: {  	s29 =	simm.s32 $0xA;
	_ =	strace $0x8000006E  }
0xc1: {  	_ =	swait.ge [sflag:s29], $0x1  }
0xc2: {  	[sflag:s29] =	ssyncadd.s32 $0xFFFFFFFF  }
0xc3: {  	_ =	strace $0x9000006E  }
0xc4: {  	_ =	sfence  }
0xc5: {  	s30 =	sld [smem:$0x0];
	_ =	sdelay $0x2  }
0xc6: {  	s31 =	sshll.u32 s1, $0xD;
	s1 =	sshrl.u32 s1, $0x2  }
0xc7: {  	s4 =	sand.u32 $0x4000, s31;
	s1 =	sadd.s32 s1, s30  }
0xc8: {  	s0 =	sor.u32 s4, s0;
	s1 =	sshll.u32 s1, $0x11  }
0xc9: {  	s0 =	sor.u32 s1, s0  }
0xca: {  	s0 =	sadd.s32 $0x8F2B, s0  }
0xcb: {  	[sflag:s0] =	ssyncadd.remote.s32 $0x1  }
0xcc: {  	_ =	sfence.sel $0xFFFF  }
0xcd: {  	[dreg:$0x0] =	wrdreg $0xFFFFFFFF;
	(pc) =	sbr.abs _section_cstart, $3  }
0xce: {  	[dreg:$0x1] =	wrdreg $0xFFFFFFFF  }
0xcf: {  	_ =	task.clear_ibuf [dreg:s22], $0x2FFFF;
	_ =	strace $0x9FFFFFFF  }
0xd0: {  	(tm) =	ssettm $0x7FFFFFFF  }
0xd1: {  	_ =	shalt  }
tec
execute0_lowered:
.L_overlay_start_1:
0x0: {  	(tag) =	ssettag $0x1  }
0x1: {  	s5 =	rddreg [dreg:$0x0]  }
0x2: {  	s0 =	rddreg [dreg:$0x1];
	s1 =	simm.s32 $0x0;
	s2 =	srdreg.scid  }
0x3: {  	s9 =	simm.s32 $0x5;
	s10 =	simm.s32 $0x4;
	s11 =	simm.s32 $0x0  }
.Ltmp0:
0x4: {  	[smem:$0x7FF] =	sst s1;
	s2 =	sand.u32 $0x1, s2;
	(pc) =	sbr.rel .LBB2_1-.Ltmp0, $4  }
0x5: {  	s3 =	sadd.s32 $0xA00, s5;
	s4 =	sadd.s32 $0x800, s5;
	s6 =	ssub.s32 $0x2, s2  }
0x6: {  	v2 =	vlaneseq.u32;
	s5 =	sadd.s32 $0x30A00, s5;
	s2 =	stileid.u32;
	s7 =	sshrl.u32 s6, $0x1  }
0x7: {  	vm0 =	vmmov $0xffff;
	v1 =	vshrl.u32 v2, $0x3;
	_ =	strace $0x80000066;
	s31 =	sshll.u32 s2, $0x5;
	s8 =	ssub.s32 s6, s7  }
0x8: {  	v0 =	vand.u32 $0x7, v2;
	v2 =	vor.u32 $0x8, v2;
	v1 =	vmul.u32 $0x8, v1;
	s6 =	sshll.u32 s2, $0x1;
	s7 =	sadd.s32 s4, s31;
	s8 =	smax.u32 s8, $0x1  }
.LBB2_4:
0x9: {  	s12 =	sand.u32 $0x1, s12  }
0xa: {  	_ =	strace $0x8000006C;
	s12 =	sadd.s32 $0x3, s12  }
0xb: {  	_ =	swait.ge [sflag:s12], $0x8000  }
0xc: {  	[sflag:s12] =	ssyncset.done $0x0  }
0xd: {  	s11 =	sadd.s32 $0x1, s11;
	[sflag:s12] =	ssyncadd.s32 $0xFFFF8000  }
0xe: {  	p0 =	sne.s32 s11, s8;
	_ =	strace $0x9000006C  }
.Ltmp1:
0xf: {  	_ =	strace $0x8000006D;
	(pc) =	sbr.rel @!p0 .LBB2_5-.Ltmp1, $4  }
0x10: {  	_ =	swait.ge [sflag:s10], $0x8000  }
0x11: {  	[sflag:s10] =	ssyncset.done $0x0  }
0x12: {  	[sflag:s10] =	ssyncadd.s32 $0xFFFF8000  }
0x13: {  	_ =	strace $0x9000006D  }
.LBB2_1:
0x14: {  	_ =	strace $0x80000067  }
0x15: {  	p0 =	por $0x1, $0x1;
	p2 =	por $0x0, $0x0;
	s13 =	simm.s32 $0x0  }
0x16: {  	s12 =	simm.s32 $0x0;
	s17 =	simm.s32 $0x0;
	s14 =	simm.s32 $0x0  }
0x17: {  	[tilespmem:s1], [sflag:$0x1] =	stream.linear.gather [hbm4b:s7+s1], $0x80, $0x200038;
	[tilespmem:$0x10100] =	vst v63  }
0x18: {  	s15 =	simm.s32 $0x1;
	s16 =	simm.s32 $0x0;
	_ =	strace $0x90000067  }
.LBB2_2:
0x19: {  	s18 =	smov.u32 s13;
	s13 =	sadd.s32 $0x1, s13  }
0x1a: {  	p1 =	seq.s32 s13, $0x2  }
0x1b: {  	s13 =	simm.s32 @p1 $0x0  }
0x1c: {  	p1 =	sne.s32 s18, s13  }
0x1d: {  	p1 =	por !p0, !p1  }
0x1e: {  	p1 =	por !p1, !p1  }
0x1f: {  	s19 =	sadd.s32 @p1 s6, s13  }
0x20: {  	s20 =	sand.u32 @p1 $0x1, s15;
	s19 =	sshll.u32 @p1 s19, $0x4  }
0x21: {  	_ =	strace @p1 $0x80000068;
	s22 =	simm.s32 @p1 $0x0;
	s19 =	sand.u32 @p1 $0x1FFFFFF0, s19  }
0x22: {  	s21 =	sshll.u32 @p1 s20, $0x7;
	s20 =	sadd.s32 @p1 $0x1, s20;
	s19 =	sadd.s32 @p1 s4, s19  }
0x23: {  	[tilespmem:s21], [sflag:s20] =	stream.linear.gather @p1 [hbm4b:s19+s22], $0x80, $0x200038;
	[tilespmem:$0x10100] =	vst v63  }
0x24: {  	s23 =	sand.u32 $0x1, s14;
	_ =	strace @p1 $0x90000068  }
0x25: {  	s19 =	sadd.s32 $0x1, s23;
	_ =	strace $0x80000069  }
0x26: {  	_ =	swait.ge [sflag:s19], $0x80  }
0x27: {  	[sflag:s19] =	ssyncset.done $0x0  }
0x28: {  	[sflag:s19] =	ssyncadd.s32 $0xFFFFFF80  }
0x29: {  	s24 =	sshll.u32 s14, $0x7;
	_ =	strace $0x90000069  }
0x2a: {  	s22 =	sand.u32 $0x80, s24;
	_ =	strace $0x8000006A  }
0x2b: {  	v3 =	vld [tilespmem:s22+$0x0];
	_ =	sdelay $0x4  }
0x2c: {  	v4 =	vshll.u32 v3, $0x1  }
0x2d: {  	v3 =	vand.u32 $0x7, v3;
	v4 =	vand.u32 $0xFFFFFFF0, v4  }
0x2e: {  	v3 =	vor.u32 v3, v4  }
0x2f: {  	v4 =	vperm.xlane v3, v0;
	_ =	sdelay $0x1  }
0x30: {  	v3 =	vperm.xlane v3, v2;
	v4 =	vadd.s32 v1, v4;
	_ =	sdelay $0x1  }
0x31: {  	s19 =	sand.u32 $0x1, s17;
	v3 =	vadd.s32 v1, v3  }
0x32: {  	s21 =	sshll.u32 s19, $0xF  }
0x33: {  	s20 =	sor.u32 $0x100, s21  }
0x34: {  	[tilespmem:s20], [sflag:$0x5] =	stream.indirect_vreg.gather [hbm4b:s3+s1], $0x80, v4, vm0, $0x2000b8;
	[tilespmem:$0x10100] =	vst v63  }
0x35: {  	s23 =	sor.u32 $0x900, s21  }
0x36: {  	[tilespmem:s23], [sflag:$0x5] =	stream.indirect_vreg.gather [hbm4b:s3+s1], $0x80, v3, vm0, $0x2000b8;
	[tilespmem:$0x10100] =	vst v63  }
0x37: {  	v3 =	vld [tilespmem:s22+$0x10];
	_ =	sdelay $0x4  }
0x38: {  	v57 =	vshll.u32 v3, $0x1  }
0x39: {  	v3 =	vand.u32 $0x7, v3;
	v4 =	vand.u32 $0xFFFFFFF0, v57  }
0x3a: {  	v3 =	vor.u32 v3, v4  }
0x3b: {  	v4 =	vperm.xlane v3, v0;
	_ =	sdelay $0x1  }
0x3c: {  	v3 =	vperm.xlane v3, v2;
	v4 =	vadd.s32 v1, v4;
	_ =	sdelay $0x1  }
0x3d: {  	v3 =	vadd.s32 v1, v3;
	_ =	sdelay $0x1  }
0x3e: {  	s25 =	sor.u32 $0x1100, s21  }
0x3f: {  	[tilespmem:s25], [sflag:$0x5] =	stream.indirect_vreg.gather [hbm4b:s3+s1], $0x80, v4, vm0, $0x2000b8;
	[tilespmem:$0x10100] =	vst v63  }
0x40: {  	s26 =	sor.u32 $0x1900, s21  }
0x41: {  	[tilespmem:s26], [sflag:$0x5] =	stream.indirect_vreg.gather [hbm4b:s3+s1], $0x80, v3, vm0, $0x2000b8;
	[tilespmem:$0x10100] =	vst v63  }
0x42: {  	v3 =	vld [tilespmem:s22+$0x20];
	_ =	sdelay $0x4  }
0x43: {  	v58 =	vshll.u32 v3, $0x1  }
0x44: {  	v3 =	vand.u32 $0x7, v3;
	v4 =	vand.u32 $0xFFFFFFF0, v58  }
0x45: {  	v3 =	vor.u32 v3, v4  }
0x46: {  	v4 =	vperm.xlane v3, v0;
	_ =	sdelay $0x1  }
0x47: {  	v3 =	vperm.xlane v3, v2;
	v4 =	vadd.s32 v1, v4;
	_ =	sdelay $0x1  }
0x48: {  	v3 =	vadd.s32 v1, v3;
	_ =	sdelay $0x1  }
0x49: {  	s28 =	sor.u32 $0x2100, s21  }
0x4a: {  	[tilespmem:s28], [sflag:$0x5] =	stream.indirect_vreg.gather [hbm4b:s3+s1], $0x80, v4, vm0, $0x2000b8;
	[tilespmem:$0x10100] =	vst v63  }
0x4b: {  	s29 =	sor.u32 $0x2900, s21  }
0x4c: {  	[tilespmem:s29], [sflag:$0x5] =	stream.indirect_vreg.gather [hbm4b:s3+s1], $0x80, v3, vm0, $0x2000b8;
	[tilespmem:$0x10100] =	vst v63  }
0x4d: {  	v3 =	vld [tilespmem:s22+$0x30];
	_ =	sdelay $0x4  }
0x4e: {  	v59 =	vshll.u32 v3, $0x1  }
0x4f: {  	v3 =	vand.u32 $0x7, v3;
	v4 =	vand.u32 $0xFFFFFFF0, v59  }
0x50: {  	v3 =	vor.u32 v3, v4  }
0x51: {  	v4 =	vperm.xlane v3, v0;
	_ =	sdelay $0x1  }
0x52: {  	v3 =	vperm.xlane v3, v2;
	v4 =	vadd.s32 v1, v4;
	_ =	sdelay $0x1  }
0x53: {  	v3 =	vadd.s32 v1, v3;
	_ =	sdelay $0x1  }
0x54: {  	s30 =	sor.u32 $0x3100, s21  }
0x55: {  	[tilespmem:s30], [sflag:$0x5] =	stream.indirect_vreg.gather [hbm4b:s3+s1], $0x80, v4, vm0, $0x2000b8;
	[tilespmem:$0x10100] =	vst v63  }
0x56: {  	s31 =	sor.u32 $0x3900, s21  }
0x57: {  	[tilespmem:s31], [sflag:$0x5] =	stream.indirect_vreg.gather [hbm4b:s3+s1], $0x80, v3, vm0, $0x2000b8;
	[tilespmem:$0x10100] =	vst v63  }
0x58: {  	v3 =	vld [tilespmem:s22+$0x40];
	_ =	sdelay $0x4  }
0x59: {  	v60 =	vshll.u32 v3, $0x1  }
0x5a: {  	v3 =	vand.u32 $0x7, v3;
	v4 =	vand.u32 $0xFFFFFFF0, v60  }
0x5b: {  	v3 =	vor.u32 v3, v4  }
0x5c: {  	v4 =	vperm.xlane v3, v0;
	_ =	sdelay $0x1  }
0x5d: {  	v3 =	vperm.xlane v3, v2;
	v4 =	vadd.s32 v1, v4;
	_ =	sdelay $0x1  }
0x5e: {  	v3 =	vadd.s32 v1, v3;
	_ =	sdelay $0x1  }
0x5f: {  	s24 =	sor.u32 $0x4100, s21  }
0x60: {  	[tilespmem:s24], [sflag:$0x5] =	stream.indirect_vreg.gather [hbm4b:s3+s1], $0x80, v4, vm0, $0x2000b8;
	[tilespmem:$0x10100] =	vst v63  }
0x61: {  	s25 =	sor.u32 $0x4900, s21  }
0x62: {  	[tilespmem:s25], [sflag:$0x5] =	stream.indirect_vreg.gather [hbm4b:s3+s1], $0x80, v3, vm0, $0x2000b8;
	[tilespmem:$0x10100] =	vst v63  }
0x63: {  	v3 =	vld [tilespmem:s22+$0x50];
	_ =	sdelay $0x4  }
0x64: {  	v61 =	vshll.u32 v3, $0x1  }
0x65: {  	v3 =	vand.u32 $0x7, v3;
	v4 =	vand.u32 $0xFFFFFFF0, v61  }
0x66: {  	v3 =	vor.u32 v3, v4  }
0x67: {  	v4 =	vperm.xlane v3, v0;
	_ =	sdelay $0x1  }
0x68: {  	v3 =	vperm.xlane v3, v2;
	v4 =	vadd.s32 v1, v4;
	_ =	sdelay $0x1  }
0x69: {  	v3 =	vadd.s32 v1, v3;
	_ =	sdelay $0x1  }
0x6a: {  	s26 =	sor.u32 $0x5100, s21  }
0x6b: {  	[tilespmem:s26], [sflag:$0x5] =	stream.indirect_vreg.gather [hbm4b:s3+s1], $0x80, v4, vm0, $0x2000b8;
	[tilespmem:$0x10100] =	vst v63  }
0x6c: {  	s28 =	sor.u32 $0x5900, s21  }
0x6d: {  	[tilespmem:s28], [sflag:$0x5] =	stream.indirect_vreg.gather [hbm4b:s3+s1], $0x80, v3, vm0, $0x2000b8;
	[tilespmem:$0x10100] =	vst v63  }
0x6e: {  	v3 =	vld [tilespmem:s22+$0x60];
	_ =	sdelay $0x4  }
0x6f: {  	v62 =	vshll.u32 v3, $0x1  }
0x70: {  	v3 =	vand.u32 $0x7, v3;
	v4 =	vand.u32 $0xFFFFFFF0, v62  }
0x71: {  	v3 =	vor.u32 v3, v4  }
0x72: {  	v4 =	vperm.xlane v3, v0;
	_ =	sdelay $0x1  }
0x73: {  	v3 =	vperm.xlane v3, v2;
	v4 =	vadd.s32 v1, v4;
	_ =	sdelay $0x1  }
0x74: {  	v3 =	vadd.s32 v1, v3;
	_ =	sdelay $0x1  }
0x75: {  	s29 =	sor.u32 $0x6100, s21  }
0x76: {  	[tilespmem:s29], [sflag:$0x5] =	stream.indirect_vreg.gather [hbm4b:s3+s1], $0x80, v4, vm0, $0x2000b8;
	[tilespmem:$0x10100] =	vst v63  }
0x77: {  	s30 =	sor.u32 $0x6900, s21  }
0x78: {  	[tilespmem:s30], [sflag:$0x5] =	stream.indirect_vreg.gather [hbm4b:s3+s1], $0x80, v3, vm0, $0x2000b8;
	[tilespmem:$0x10100] =	vst v63  }
0x79: {  	v3 =	vld [tilespmem:s22+$0x70];
	_ =	sdelay $0x4  }
0x7a: {  	v63 =	vshll.u32 v3, $0x1  }
0x7b: {  	v3 =	vand.u32 $0x7, v3;
	v4 =	vand.u32 $0xFFFFFFF0, v63  }
0x7c: {  	v3 =	vor.u32 v3, v4  }
0x7d: {  	v4 =	vperm.xlane v3, v0;
	_ =	sdelay $0x1  }
0x7e: {  	v3 =	vperm.xlane v3, v2;
	v4 =	vadd.s32 v1, v4;
	_ =	sdelay $0x1  }
0x7f: {  	v3 =	vadd.s32 v1, v3;
	_ =	sdelay $0x1  }
0x80: {  	p2 =	por !p2, !p2;
	p3 =	seq.s32 s18, s13;
	s31 =	sor.u32 $0x7100, s21  }
0x81: {  	[tilespmem:s31], [sflag:$0x5] =	stream.indirect_vreg.gather [hbm4b:s3+s1], $0x80, v4, vm0, $0x2000b8;
	[tilespmem:$0x10100] =	vst v63  }
0x82: {  	p2 =	por !p2, !p3;
	s21 =	sor.u32 $0x7900, s21  }
0x83: {  	[tilespmem:s21], [sflag:$0x5] =	stream.indirect_vreg.gather [hbm4b:s3+s1], $0x80, v3, vm0, $0x2000b8;
	[tilespmem:$0x10100] =	vst v63  }
0x84: {  	s18 =	sadd.s32 s6, s18;
	p2 =	por !p2, !p2;
	_ =	swait.ge [sflag:s9], $0x8000  }
0x85: {  	s18 =	sshll.u32 @!p2 s18, $0xC;
	p0 =	por p2, p0;
	[sflag:s9] =	ssyncset.done $0x0  }
.Ltmp2:
0x86: {  	s18 =	sand.u32 @!p2 $0x1FFFF000, s18;
	[sflag:s9] =	ssyncadd.s32 $0xFFFF8000;
	(pc) =	sbr.rel @!p0 .LBB2_4-.Ltmp2, $4  }
0x87: {  	s18 =	sadd.s32 @!p2 s5, s18;
	_ =	strace $0x9000006A  }
0x88: {  	s19 =	sadd.s32 @!p2 $0x3, s19;
	s21 =	simm.s32 @!p2 $0x0;
	_ =	strace @!p2 $0x8000006B  }
0x89: {  	[hbm4b:s18+s21] =	stream.linear.scatter @!p2 [tilespmem:s20], [sflag:s19], $0x8000, $0x200038;
	[tilespmem:$0x10100] =	vst v63  }
0x8a: {  	_ =	strace @!p2 $0x9000006B  }
.Ltmp3:
0x8b: {  	s18 =	simm.s32 $0x1;
	(pc) =	sbr.rel .LBB2_2-.Ltmp3, $4  }
0x8c: {  	s19 =	simm.s32 @!p2 $0x1;
	s12 =	sadd.s32 s16, s12;
	s18 =	simm.s32 @!p1 $0x0  }
0x8d: {  	s16 =	simm.s32 $0x1;
	s15 =	sadd.s32 s18, s15;
	s18 =	sadd.s32 @!p2 $0x1, s17  }
0x8e: {  	p0 =	por $0x0, $0x0;
	s19 =	simm.s32 @p2 $0x0;
	s18 =	smov.u32 @p2 s17  }
0x8f: {  	s14 =	sadd.s32 s14, s19;
	p2 =	por $0x1, $0x1;
	s17 =	smov.u32 s18  }
.LBB2_5:
0x90: {  	_ =	sfence.sel $0x180000  }
0x91: {  	[bflag:$0x0] =	sbarrier.arrive $0xFFFF  }
0x92: {  	p0 =	sne.s32 s2, $0x0;
	_ =	strace $0x90000066  }
0x93: {  	s0 =	sadd.s32 @!p0 $0x100000, s0;
	[bflag:$0x2] =	sbarrier.arrive $0xFFFF  }
0x94: {  	[sflag:s0] =	ssyncadd.tile.s32 @!p0 $0x1;
	_ =	shalt  }
.Lfunc_end2:
_tile_overlayer_lowered:
.L_overlay_start_2:
0x95: {  	(tag) =	ssettag $0x2  }
0x96: {  	s0 =	rddreg [dreg:$0x0];
	s2 =	stileid.u32  }
0x97: {  	s1 =	rddreg [dreg:$0x1];
	p0 =	sne.s32 s2, $0x0  }
0x98: {  	s3 =	rddreg [dreg:$0x2];
	[bflag:$0x3] =	sbarrier.arrive $0xFFFF;
	s2 =	simm.s32 @!p0 $0x1C01  }
0x99: {  	[timem:s3], [sflag:s2] =	dma.local @!p0 [hbm:s0], s1  }
0x9a: {  	s0 =	simm.s32 @!p0 $0x1  }
0x9b: {  	_ =	swait.ge @!p0 [sflag:s0], s1  }
0x9c: {  	s1 =	ssub.s32 @!p0 $0x0, s1;
	[sflag:s0] =	ssyncset.done @!p0 $0x0  }
0x9d: {  	[sflag:s0] =	ssyncadd.s32 @!p0 s1  }
0x9e: {  	[bflag:$0x3] =	sbarrier.arrive $0xFFFF  }
0x9f: {  	_ =	shalt  }

// kernel: kernel.9.cloned.1.call-start
scs
__scs_entry_jumppad:
0x0: {  	(pc) =	sbr.rel $0x88, $3  }
0x1: {  	(tag) =	ssettag $0x0;
	lr =	simm.s32 $0x1  }
0x2: {  	[smem:$0x3F99] =	sst lr;
	_ =	strace $0xD0000000  }
0x3: {  	_ = 	snop  }
0x4: {  	_ = 	snop  }
0x5: {  	_ = 	snop  }
0x6: {  	_ = 	snop  }
0x7: {  	_ = 	snop  }
__scs_overlays_trampoline_lowered:
0x8: {  	[smem:$0x3FA8] =	sst s0  }
0x9: {  	[smem:$0x3FA9] =	sst s1  }
0xa: {  	[smem:$0x3FAA] =	sst s2  }
0xb: {  	[smem:$0x3FAB] =	sst s3  }
0xc: {  	[smem:$0x3FAC] =	sst s4  }
0xd: {  	[smem:$0x3FAD] =	sst s5  }
0xe: {  	[smem:$0x3FAE] =	sst s6  }
0xf: {  	[smem:$0x3FAF] =	sst s7  }
0x10: {  	[smem:$0x3FB0] =	sst s8  }
0x11: {  	[smem:$0x3FB1] =	sst s9;
	s0 =	simm.s32 @!p0 $0x0  }
0x12: {  	s1 =	sld [smem:$0x3F97];
	s0 =	simm.s32 @p0 $0x1  }
0x13: {  	[smem:$0x3FB2] =	sst s0;
	s0 =	simm.s32 @!p1 $0x0  }
0x14: {  	s2 =	sld [smem:$0x3F96];
	s0 =	simm.s32 @p1 $0x1  }
0x15: {  	[smem:$0x3FB3] =	sst s0;
	s0 =	simm.s32 @!p2 $0x0  }
0x16: {  	s3 =	sld [smem:$0x3FDB];
	s0 =	simm.s32 @p2 $0x1  }
0x17: {  	s4 =	simm.s32 $0x1BF5;
	[smem:$0x3FB5] =	sst s0  }
0x18: {  	s0 =	sld [smem:$0x3F98];
	_ =	swait.ge [sflag:s4], $0x0  }
0x19: {  	s7 =	sld [smem:$0x3F99]  }
0x1a: {  	s8 =	sadd.s32 $0xFFFFE003, lr  }
0x1b: {  	s9 =	sadd.s32 $0xFFFFFEF7, lr;
	s5 =	simm.s32 $0xFFFFFFFF;
	p2 =	slt.u32 s8, $0xFFFFF086  }
0x1c: {  	p1 =	slt.u32 s9, $0xF7A;
	s5 =	simm.s32 @!p2 $0x0  }
0x1d: {  	s5 =	simm.s32 @p1 $0x1;
	p0 =	seq.s32 s7, s2  }
0x1e: {  	s7 =	smul.u32 @!p0 $0xF7A, s2;
	p2 =	seq.s32 @!p0 s5, $0x0  }
0x1f: {  	s9 =	smul.u32 $0xF7A, s1;
	s8 =	simm.s32 @!p0 $0x1BF5;
	p2 =	por !p2, p0  }
0x20: {  	[sflag:s8] =	ssyncset.s32 @!p0 $0xFFFFF086;
	s6 =	sadd.s32 @!p0 s3, s7;
	s7 =	simm.s32 @!p0 $0x108  }
0x21: {  	s3 =	sadd.s32 s3, s9;
	s6 =	sadd.s32 @!p0 $0x88, s6;
	s7 =	simm.s32 @p2 $0x1082  }
0x22: {  	[simem:s7], [sflag:s8] =	dma.local @!p0 [hbm:s6], $0xF7A  }
0x23: {  	s9 =	sor.u32 $0xD0000000, s2;
	s6 =	simm.s32 $0x108;
	_ =	swait.ge @!p0 [sflag:s8], $0x0  }
0x24: {  	s3 =	sadd.s32 $0x88, s3;
	s6 =	simm.s32 @!p1 $0x1082;
	[sflag:s4] =	ssyncset.s32 $0xFFFFF086  }
0x25: {  	[simem:s6], [sflag:s4] =	dma.local [hbm:s3], $0xF7A  }
0x26: {  	[smem:$0x3F99] =	sst s1;
	(tag) =	ssettag s2;
	_ =	strace s9  }
0x27: {  	s1 =	sld [smem:$0x3FA9]  }
0x28: {  	s2 =	sld [smem:$0x3FAA]  }
0x29: {  	s4 =	sld [smem:$0x3FAC]  }
0x2a: {  	p0 =	seq.s32 s5, $0x0;
	s5 =	sld [smem:$0x3FAD]  }
0x2b: {  	s6 =	sld [smem:$0x3FAE]  }
0x2c: {  	s7 =	sld [smem:$0x3FAF]  }
0x2d: {  	s3 =	simm.s32 $0x108;
	s8 =	sld [smem:$0x3FB0]  }
0x2e: {  	s3 =	simm.s32 @!p0 $0x1082;
	s9 =	sld [smem:$0x3FB1]  }
0x2f: {  	lr =	sadd.s32 s0, s3;
	s0 =	sld [smem:$0x3FA8]  }
0x30: {  	s3 =	sld [smem:$0x3FAB]  }
0x31: {  	[smem:$0x3FB4] =	sst s10  }
0x32: {  	s10 =	sld [smem:$0x3FB2];
	_ =	sdelay $0x3  }
0x33: {  	p0 =	seq.s32 s10, $0x1;
	s10 =	sld [smem:$0x3FB4];
	_ =	sdelay $0x3  }
0x34: {  	[smem:$0x3FB4] =	sst s10  }
0x35: {  	s10 =	sld [smem:$0x3FB3];
	_ =	sdelay $0x3  }
0x36: {  	p1 =	seq.s32 s10, $0x1;
	s10 =	sld [smem:$0x3FB4];
	_ =	sdelay $0x3  }
0x37: {  	[smem:$0x3FB4] =	sst s10  }
0x38: {  	s10 =	sld [smem:$0x3FB5]  }
0x39: {  	_ = 	snop;
	(pc) =	sbr.ind lr, $3  }
0x3a: {  	_ = 	snop  }
0x3b: {  	_ = 	snop  }
0x3c: {  	p2 =	seq.s32 s10, $0x1;
	s10 =	sld [smem:$0x3FB4]  }
0x3d: {  	_ =	shalt  }
0x3e: {  	_ =	shalt  }
0x3f: {  	_ =	shalt  }
0x40: {  	_ =	shalt  }
0x41: {  	_ =	shalt  }
0x42: {  	_ =	shalt  }
0x43: {  	_ =	shalt  }
0x44: {  	_ =	shalt  }
0x45: {  	_ =	shalt  }
0x46: {  	_ =	shalt  }
0x47: {  	_ =	shalt  }
0x48: {  	_ =	shalt  }
0x49: {  	_ =	shalt  }
0x4a: {  	_ =	shalt  }
0x4b: {  	_ =	shalt  }
0x4c: {  	_ =	shalt  }
0x4d: {  	_ =	shalt  }
0x4e: {  	_ =	shalt  }
0x4f: {  	_ =	shalt  }
0x50: {  	_ =	shalt  }
0x51: {  	_ =	shalt  }
0x52: {  	_ =	shalt  }
0x53: {  	_ =	shalt  }
0x54: {  	_ =	shalt  }
0x55: {  	_ =	shalt  }
0x56: {  	_ =	shalt  }
0x57: {  	_ =	shalt  }
0x58: {  	_ =	shalt  }
0x59: {  	_ =	shalt  }
0x5a: {  	_ =	shalt  }
0x5b: {  	_ =	shalt  }
0x5c: {  	_ =	shalt  }
0x5d: {  	_ =	shalt  }
0x5e: {  	_ =	shalt  }
0x5f: {  	_ =	shalt  }
0x60: {  	_ =	shalt  }
0x61: {  	_ =	shalt  }
0x62: {  	_ =	shalt  }
0x63: {  	_ =	shalt  }
0x64: {  	_ =	shalt  }
0x65: {  	_ =	shalt  }
0x66: {  	_ =	shalt  }
0x67: {  	_ =	shalt  }
0x68: {  	_ =	shalt  }
0x69: {  	_ =	shalt  }
0x6a: {  	_ =	shalt  }
0x6b: {  	_ =	shalt  }
0x6c: {  	_ =	shalt  }
0x6d: {  	_ =	shalt  }
0x6e: {  	_ =	shalt  }
0x6f: {  	_ =	shalt  }
0x70: {  	_ =	shalt  }
0x71: {  	_ =	shalt  }
0x72: {  	_ =	shalt  }
0x73: {  	_ =	shalt  }
0x74: {  	_ =	shalt  }
0x75: {  	_ =	shalt  }
0x76: {  	_ =	shalt  }
0x77: {  	_ =	shalt  }
0x78: {  	_ =	shalt  }
0x79: {  	_ =	shalt  }
0x7a: {  	_ =	shalt  }
0x7b: {  	_ =	shalt  }
0x7c: {  	_ =	shalt  }
0x7d: {  	_ =	shalt  }
0x7e: {  	_ =	shalt  }
0x7f: {  	_ =	shalt  }
0x80: {  	_ =	shalt  }
0x81: {  	_ =	shalt  }
0x82: {  	_ =	shalt  }
0x83: {  	_ =	shalt  }
0x84: {  	_ =	shalt  }
0x85: {  	_ =	shalt  }
0x86: {  	_ =	shalt  }
0x87: {  	_ =	shalt  }
.Lfunc_end0:
.L_simem_size_0:
called_computation.1_lowered:
.L_overlay_start_0:
0x88: {  	s2 =	sld [smem:$0x3FD9]  }
0x89: {  	s3 =	sld [smem:$0x3FFE];
	_ =	sdelay $0x1  }
0x8a: {  	s1 =	srdreg.scid  }
0x8b: {  	s0 =	sand.u32 $0x1, s1  }
0x8c: {  	s16 =	sshll.u32 s0, $0xA;
	s2 =	sadd.s32 s3, s2  }
0x8d: {  	s2 =	sadd.s32 s2, s16  }
0x8e: {  	[smem:$0x3FC0] =	sst s2  }
0x8f: {  	_ = 	snop  }
0x90: {  	(tm) =	ssettm $0x1  }
0x91: {  	s17 =	sld [smem:$0x3FFB];
	_ =	sdelay $0x3  }
0x92: {  	_ =	strace s17  }
0x93: {  	s2 =	sld [smem:$0x3FFC];
	_ =	sdelay $0x3  }
0x94: {  	_ =	strace s2  }
0x95: {  	s2 =	sld [smem:$0x3FFD];
	_ =	sdelay $0x3  }
0x96: {  	_ =	strace s2  }
0x97: {  	_ =	strace $0x8FFFFFFF  }
0x98: {  	s18 =	sld [smem:$0x3FDB];
	_ =	sdelay $0x1  }
0x99: {  	s19 =	simm.s32 $_scs_section_size  }
0x9a: {  	s4 =	simm.s32 $_size__tile_overlayer_lowered;
	s5 =	simm.s32 $_tile_overlayer_lowered  }
0x9b: {  	s22 =	simm.s32 $0x1BFF;
	s21 =	sshll.u32 s5, $0x1;
	s2 =	sadd.s32 s19, s18  }
0x9c: {  	s6 =	simm.s32 $0x0;
	s20 =	sshll.u32 s4, $0x1;
	s4 =	sadd.s32 s21, s2  }
0x9d: {  	[timem:s6], [sflag:s22] =	dma.local [hbm:s4], s20  }
0x9e: {  	_ =	swait.ge [sflag:s22], s20  }
0x9f: {  	s3 =	ssub.s32 $0x0, s20;
	[sflag:s22] =	ssyncset.done $0x0  }
0xa0: {  	[sflag:s22] =	ssyncadd.s32 s3;
	_ =	sdelay $0x1  }
0xa1: {  	s23 =	simm.s32 $0x1B8B  }
0xa2: {  	_ =	swait.ge [sflag:s23], $0x1  }
0xa3: {  	[sflag:s23] =	ssyncset.done $0x0  }
0xa4: {  	s25 =	simm.s32 $0x1B8E;
	s24 =	sld [smem:$0x3FFE];
	[sflag:s23] =	ssyncadd.s32 $0xFFFFFFFF  }
0xa5: {  	s26 =	simm.s32 $execute0_lowered;
	[smem:$0x3FD2] =	sst s25  }
0xa6: {  	s4 =	sshll.u32 s26, $0x1;
	_ =	strace $0x80000049;
	[dreg:$0x1] =	wrdreg $0xFFFFFFFF  }
0xa7: {  	s28 =	simm.s32 $_size_execute0_lowered;
	s2 =	sadd.s32 s2, s4;
	[dreg:$0x0] =	wrdreg $0x0  }
0xa8: {  	s4 =	sshll.u32 s28, $0x1;
	[dreg:$0x2] =	wrdreg s2  }
0xa9: {  	[dreg:$0x3] =	wrdreg s4  }
0xaa: {  	[dreg:$0x4] =	wrdreg $0xC0  }
0xab: {  	_ =	task [dreg:s6], $0x5FFFF  }
0xac: {  	[dreg:$0x1] =	wrdreg $0xFFFFFFFF  }
0xad: {  	[dreg:$0x0] =	wrdreg $0x60  }
0xae: {  	[dreg:$0x2] =	wrdreg s24  }
0xaf: {  	[dreg:$0x3] =	wrdreg $0x9  }
0xb0: {  	_ =	task.clear_ibuf [dreg:s6], $0x4FFFF;
	_ =	strace $0x90000049  }
0xb1: {  	s29 =	simm.s32 $0x9;
	_ =	strace $0x80000051  }
0xb2: {  	_ =	swait.ge [sflag:s29], $0x1  }
0xb3: {  	[sflag:s29] =	ssyncadd.s32 $0xFFFFFFFF  }
0xb4: {  	_ =	strace $0x90000051  }
0xb5: {  	_ =	sfence  }
0xb6: {  	s30 =	sld [smem:$0x0];
	_ =	sdelay $0x2  }
0xb7: {  	s31 =	sshll.u32 s1, $0xD;
	s1 =	sshrl.u32 s1, $0x2  }
0xb8: {  	s3 =	sand.u32 $0x4000, s31;
	s1 =	sadd.s32 s1, s30  }
0xb9: {  	s0 =	sor.u32 s3, s0;
	s1 =	sshll.u32 s1, $0x11  }
0xba: {  	s0 =	sor.u32 s1, s0  }
0xbb: {  	s0 =	sadd.s32 $0x8F2B, s0  }
0xbc: {  	[sflag:s0] =	ssyncadd.remote.s32 $0x1  }
0xbd: {  	_ =	sfence.sel $0xFFFF  }
0xbe: {  	[dreg:$0x0] =	wrdreg $0xFFFFFFFF;
	(pc) =	sbr.abs _section_cstart, $3  }
0xbf: {  	[dreg:$0x1] =	wrdreg $0xFFFFFFFF  }
0xc0: {  	_ =	task.clear_ibuf [dreg:s6], $0x2FFFF;
	_ =	strace $0x9FFFFFFF  }
0xc1: {  	(tm) =	ssettm $0x7FFFFFFF  }
tec
execute0_lowered:
.L_overlay_start_1:
0x0: {  	(tag) =	ssettag $0x1  }
0x1: {  	s5 =	rddreg [dreg:$0x0]  }
0x2: {  	s0 =	rddreg [dreg:$0x1];
	s1 =	simm.s32 $0x0;
	s2 =	srdreg.scid  }
0x3: {  	s10 =	simm.s32 $0x10000;
	s11 =	simm.s32 $0x5;
	s12 =	simm.s32 $0x0  }
0x4: {  	[smem:$0x7FF] =	sst s1;
	s2 =	sand.u32 $0x1, s2;
	s3 =	sadd.s32 $0x2C00, s5  }
.Ltmp0:
0x5: {  	s4 =	sadd.s32 $0x800, s5;
	s5 =	sadd.s32 $0x12C00, s5;
	(pc) =	sbr.rel .LBB2_1-.Ltmp0, $4  }
0x6: {  	_ =	strace $0x8000004A;
	s6 =	ssub.s32 $0x2, s2;
	s2 =	stileid.u32  }
0x7: {  	v2 =	vlaneseq.u32;
	s7 =	sshrl.u32 s6, $0x1;
	s31 =	sshll.u32 s2, $0xD;
	s8 =	sshll.u32 s2, $0x5  }
0x8: {  	vm0 =	vmmov $0xffff;
	v1 =	vshrl.u32 v2, $0x3;
	s9 =	ssub.s32 s6, s7;
	s6 =	sshll.u32 s2, $0x1;
	s7 =	sand.u32 $0xE000, s31  }
0x9: {  	v0 =	vand.u32 $0x7, v2;
	v2 =	vor.u32 $0x8, v2;
	v1 =	vmul.u32 $0x8, v1;
	s8 =	sadd.s32 s4, s8;
	s7 =	sadd.s32 s3, s7;
	s9 =	smax.u32 s9, $0x1  }
.LBB2_7:
0xa: {  	s12 =	sadd.s32 $0x1, s12  }
0xb: {  	p0 =	sne.s32 s12, s9  }
.Ltmp1:
0xc: {  	_ = 	snop;
	(pc) =	sbr.rel @!p0 .LBB2_8-.Ltmp1, $1  }
0xd: {  	_ =	sdelay $0x3  }
.LBB2_1:
0xe: {  	_ =	strace $0x8000004B  }
.Ltmp2:
0xf: {  	p0 =	por $0x0, $0x0;
	p2 =	por $0x1, $0x1;
	(pc) =	sbr.rel .LBB2_2-.Ltmp2, $4  }
0x10: {  	[tilespmem:s1], [sflag:$0x1] =	stream.linear.gather [hbm4b:s7+s1], $0x8000, $0x200038;
	[tilespmem:$0x10100] =	vst v63  }
0x11: {  	s18 =	simm.s32 $0x0;
	s13 =	simm.s32 $0x0;
	s14 =	simm.s32 $0x1  }
0x12: {  	[tilespmem:s10], [sflag:$0x3] =	stream.linear.gather [hbm4b:s8+s1], $0x80, $0x200038;
	[tilespmem:$0x10100] =	vst v63  }
0x13: {  	s15 =	simm.s32 $0x0;
	s16 =	simm.s32 $0x1;
	_ =	strace $0x9000004B  }
.LBB2_3:
0x14: {  	s19 =	sand.u32 $0x1, s14;
	s20 =	sshll.u32 s20, $0x4  }
0x15: {  	_ =	strace $0x8000004D;
	s21 =	sshll.u32 s19, $0x7;
	s20 =	sand.u32 $0x1FFFFFF0, s20  }
0x16: {  	s19 =	sadd.s32 $0x3, s19;
	s21 =	sor.u32 $0x10000, s21;
	s20 =	sadd.s32 s4, s20  }
0x17: {  	[tilespmem:s21], [sflag:s19] =	stream.linear.gather [hbm4b:s20+s1], $0x80, $0x200038;
	[tilespmem:$0x10100] =	vst v63  }
0x18: {  	s14 =	sadd.s32 $0x1, s14;
	_ =	strace $0x9000004D  }
.LBB2_5:
0x19: {  	s19 =	sand.u32 $0x1, s15  }
0x1a: {  	_ =	strace $0x8000004E;
	s19 =	sadd.s32 $0x1, s19  }
0x1b: {  	_ =	swait.ge [sflag:s19], $0x8000  }
0x1c: {  	[sflag:s19] =	ssyncset.done $0x0  }
0x1d: {  	[sflag:s19] =	ssyncadd.s32 $0xFFFF8000  }
0x1e: {  	_ =	strace $0x9000004E  }
.LBB2_6:
0x1f: {  	s19 =	sand.u32 $0x1, s13  }
0x20: {  	_ =	strace $0x8000004F;
	s19 =	sadd.s32 $0x3, s19  }
0x21: {  	_ =	swait.ge [sflag:s19], $0x80  }
0x22: {  	[sflag:s19] =	ssyncset.done $0x0  }
0x23: {  	[sflag:s19] =	ssyncadd.s32 $0xFFFFFF80  }
0x24: {  	s25 =	sshll.u32 s13, $0x7;
	_ =	strace $0x9000004F  }
0x25: {  	s20 =	sand.u32 $0x80, s25;
	_ =	strace $0x80000050  }
0x26: {  	v3 =	vld [tilespmem:s20+$0x10000];
	_ =	sdelay $0x4  }
0x27: {  	v4 =	vshll.u32 v3, $0x1  }
0x28: {  	v3 =	vand.u32 $0x7, v3;
	v4 =	vand.u32 $0xFFFFFFF0, v4  }
0x29: {  	v3 =	vor.u32 v3, v4  }
0x2a: {  	v4 =	vperm.xlane v3, v0;
	_ =	sdelay $0x1  }
0x2b: {  	v3 =	vperm.xlane v3, v2;
	v4 =	vadd.s32 v1, v4;
	_ =	sdelay $0x1  }
0x2c: {  	v3 =	vadd.s32 v1, v3  }
0x2d: {  	s26 =	sshll.u32 s15, $0xF  }
0x2e: {  	s19 =	sand.u32 $0x8000, s26  }
0x2f: {  	[hbm4b:s5+s1] =	stream.indirect_vreg.scatter [tilespmem:s19], [sflag:$0x5], $0x80, v4, vm0, $0x2000b8;
	[tilespmem:$0x10100] =	vst v63  }
0x30: {  	s21 =	sor.u32 $0x800, s19  }
0x31: {  	[hbm4b:s5+s1] =	stream.indirect_vreg.scatter [tilespmem:s21], [sflag:$0x5], $0x80, v3, vm0, $0x2000b8;
	[tilespmem:$0x10100] =	vst v63  }
0x32: {  	v3 =	vld [tilespmem:s20+$0x10010];
	_ =	sdelay $0x4  }
0x33: {  	v57 =	vshll.u32 v3, $0x1  }
0x34: {  	v3 =	vand.u32 $0x7, v3;
	v4 =	vand.u32 $0xFFFFFFF0, v57  }
0x35: {  	v3 =	vor.u32 v3, v4  }
0x36: {  	v4 =	vperm.xlane v3, v0;
	_ =	sdelay $0x1  }
0x37: {  	v3 =	vperm.xlane v3, v2;
	v4 =	vadd.s32 v1, v4;
	_ =	sdelay $0x1  }
0x38: {  	v3 =	vadd.s32 v1, v3;
	_ =	sdelay $0x1  }
0x39: {  	s28 =	sor.u32 $0x1000, s19  }
0x3a: {  	[hbm4b:s5+s1] =	stream.indirect_vreg.scatter [tilespmem:s28], [sflag:$0x5], $0x80, v4, vm0, $0x2000b8;
	[tilespmem:$0x10100] =	vst v63  }
0x3b: {  	s29 =	sor.u32 $0x1800, s19  }
0x3c: {  	[hbm4b:s5+s1] =	stream.indirect_vreg.scatter [tilespmem:s29], [sflag:$0x5], $0x80, v3, vm0, $0x2000b8;
	[tilespmem:$0x10100] =	vst v63  }
0x3d: {  	v3 =	vld [tilespmem:s20+$0x10020];
	_ =	sdelay $0x4  }
0x3e: {  	v58 =	vshll.u32 v3, $0x1  }
0x3f: {  	v3 =	vand.u32 $0x7, v3;
	v4 =	vand.u32 $0xFFFFFFF0, v58  }
0x40: {  	v3 =	vor.u32 v3, v4  }
0x41: {  	v4 =	vperm.xlane v3, v0;
	_ =	sdelay $0x1  }
0x42: {  	v3 =	vperm.xlane v3, v2;
	v4 =	vadd.s32 v1, v4;
	_ =	sdelay $0x1  }
0x43: {  	v3 =	vadd.s32 v1, v3;
	_ =	sdelay $0x1  }
0x44: {  	s30 =	sor.u32 $0x2000, s19  }
0x45: {  	[hbm4b:s5+s1] =	stream.indirect_vreg.scatter [tilespmem:s30], [sflag:$0x5], $0x80, v4, vm0, $0x2000b8;
	[tilespmem:$0x10100] =	vst v63  }
0x46: {  	s31 =	sor.u32 $0x2800, s19  }
0x47: {  	[hbm4b:s5+s1] =	stream.indirect_vreg.scatter [tilespmem:s31], [sflag:$0x5], $0x80, v3, vm0, $0x2000b8;
	[tilespmem:$0x10100] =	vst v63  }
0x48: {  	v3 =	vld [tilespmem:s20+$0x10030];
	_ =	sdelay $0x4  }
0x49: {  	v59 =	vshll.u32 v3, $0x1  }
0x4a: {  	v3 =	vand.u32 $0x7, v3;
	v4 =	vand.u32 $0xFFFFFFF0, v59  }
0x4b: {  	v3 =	vor.u32 v3, v4  }
0x4c: {  	v4 =	vperm.xlane v3, v0;
	_ =	sdelay $0x1  }
0x4d: {  	v3 =	vperm.xlane v3, v2;
	v4 =	vadd.s32 v1, v4;
	_ =	sdelay $0x1  }
0x4e: {  	v3 =	vadd.s32 v1, v3;
	_ =	sdelay $0x1  }
0x4f: {  	s22 =	sor.u32 $0x3000, s19  }
0x50: {  	[hbm4b:s5+s1] =	stream.indirect_vreg.scatter [tilespmem:s22], [sflag:$0x5], $0x80, v4, vm0, $0x2000b8;
	[tilespmem:$0x10100] =	vst v63  }
0x51: {  	s23 =	sor.u32 $0x3800, s19  }
0x52: {  	[hbm4b:s5+s1] =	stream.indirect_vreg.scatter [tilespmem:s23], [sflag:$0x5], $0x80, v3, vm0, $0x2000b8;
	[tilespmem:$0x10100] =	vst v63  }
0x53: {  	v3 =	vld [tilespmem:s20+$0x10040];
	_ =	sdelay $0x4  }
0x54: {  	v60 =	vshll.u32 v3, $0x1  }
0x55: {  	v3 =	vand.u32 $0x7, v3;
	v4 =	vand.u32 $0xFFFFFFF0, v60  }
0x56: {  	v3 =	vor.u32 v3, v4  }
0x57: {  	v4 =	vperm.xlane v3, v0;
	_ =	sdelay $0x1  }
0x58: {  	v3 =	vperm.xlane v3, v2;
	v4 =	vadd.s32 v1, v4;
	_ =	sdelay $0x1  }
0x59: {  	v3 =	vadd.s32 v1, v3;
	_ =	sdelay $0x1  }
0x5a: {  	s24 =	sor.u32 $0x4000, s19  }
0x5b: {  	[hbm4b:s5+s1] =	stream.indirect_vreg.scatter [tilespmem:s24], [sflag:$0x5], $0x80, v4, vm0, $0x2000b8;
	[tilespmem:$0x10100] =	vst v63  }
0x5c: {  	s25 =	sor.u32 $0x4800, s19  }
0x5d: {  	[hbm4b:s5+s1] =	stream.indirect_vreg.scatter [tilespmem:s25], [sflag:$0x5], $0x80, v3, vm0, $0x2000b8;
	[tilespmem:$0x10100] =	vst v63  }
0x5e: {  	v3 =	vld [tilespmem:s20+$0x10050];
	_ =	sdelay $0x4  }
0x5f: {  	v61 =	vshll.u32 v3, $0x1  }
0x60: {  	v3 =	vand.u32 $0x7, v3;
	v4 =	vand.u32 $0xFFFFFFF0, v61  }
0x61: {  	v3 =	vor.u32 v3, v4  }
0x62: {  	v4 =	vperm.xlane v3, v0;
	_ =	sdelay $0x1  }
0x63: {  	v3 =	vperm.xlane v3, v2;
	v4 =	vadd.s32 v1, v4;
	_ =	sdelay $0x1  }
0x64: {  	v3 =	vadd.s32 v1, v3;
	_ =	sdelay $0x1  }
0x65: {  	s26 =	sor.u32 $0x5000, s19  }
0x66: {  	[hbm4b:s5+s1] =	stream.indirect_vreg.scatter [tilespmem:s26], [sflag:$0x5], $0x80, v4, vm0, $0x2000b8;
	[tilespmem:$0x10100] =	vst v63  }
0x67: {  	s28 =	sor.u32 $0x5800, s19  }
0x68: {  	[hbm4b:s5+s1] =	stream.indirect_vreg.scatter [tilespmem:s28], [sflag:$0x5], $0x80, v3, vm0, $0x2000b8;
	[tilespmem:$0x10100] =	vst v63  }
0x69: {  	v3 =	vld [tilespmem:s20+$0x10060];
	_ =	sdelay $0x4  }
0x6a: {  	v62 =	vshll.u32 v3, $0x1  }
0x6b: {  	v3 =	vand.u32 $0x7, v3;
	v4 =	vand.u32 $0xFFFFFFF0, v62  }
0x6c: {  	v3 =	vor.u32 v3, v4  }
0x6d: {  	v4 =	vperm.xlane v3, v0;
	_ =	sdelay $0x1  }
0x6e: {  	v3 =	vperm.xlane v3, v2;
	v4 =	vadd.s32 v1, v4;
	_ =	sdelay $0x1  }
0x6f: {  	v3 =	vadd.s32 v1, v3;
	_ =	sdelay $0x1  }
0x70: {  	s29 =	sor.u32 $0x6000, s19  }
0x71: {  	[hbm4b:s5+s1] =	stream.indirect_vreg.scatter [tilespmem:s29], [sflag:$0x5], $0x80, v4, vm0, $0x2000b8;
	[tilespmem:$0x10100] =	vst v63  }
0x72: {  	s30 =	sor.u32 $0x6800, s19  }
0x73: {  	[hbm4b:s5+s1] =	stream.indirect_vreg.scatter [tilespmem:s30], [sflag:$0x5], $0x80, v3, vm0, $0x2000b8;
	[tilespmem:$0x10100] =	vst v63  }
0x74: {  	v3 =	vld [tilespmem:s20+$0x10070];
	_ =	sdelay $0x4  }
0x75: {  	v63 =	vshll.u32 v3, $0x1  }
0x76: {  	v3 =	vand.u32 $0x7, v3;
	v4 =	vand.u32 $0xFFFFFFF0, v63  }
0x77: {  	v3 =	vor.u32 v3, v4  }
0x78: {  	v4 =	vperm.xlane v3, v0;
	_ =	sdelay $0x1  }
0x79: {  	v3 =	vperm.xlane v3, v2;
	v4 =	vadd.s32 v1, v4;
	_ =	sdelay $0x1  }
0x7a: {  	v3 =	vadd.s32 v1, v3  }
0x7b: {  	p6 =	sne.s32 s18, s17  }
0x7c: {  	p2 =	por p0, p2;
	s18 =	simm.s32 $0x1;
	s31 =	sor.u32 $0x7000, s19  }
0x7d: {  	[hbm4b:s5+s1] =	stream.indirect_vreg.scatter [tilespmem:s31], [sflag:$0x5], $0x80, v4, vm0, $0x2000b8;
	[tilespmem:$0x10100] =	vst v63  }
0x7e: {  	s18 =	simm.s32 @!p2 $0x0;
	p0 =	por p0, p6;
	s19 =	sor.u32 $0x7800, s19  }
0x7f: {  	[hbm4b:s5+s1] =	stream.indirect_vreg.scatter [tilespmem:s19], [sflag:$0x5], $0x80, v3, vm0, $0x2000b8;
	[tilespmem:$0x10100] =	vst v63  }
.Ltmp3:
0x80: {  	p2 =	por $0x0, $0x0;
	s15 =	sadd.s32 s18, s15;
	(pc) =	sbr.rel @!p1 .LBB2_7-.Ltmp3, $4  }
0x81: {  	s18 =	smov.u32 s17;
	s20 =	simm.s32 $0x1;
	_ =	swait.ge [sflag:s11], $0x8000  }
0x82: {  	s20 =	simm.s32 @!p3 $0x0;
	s19 =	simm.s32 $0x1;
	[sflag:s11] =	ssyncset.done $0x0  }
0x83: {  	s16 =	sadd.s32 s20, s16;
	s19 =	simm.s32 @!p0 $0x0;
	[sflag:s11] =	ssyncadd.s32 $0xFFFF8000  }
0x84: {  	p0 =	por $0x1, $0x1;
	s13 =	sadd.s32 s19, s13;
	_ =	strace $0x90000050  }
.LBB2_2:
0x85: {  	s17 =	sadd.s32 $0x1, s18  }
0x86: {  	p1 =	seq.s32 s17, $0x2  }
0x87: {  	s17 =	simm.s32 @p1 $0x0  }
0x88: {  	s19 =	sadd.s32 s6, s18;
	s20 =	sadd.s32 s6, s17  }
0x89: {  	s19 =	sand.u32 $0xF, s19;
	s21 =	sand.u32 $0xF, s20  }
0x8a: {  	p1 =	por p2, p2;
	p2 =	sne.s32 s19, s21  }
0x8b: {  	p5 =	seq.s32 s18, s17;
	p4 =	por !p1, !p1;
	p3 =	por !p1, !p2  }
0x8c: {  	p5 =	por p4, p5;
	p3 =	por !p3, !p3  }
.Ltmp4:
0x8d: {  	s22 =	sand.u32 @p3 $0x1, s16;
	(pc) =	sbr.rel @!p5 .LBB2_3-.Ltmp4, $4  }
0x8e: {  	_ =	strace @p3 $0x8000004C;
	s21 =	sshll.u32 @p3 s21, $0xC;
	s24 =	simm.s32 @p3 $0x0  }
0x8f: {  	s23 =	sshll.u32 @p3 s22, $0xF;
	s22 =	sadd.s32 @p3 $0x1, s22;
	s21 =	sadd.s32 @p3 s3, s21  }
0x90: {  	[tilespmem:s23], [sflag:s22] =	stream.linear.gather @p3 [hbm4b:s21+s24], $0x8000, $0x200038;
	[tilespmem:$0x10100] =	vst v63  }
0x91: {  	_ =	strace @p3 $0x9000004C  }
0x92: {  	s20 =	sadd.s32 $0xF, s18;
	p5 =	seq.s32 s18, $0x0  }
0x93: {  	s20 =	simm.s32 @p5 $0x1  }
0x94: {  	s20 =	sadd.s32 s6, s20  }
0x95: {  	s20 =	sand.u32 $0xF, s20  }
0x96: {  	p6 =	seq.s32 s19, s20  }
0x97: {  	p4 =	por !p4, !p6  }
0x98: {  	p4 =	por !p4, !p4  }
.Ltmp5:
0x99: {  	_ = 	snop;
	(pc) =	sbr.rel @p4 .LBB2_6-.Ltmp5, $4  }
.Ltmp6:
0x9a: {  	_ = 	snop;
	(pc) =	sbr.rel @!p4 .LBB2_5-.Ltmp6, $4  }
0x9b: {  	_ = 	snop  }
0x9c: {  	_ = 	snop  }
0x9d: {  	_ = 	snop  }
0x9e: {  	_ = 	snop  }
.LBB2_8:
0x9f: {  	_ =	sfence.sel $0x180000  }
0xa0: {  	[bflag:$0x0] =	sbarrier.arrive $0xFFFF  }
0xa1: {  	p0 =	sne.s32 s2, $0x0;
	_ =	strace $0x9000004A  }
0xa2: {  	s0 =	sadd.s32 @!p0 $0x100000, s0;
	[bflag:$0x2] =	sbarrier.arrive $0xFFFF  }
0xa3: {  	[sflag:s0] =	ssyncadd.tile.s32 @!p0 $0x1;
	_ =	shalt  }
.Lfunc_end2:
_tile_overlayer_lowered:
.L_overlay_start_2:
0xa4: {  	(tag) =	ssettag $0x2  }
0xa5: {  	s0 =	rddreg [dreg:$0x0];
	s2 =	stileid.u32  }
0xa6: {  	s1 =	rddreg [dreg:$0x1];
	p0 =	sne.s32 s2, $0x0  }
0xa7: {  	s3 =	rddreg [dreg:$0x2];
	[bflag:$0x3] =	sbarrier.arrive $0xFFFF;
	s2 =	simm.s32 @!p0 $0x1C01  }
0xa8: {  	[timem:s3], [sflag:s2] =	dma.local @!p0 [hbm:s0], s1  }
0xa9: {  	s0 =	simm.s32 @!p0 $0x1  }
0xaa: {  	_ =	swait.ge @!p0 [sflag:s0], s1  }
0xab: {  	s1 =	ssub.s32 @!p0 $0x0, s1;
	[sflag:s0] =	ssyncset.done @!p0 $0x0  }
0xac: {  	[sflag:s0] =	ssyncadd.s32 @!p0 s1  }
0xad: {  	[bflag:$0x3] =	sbarrier.arrive $0xFFFF  }
0xae: {  	_ =	shalt  }

</sc_bundles>
